<compile_context>
chip_gen: v7x
topology: tpu7x:2x2x1
jax: 0.10.2.dev20260603
libtpu: 0.0.44.dev20260713+nightly
codegen_flags: <defaults>
</compile_context>

<pallas_src>
import functools

import jax
import jax.numpy as jnp
from jax import lax
from jax.experimental import pallas as pl
from jax.experimental.pallas import tpu as pltpu
from jax.experimental.pallas import tpu_sc as plsc

N = 10000
NP = 10112
E = 320000
F_IN = 128
HID = 128
C = 40
CP = 48

NC = 2
NS = 16
NW = NC * NS
EPW = E // NW
CH = 128
GRP = 8
NG = 10
ITERS = NG * GRP
EPWP = ITERS * CH
RPT = NP // NS


def _sc_aggregate(D, with_deg, tc_tiling):
    out_type = [jax.ShapeDtypeStruct((NC, NP, D), jnp.float32)]
    scratch = [
        pltpu.VMEM((2, 2, GRP, CH), jnp.int32),
        pltpu.VMEM((2, CH, D), jnp.float32),
        pltpu.VMEM_SHARED((NP, D), jnp.float32),
        pltpu.SemaphoreType.DMA,
        pltpu.SemaphoreType.DMA,
        pltpu.SemaphoreType.DMA,
        pltpu.SemaphoreType.DMA,
    ]
    if with_deg:
        out_type.append(jax.ShapeDtypeStruct((NC, NP), jnp.float32))
        scratch += [
            pltpu.VMEM((CH,), jnp.float32),
            pltpu.VMEM_SHARED((NP,), jnp.float32),
        ]

    mesh = plsc.VectorSubcoreMesh(
        core_axis_name="c", subcore_axis_name="s", num_cores=NC, num_subcores=NS
    )
    cp = pltpu.CompilerParams(use_tc_tiling_on_sc=tc_tiling)

    @functools.partial(pl.kernel, out_type=out_type, mesh=mesh, scratch_types=scratch,
                       compiler_params=cp)
    def agg(*refs):
        if with_deg:
            (table, srcw, dstw, zfeat, zdeg, onesh,
             part_out, deg_out,
             idxb, rows, acc, semr0, semr1, semi, semd, ones_v, dacc) = refs
        else:
            (table, srcw, dstw, zfeat,
             part_out,
             idxb, rows, acc, semr0, semr1, semi, semd) = refs

        c = lax.axis_index("c")
        s = lax.axis_index("s")
        w = s * NC + c
        blk0 = w * NG
        semr = (semr0, semr1)

        pltpu.sync_copy(srcw.at[blk0], idxb.at[0, 0])
        pltpu.sync_copy(dstw.at[blk0], idxb.at[0, 1])
        pltpu.async_copy(srcw.at[blk0 + 1], idxb.at[1, 0], semi)
        pltpu.async_copy(dstw.at[blk0 + 1], idxb.at[1, 1], semi)
        pltpu.async_copy(table.at[idxb.at[0, 0, 0]], rows.at[0], semr0)
        pltpu.async_copy(table.at[idxb.at[0, 0, 1]], rows.at[1], semr1)

        pltpu.sync_copy(zfeat.at[pl.ds(s * RPT, RPT)], acc.at[pl.ds(s * RPT, RPT)])
        if with_deg:
            pltpu.sync_copy(onesh, ones_v)

            @pl.when(s == 0)
            def _():
                pltpu.sync_copy(zdeg, dacc)

        plsc.subcore_barrier()

        def group(g, carry):
            half = lax.rem(g, 2)
            oh = 1 - half
            for j in range(GRP):
                b = j % 2
                pltpu.make_async_copy(table.at[idxb.at[half, 0, j]], rows.at[b],
                                      semr[b]).wait()
                pltpu.sync_copy(rows.at[b], acc.at[idxb.at[half, 1, j]], add=True)
                if with_deg:
                    if j > 0:
                        pltpu.make_async_copy(ones_v, dacc.at[idxb.at[half, 1, j - 1]],
                                              semd).wait()
                    pltpu.async_copy(ones_v, dacc.at[idxb.at[half, 1, j]], semd, add=True)
                if j < GRP - 2:
                    pltpu.async_copy(table.at[idxb.at[half, 0, j + 2]], rows.at[b],
                                     semr[b])
                else:
                    if j == GRP - 2:
                        @pl.when(g < NG - 1)
                        def _():
                            pltpu.make_async_copy(srcw.at[blk0 + g + 1],
                                                  idxb.at[oh, 0], semi).wait()
                            pltpu.make_async_copy(dstw.at[blk0 + g + 1],
                                                  idxb.at[oh, 1], semi).wait()

                    @pl.when(g < NG - 1)
                    def _():
                        pltpu.async_copy(table.at[idxb.at[oh, 0, j + 2 - GRP]],
                                         rows.at[b], semr[b])

            if with_deg:
                pltpu.make_async_copy(ones_v, dacc.at[idxb.at[half, 1, GRP - 1]],
                                      semd).wait()

            @pl.when(g < NG - 2)
            def _():
                pltpu.async_copy(srcw.at[blk0 + g + 2], idxb.at[half, 0], semi)
                pltpu.async_copy(dstw.at[blk0 + g + 2], idxb.at[half, 1], semi)
            return carry

        lax.fori_loop(0, NG, group, 0)
        plsc.subcore_barrier()

        pltpu.sync_copy(acc.at[pl.ds(s * RPT, RPT)], part_out.at[c, pl.ds(s * RPT, RPT)])
        if with_deg:
            @pl.when(s == 0)
            def _():
                pltpu.sync_copy(dacc, deg_out.at[c])

    return agg


def _tc_pre(x, wl, wr):
    B = 1264

    def body(x_ref, wl_ref, wr_ref, xt_ref, xr_ref):
        xb = x_ref[...]
        xt_ref[...] = jnp.dot(xb, wl_ref[...], preferred_element_type=jnp.float32)
        xr_ref[...] = jnp.dot(xb, wr_ref[...], preferred_element_type=jnp.float32)

    return pl.pallas_call(
        body,
        grid=(NP // B,),
        in_specs=[
            pl.BlockSpec((B, F_IN), lambda i: (i, 0)),
            pl.BlockSpec((F_IN, HID), lambda i: (0, 0)),
            pl.BlockSpec((F_IN, HID), lambda i: (0, 0)),
        ],
        out_specs=[pl.BlockSpec((B, HID), lambda i: (i, 0))] * 2,
        out_shape=[jax.ShapeDtypeStruct((NP, HID), jnp.float32)] * 2,
    )(x, wl, wr)


def _tc_mid(p0, p1, d0, d1, xr, b0, wl1, wr1, b1):
    B = 1264

    def body(p0_ref, p1_ref, d0_ref, d1_ref, xr_ref, b0_ref, wl_ref, wr_ref, b1_ref,
             ht_ref, hr_ref, inv_ref):
        inv = 1.0 / jnp.maximum(d0_ref[...] + d1_ref[...], 1.0)
        h = jnp.maximum((p0_ref[...] + p1_ref[...]) * inv + b0_ref[...] + xr_ref[...], 0.0)
        ht_ref[...] = jnp.dot(h, wl_ref[...], preferred_element_type=jnp.float32)
        hr_ref[...] = jnp.dot(h, wr_ref[...], preferred_element_type=jnp.float32) + b1_ref[...]
        inv_ref[...] = inv

    return pl.pallas_call(
        body,
        grid=(NP // B,),
        in_specs=[
            pl.BlockSpec((B, HID), lambda i: (i, 0)),
            pl.BlockSpec((B, HID), lambda i: (i, 0)),
            pl.BlockSpec((B, 1), lambda i: (i, 0)),
            pl.BlockSpec((B, 1), lambda i: (i, 0)),
            pl.BlockSpec((B, HID), lambda i: (i, 0)),
            pl.BlockSpec((1, HID), lambda i: (0, 0)),
            pl.BlockSpec((HID, CP), lambda i: (0, 0)),
            pl.BlockSpec((HID, CP), lambda i: (0, 0)),
            pl.BlockSpec((1, CP), lambda i: (0, 0)),
        ],
        out_specs=[
            pl.BlockSpec((B, CP), lambda i: (i, 0)),
            pl.BlockSpec((B, CP), lambda i: (i, 0)),
            pl.BlockSpec((B, 1), lambda i: (i, 0)),
        ],
        out_shape=[
            jax.ShapeDtypeStruct((NP, CP), jnp.float32),
            jax.ShapeDtypeStruct((NP, CP), jnp.float32),
            jax.ShapeDtypeStruct((NP, 1), jnp.float32),
        ],
    )(p0, p1, d0, d1, xr, b0, wl1, wr1, b1)


def _tc_post(q0, q1, inv, hr):
    B = 1264

    def body(q0_ref, q1_ref, inv_ref, hr_ref, o_ref):
        o_ref[...] = (q0_ref[...] + q1_ref[...]) * inv_ref[...] + hr_ref[...]

    return pl.pallas_call(
        body,
        grid=(NP // B,),
        in_specs=[
            pl.BlockSpec((B, CP), lambda i: (i, 0)),
            pl.BlockSpec((B, CP), lambda i: (i, 0)),
            pl.BlockSpec((B, 1), lambda i: (i, 0)),
            pl.BlockSpec((B, CP), lambda i: (i, 0)),
        ],
        out_specs=pl.BlockSpec((B, CP), lambda i: (i, 0)),
        out_shape=jax.ShapeDtypeStruct((NP, CP), jnp.float32),
    )(q0, q1, inv, hr)


def kernel(x, edge_index, W_l0, W_r0, b0, W_l1, W_r1, b1):
    pad = EPWP - EPW
    src = jnp.concatenate(
        [edge_index[0].reshape(NW, EPW), jnp.zeros((NW, pad), jnp.int32)], axis=1
    ).reshape(NW * NG, GRP, CH)
    padrows = N + jnp.arange(pad, dtype=jnp.int32) % (NP - N)
    dst = jnp.concatenate(
        [edge_index[1].reshape(NW, EPW), jnp.tile(padrows, (NW, 1))], axis=1
    ).reshape(NW * NG, GRP, CH)

    zfeat = jnp.zeros((NP, HID), jnp.float32)
    zfeat2 = jnp.zeros((NP, CP), jnp.float32)
    zdeg = jnp.zeros((NP,), jnp.float32)
    ones = jnp.ones((CH,), jnp.float32)

    wl1p = jnp.pad(W_l1, ((0, 0), (0, CP - C)))
    wr1p = jnp.pad(W_r1, ((0, 0), (0, CP - C)))
    b1p = jnp.pad(b1, (0, CP - C)).reshape(1, CP)

    xp = jnp.pad(x, ((0, NP - N), (0, 0)))
    xt, xr = _tc_pre(xp, W_l0, W_r0)
    parts, degp = _sc_aggregate(HID, True, True)(xt, src, dst, zfeat, zdeg, ones)

    ht, hr, inv = _tc_mid(
        parts[0], parts[1],
        degp[0].reshape(NP, 1), degp[1].reshape(NP, 1),
        xr, b0.reshape(1, HID), wl1p, wr1p, b1p,
    )

    parts2 = _sc_aggregate(CP, False, False)(ht, src, dst, zfeat2)[0]
    out = _tc_post(parts2[0], parts2[1], inv, hr)
    return out[:N, :C]

# --- scband reference (transcript-rebuilt; emitter-appended) ---
"""Pipeline reference for scband-sage-31585189494988 (READ-ONLY COPY).

The authoritative reference and input builder live on the scoring server;
editing this copy changes nothing except your own understanding.
"""

import jax, jax.numpy as jnp
import numpy as np

N = 10000
E = 320000
F_IN = 128
H = 128
C = 40


def _glorot(key, fan_in, fan_out):
    limit = np.sqrt(6.0 / (fan_in + fan_out))
    return jax.random.uniform(key, (fan_in, fan_out), dtype=jnp.float32, minval=-limit, maxval=limit)


def setup_inputs(seed: int = 0) -> dict:
    key = jax.random.key(seed)
    ks = jax.random.split(key, 8)
    x = jax.random.normal(ks[0], (N, F_IN), dtype=jnp.float32)
    edge_index = jax.random.randint(ks[1], (2, E), 0, N, dtype=jnp.int32)
    # Layer 0: SAGEConv(F_IN -> H). lin_l (neighbor agg, with bias), lin_r (root, no bias)
    W_l0 = _glorot(ks[2], F_IN, H)
    b0 = jnp.zeros((H,), dtype=jnp.float32)
    W_r0 = _glorot(ks[3], F_IN, H)
    # Layer 1: SAGEConv(H -> C)
    W_l1 = _glorot(ks[4], H, C)
    b1 = jnp.zeros((C,), dtype=jnp.float32)
    W_r1 = _glorot(ks[5], H, C)
    return {"x": x, "edge_index": edge_index, "W_l0": W_l0, "W_r0": W_r0, "b0": b0,
            "W_l1": W_l1, "W_r1": W_r1, "b1": b1}


def _sage_conv(x, edge_index, W_l, W_r, b):
    # PyG SAGEConv with aggr='mean', root_weight=True, normalize=False:
    #   out = lin_l(mean_{j in N(i)} x_j) + lin_r(x_i)
    src = edge_index[0]
    dst = edge_index[1]
    msgs = jnp.take(x, src, axis=0)
    agg = jax.ops.segment_sum(msgs, dst, num_segments=N)
    deg = jax.ops.segment_sum(jnp.ones((E,), dtype=x.dtype), dst, num_segments=N)
    agg = agg / jnp.maximum(deg, 1.0)[:, None]
    return agg @ W_l + b + x @ W_r


def reference(x, edge_index, W_l0, W_r0, b0, W_l1, W_r1, b1):
    # eval mode: dropout is identity
    h = _sage_conv(x, edge_index, W_l0, W_r0, b0)
    h = jax.nn.relu(h)
    out = _sage_conv(h, edge_index, W_l1, W_r1, b1)
    return out

if __name__ == "__main__":
    import jax
    _d = setup_inputs()
    print(jax.jit(kernel)(*tuple(_d.values())))

</pallas_src>

<mosaic_0001>
#map = affine_map<(d0, d1) -> (0, 0)>
#map1 = affine_map<(d0, d1) -> (0, 0, 0)>
#map2 = affine_map<(d0, d1) -> (0)>
module attributes {stable_mosaic.version = 14 : i64} {
  func.func @agg(%arg0: i32, %arg1: i32, %arg2: memref<10112x128xf32, #tpu.memory_space<hbm>>, %arg3: memref<320x8x128xi32, #tpu.memory_space<hbm>>, %arg4: memref<320x8x128xi32, #tpu.memory_space<hbm>>, %arg5: memref<10112x128xf32, #tpu.memory_space<hbm>>, %arg6: memref<10112xf32, #tpu.memory_space<hbm>>, %arg7: memref<128xf32, #tpu.memory_space<hbm>>, %arg8: memref<2x10112x128xf32, #tpu.memory_space<hbm>>, %arg9: memref<2x10112xf32, #tpu.memory_space<hbm>>, %arg10: memref<2x2x8x128xi32, #tpu.memory_space<vmem>>, %arg11: memref<2x128x128xf32, #tpu.memory_space<vmem>>, %arg12: memref<10112x128xf32, #tpu.memory_space<vmem_shared>>, %arg13: memref<!tpu.dma_semaphore, #tpu.memory_space<semaphore_mem>>, %arg14: memref<!tpu.dma_semaphore, #tpu.memory_space<semaphore_mem>>, %arg15: memref<!tpu.dma_semaphore, #tpu.memory_space<semaphore_mem>>, %arg16: memref<!tpu.dma_semaphore, #tpu.memory_space<semaphore_mem>>, %arg17: memref<128xf32, #tpu.memory_space<vmem>>, %arg18: memref<10112xf32, #tpu.memory_space<vmem_shared>>) attributes {dimension_semantics = [#tpu.dimension_semantics<core_parallel>, #tpu.dimension_semantics<subcore_parallel>], iteration_bounds = array<i64: 2, 16>, scalar_prefetch = 0 : i64, scratch_operands = 9 : i64, tpu.core_type = #tpu.core_type<sc_vector_subcore>, window_params = [{transform_indices = #map}, {transform_indices = #map1}, {transform_indices = #map1}, {transform_indices = #map}, {transform_indices = #map2}, {transform_indices = #map2}, {transform_indices = #map1}, {transform_indices = #map}]} {
    %mul3A = arith.constant 2 : i32
    %mul3A_0 = arith.muli %arg1, %mul3A : i32
    %add3A = arith.addi %mul3A_0, %arg0 : i32
    %mul3A_1 = arith.constant 10 : i32
    %mul3A_2 = arith.muli %add3A, %mul3A_1 : i32
    %run_scoped3A = arith.constant 0 : i32
    %run_scoped3A_3 = arith.constant 0 : i32
    "tpu.region"() ({
      %run_scoped3A_94 = tpu.sem_alloc : memref<!tpu.dma_semaphore, #tpu.memory_space<semaphore_mem>>
      %dma_start3A_95 = arith.constant 0 : i32
      %dma_start3A_96 = arith.constant 0 : i32
      %dma_start3A_97 = tpu.memref_slice %arg10[%run_scoped3A, %run_scoped3A_3, %dma_start3A_95, %dma_start3A_96] : memref<2x2x8x128xi32, #tpu.memory_space<vmem>> -> memref<1x1x8x128xi32, #tpu.memory_space<vmem>>
      %dma_start3A_98 = tpu.memref_squeeze %dma_start3A_97 : memref<1x1x8x128xi32, #tpu.memory_space<vmem>> -> memref<8x128xi32, #tpu.memory_space<vmem>>
      %dma_start3A_99 = arith.constant 0 : i32
      %dma_start3A_100 = arith.constant 0 : i32
      %dma_start3A_101 = tpu.memref_slice %arg3[%mul3A_2, %dma_start3A_99, %dma_start3A_100] : memref<320x8x128xi32, #tpu.memory_space<hbm>> -> memref<1x8x128xi32, #tpu.memory_space<hbm>>
      %dma_start3A_102 = tpu.memref_squeeze %dma_start3A_101 : memref<1x8x128xi32, #tpu.memory_space<hbm>> -> memref<8x128xi32, #tpu.memory_space<hbm>>
      %dma_start3A_103 = arith.constant 0 : i32
      %dma_start3A_104 = arith.constant 0 : i32
      %dma_start3A_105 = tpu.memref_slice %arg10[%run_scoped3A, %run_scoped3A_3, %dma_start3A_103, %dma_start3A_104] : memref<2x2x8x128xi32, #tpu.memory_space<vmem>> -> memref<1x1x8x128xi32, #tpu.memory_space<vmem>>
      %dma_start3A_106 = tpu.memref_squeeze %dma_start3A_105 : memref<1x1x8x128xi32, #tpu.memory_space<vmem>> -> memref<8x128xi32, #tpu.memory_space<vmem>>
      %dma_start3A_107 = arith.constant 0 : i32
      %dma_start3A_108 = arith.constant 0 : i32
      %dma_start3A_109 = tpu.memref_slice %arg3[%mul3A_2, %dma_start3A_107, %dma_start3A_108] : memref<320x8x128xi32, #tpu.memory_space<hbm>> -> memref<1x8x128xi32, #tpu.memory_space<hbm>>
      %dma_start3A_110 = tpu.memref_squeeze %dma_start3A_109 : memref<1x8x128xi32, #tpu.memory_space<hbm>> -> memref<8x128xi32, #tpu.memory_space<hbm>>
      tpu.enqueue_dma source(%dma_start3A_110 : memref<8x128xi32, #tpu.memory_space<hbm>>) target(%dma_start3A_106 : memref<8x128xi32, #tpu.memory_space<vmem>>) target_semaphore(%run_scoped3A_94 : memref<!tpu.dma_semaphore, #tpu.memory_space<semaphore_mem>>)
      %dma_wait3A = arith.constant 0 : i32
      %dma_wait3A_111 = arith.constant 0 : i32
      %dma_wait3A_112 = tpu.memref_slice %arg10[%run_scoped3A, %run_scoped3A_3, %dma_wait3A, %dma_wait3A_111] : memref<2x2x8x128xi32, #tpu.memory_space<vmem>> -> memref<1x1x8x128xi32, #tpu.memory_space<vmem>>
      %dma_wait3A_113 = tpu.memref_squeeze %dma_wait3A_112 : memref<1x1x8x128xi32, #tpu.memory_space<vmem>> -> memref<8x128xi32, #tpu.memory_space<vmem>>
      %dma_wait3A_114 = arith.constant 0 : i32
      %dma_wait3A_115 = arith.constant 0 : i32
      %dma_wait3A_116 = tpu.memref_slice %arg3[%mul3A_2, %dma_wait3A_114, %dma_wait3A_115] : memref<320x8x128xi32, #tpu.memory_space<hbm>> -> memref<1x8x128xi32, #tpu.memory_space<hbm>>
      %dma_wait3A_117 = tpu.memref_squeeze %dma_wait3A_116 : memref<1x8x128xi32, #tpu.memory_space<hbm>> -> memref<8x128xi32, #tpu.memory_space<hbm>>
      %dma_wait3A_118 = arith.constant 0 : i32
      %dma_wait3A_119 = arith.constant 0 : i32
      %dma_wait3A_120 = tpu.memref_slice %arg10[%run_scoped3A, %run_scoped3A_3, %dma_wait3A_118, %dma_wait3A_119] : memref<2x2x8x128xi32, #tpu.memory_space<vmem>> -> memref<1x1x8x128xi32, #tpu.memory_space<vmem>>
      %dma_wait3A_121 = tpu.memref_squeeze %dma_wait3A_120 : memref<1x1x8x128xi32, #tpu.memory_space<vmem>> -> memref<8x128xi32, #tpu.memory_space<vmem>>
      %dma_wait3A_122 = arith.constant 0 : i32
      %dma_wait3A_123 = arith.constant 0 : i32
      %dma_wait3A_124 = tpu.memref_slice %arg3[%mul3A_2, %dma_wait3A_122, %dma_wait3A_123] : memref<320x8x128xi32, #tpu.memory_space<hbm>> -> memref<1x8x128xi32, #tpu.memory_space<hbm>>
      %dma_wait3A_125 = tpu.memref_squeeze %dma_wait3A_124 : memref<1x8x128xi32, #tpu.memory_space<hbm>> -> memref<8x128xi32, #tpu.memory_space<hbm>>
      tpu.wait_dma2 semaphore(%run_scoped3A_94 : memref<!tpu.dma_semaphore, #tpu.memory_space<semaphore_mem>>) src(%dma_wait3A_125 : memref<8x128xi32, #tpu.memory_space<hbm>>) dst(%dma_wait3A_121 : memref<8x128xi32, #tpu.memory_space<vmem>>)
      tpu.yield
    }) : () -> ()
    %run_scoped3A_4 = arith.constant 0 : i32
    %run_scoped3A_5 = arith.constant 1 : i32
    "tpu.region"() ({
      %run_scoped3A_94 = tpu.sem_alloc : memref<!tpu.dma_semaphore, #tpu.memory_space<semaphore_mem>>
      %dma_start3A_95 = arith.constant 0 : i32
      %dma_start3A_96 = arith.constant 0 : i32
      %dma_start3A_97 = tpu.memref_slice %arg10[%run_scoped3A_4, %run_scoped3A_5, %dma_start3A_95, %dma_start3A_96] : memref<2x2x8x128xi32, #tpu.memory_space<vmem>> -> memref<1x1x8x128xi32, #tpu.memory_space<vmem>>
      %dma_start3A_98 = tpu.memref_squeeze %dma_start3A_97 : memref<1x1x8x128xi32, #tpu.memory_space<vmem>> -> memref<8x128xi32, #tpu.memory_space<vmem>>
      %dma_start3A_99 = arith.constant 0 : i32
      %dma_start3A_100 = arith.constant 0 : i32
      %dma_start3A_101 = tpu.memref_slice %arg4[%mul3A_2, %dma_start3A_99, %dma_start3A_100] : memref<320x8x128xi32, #tpu.memory_space<hbm>> -> memref<1x8x128xi32, #tpu.memory_space<hbm>>
      %dma_start3A_102 = tpu.memref_squeeze %dma_start3A_101 : memref<1x8x128xi32, #tpu.memory_space<hbm>> -> memref<8x128xi32, #tpu.memory_space<hbm>>
      %dma_start3A_103 = arith.constant 0 : i32
      %dma_start3A_104 = arith.constant 0 : i32
      %dma_start3A_105 = tpu.memref_slice %arg10[%run_scoped3A_4, %run_scoped3A_5, %dma_start3A_103, %dma_start3A_104] : memref<2x2x8x128xi32, #tpu.memory_space<vmem>> -> memref<1x1x8x128xi32, #tpu.memory_space<vmem>>
      %dma_start3A_106 = tpu.memref_squeeze %dma_start3A_105 : memref<1x1x8x128xi32, #tpu.memory_space<vmem>> -> memref<8x128xi32, #tpu.memory_space<vmem>>
      %dma_start3A_107 = arith.constant 0 : i32
      %dma_start3A_108 = arith.constant 0 : i32
      %dma_start3A_109 = tpu.memref_slice %arg4[%mul3A_2, %dma_start3A_107, %dma_start3A_108] : memref<320x8x128xi32, #tpu.memory_space<hbm>> -> memref<1x8x128xi32, #tpu.memory_space<hbm>>
      %dma_start3A_110 = tpu.memref_squeeze %dma_start3A_109 : memref<1x8x128xi32, #tpu.memory_space<hbm>> -> memref<8x128xi32, #tpu.memory_space<hbm>>
      tpu.enqueue_dma source(%dma_start3A_110 : memref<8x128xi32, #tpu.memory_space<hbm>>) target(%dma_start3A_106 : memref<8x128xi32, #tpu.memory_space<vmem>>) target_semaphore(%run_scoped3A_94 : memref<!tpu.dma_semaphore, #tpu.memory_space<semaphore_mem>>)
      %dma_wait3A = arith.constant 0 : i32
      %dma_wait3A_111 = arith.constant 0 : i32
      %dma_wait3A_112 = tpu.memref_slice %arg10[%run_scoped3A_4, %run_scoped3A_5, %dma_wait3A, %dma_wait3A_111] : memref<2x2x8x128xi32, #tpu.memory_space<vmem>> -> memref<1x1x8x128xi32, #tpu.memory_space<vmem>>
      %dma_wait3A_113 = tpu.memref_squeeze %dma_wait3A_112 : memref<1x1x8x128xi32, #tpu.memory_space<vmem>> -> memref<8x128xi32, #tpu.memory_space<vmem>>
      %dma_wait3A_114 = arith.constant 0 : i32
      %dma_wait3A_115 = arith.constant 0 : i32
      %dma_wait3A_116 = tpu.memref_slice %arg4[%mul3A_2, %dma_wait3A_114, %dma_wait3A_115] : memref<320x8x128xi32, #tpu.memory_space<hbm>> -> memref<1x8x128xi32, #tpu.memory_space<hbm>>
      %dma_wait3A_117 = tpu.memref_squeeze %dma_wait3A_116 : memref<1x8x128xi32, #tpu.memory_space<hbm>> -> memref<8x128xi32, #tpu.memory_space<hbm>>
      %dma_wait3A_118 = arith.constant 0 : i32
      %dma_wait3A_119 = arith.constant 0 : i32
      %dma_wait3A_120 = tpu.memref_slice %arg10[%run_scoped3A_4, %run_scoped3A_5, %dma_wait3A_118, %dma_wait3A_119] : memref<2x2x8x128xi32, #tpu.memory_space<vmem>> -> memref<1x1x8x128xi32, #tpu.memory_space<vmem>>
      %dma_wait3A_121 = tpu.memref_squeeze %dma_wait3A_120 : memref<1x1x8x128xi32, #tpu.memory_space<vmem>> -> memref<8x128xi32, #tpu.memory_space<vmem>>
      %dma_wait3A_122 = arith.constant 0 : i32
      %dma_wait3A_123 = arith.constant 0 : i32
      %dma_wait3A_124 = tpu.memref_slice %arg4[%mul3A_2, %dma_wait3A_122, %dma_wait3A_123] : memref<320x8x128xi32, #tpu.memory_space<hbm>> -> memref<1x8x128xi32, #tpu.memory_space<hbm>>
      %dma_wait3A_125 = tpu.memref_squeeze %dma_wait3A_124 : memref<1x8x128xi32, #tpu.memory_space<hbm>> -> memref<8x128xi32, #tpu.memory_space<hbm>>
      tpu.wait_dma2 semaphore(%run_scoped3A_94 : memref<!tpu.dma_semaphore, #tpu.memory_space<semaphore_mem>>) src(%dma_wait3A_125 : memref<8x128xi32, #tpu.memory_space<hbm>>) dst(%dma_wait3A_121 : memref<8x128xi32, #tpu.memory_space<vmem>>)
      tpu.yield
    }) : () -> ()
    %add3A_6 = arith.constant 1 : i32
    %add3A_7 = arith.addi %mul3A_2, %add3A_6 : i32
    %dma_start3A = arith.constant 1 : i32
    %dma_start3A_8 = arith.constant 0 : i32
    %dma_start3A_9 = arith.constant 0 : i32
    %dma_start3A_10 = arith.constant 0 : i32
    %dma_start3A_11 = tpu.memref_slice %arg10[%dma_start3A, %dma_start3A_8, %dma_start3A_9, %dma_start3A_10] : memref<2x2x8x128xi32, #tpu.memory_space<vmem>> -> memref<1x1x8x128xi32, #tpu.memory_space<vmem>>
    %dma_start3A_12 = tpu.memref_squeeze %dma_start3A_11 : memref<1x1x8x128xi32, #tpu.memory_space<vmem>> -> memref<8x128xi32, #tpu.memory_space<vmem>>
    %dma_start3A_13 = arith.constant 0 : i32
    %dma_start3A_14 = arith.constant 0 : i32
    %dma_start3A_15 = tpu.memref_slice %arg3[%add3A_7, %dma_start3A_13, %dma_start3A_14] : memref<320x8x128xi32, #tpu.memory_space<hbm>> -> memref<1x8x128xi32, #tpu.memory_space<hbm>>
    %dma_start3A_16 = tpu.memref_squeeze %dma_start3A_15 : memref<1x8x128xi32, #tpu.memory_space<hbm>> -> memref<8x128xi32, #tpu.memory_space<hbm>>
    %dma_start3A_17 = arith.constant 0 : i32
    %dma_start3A_18 = arith.constant 0 : i32
    %dma_start3A_19 = tpu.memref_slice %arg10[%dma_start3A, %dma_start3A_8, %dma_start3A_17, %dma_start3A_18] : memref<2x2x8x128xi32, #tpu.memory_space<vmem>> -> memref<1x1x8x128xi32, #tpu.memory_space<vmem>>
    %dma_start3A_20 = tpu.memref_squeeze %dma_start3A_19 : memref<1x1x8x128xi32, #tpu.memory_space<vmem>> -> memref<8x128xi32, #tpu.memory_space<vmem>>
    %dma_start3A_21 = arith.constant 0 : i32
    %dma_start3A_22 = arith.constant 0 : i32
    %dma_start3A_23 = tpu.memref_slice %arg3[%add3A_7, %dma_start3A_21, %dma_start3A_22] : memref<320x8x128xi32, #tpu.memory_space<hbm>> -> memref<1x8x128xi32, #tpu.memory_space<hbm>>
    %dma_start3A_24 = tpu.memref_squeeze %dma_start3A_23 : memref<1x8x128xi32, #tpu.memory_space<hbm>> -> memref<8x128xi32, #tpu.memory_space<hbm>>
    tpu.enqueue_dma source(%dma_start3A_24 : memref<8x128xi32, #tpu.memory_space<hbm>>) target(%dma_start3A_20 : memref<8x128xi32, #tpu.memory_space<vmem>>) target_semaphore(%arg15 : memref<!tpu.dma_semaphore, #tpu.memory_space<semaphore_mem>>)
    %add3A_25 = arith.constant 1 : i32
    %add3A_26 = arith.addi %mul3A_2, %add3A_25 : i32
    %dma_start3A_27 = arith.constant 1 : i32
    %dma_start3A_28 = arith.constant 1 : i32
    %dma_start3A_29 = arith.constant 0 : i32
    %dma_start3A_30 = arith.constant 0 : i32
    %dma_start3A_31 = tpu.memref_slice %arg10[%dma_start3A_27, %dma_start3A_28, %dma_start3A_29, %dma_start3A_30] : memref<2x2x8x128xi32, #tpu.memory_space<vmem>> -> memref<1x1x8x128xi32, #tpu.memory_space<vmem>>
    %dma_start3A_32 = tpu.memref_squeeze %dma_start3A_31 : memref<1x1x8x128xi32, #tpu.memory_space<vmem>> -> memref<8x128xi32, #tpu.memory_space<vmem>>
    %dma_start3A_33 = arith.constant 0 : i32
    %dma_start3A_34 = arith.constant 0 : i32
    %dma_start3A_35 = tpu.memref_slice %arg4[%add3A_26, %dma_start3A_33, %dma_start3A_34] : memref<320x8x128xi32, #tpu.memory_space<hbm>> -> memref<1x8x128xi32, #tpu.memory_space<hbm>>
    %dma_start3A_36 = tpu.memref_squeeze %dma_start3A_35 : memref<1x8x128xi32, #tpu.memory_space<hbm>> -> memref<8x128xi32, #tpu.memory_space<hbm>>
    %dma_start3A_37 = arith.constant 0 : i32
    %dma_start3A_38 = arith.constant 0 : i32
    %dma_start3A_39 = tpu.memref_slice %arg10[%dma_start3A_27, %dma_start3A_28, %dma_start3A_37, %dma_start3A_38] : memref<2x2x8x128xi32, #tpu.memory_space<vmem>> -> memref<1x1x8x128xi32, #tpu.memory_space<vmem>>
    %dma_start3A_40 = tpu.memref_squeeze %dma_start3A_39 : memref<1x1x8x128xi32, #tpu.memory_space<vmem>> -> memref<8x128xi32, #tpu.memory_space<vmem>>
    %dma_start3A_41 = arith.constant 0 : i32
    %dma_start3A_42 = arith.constant 0 : i32
    %dma_start3A_43 = tpu.memref_slice %arg4[%add3A_26, %dma_start3A_41, %dma_start3A_42] : memref<320x8x128xi32, #tpu.memory_space<hbm>> -> memref<1x8x128xi32, #tpu.memory_space<hbm>>
    %dma_start3A_44 = tpu.memref_squeeze %dma_start3A_43 : memref<1x8x128xi32, #tpu.memory_space<hbm>> -> memref<8x128xi32, #tpu.memory_space<hbm>>
    tpu.enqueue_dma source(%dma_start3A_44 : memref<8x128xi32, #tpu.memory_space<hbm>>) target(%dma_start3A_40 : memref<8x128xi32, #tpu.memory_space<vmem>>) target_semaphore(%arg15 : memref<!tpu.dma_semaphore, #tpu.memory_space<semaphore_mem>>)
    %dma_start3A_45 = arith.constant 0 : i32
    %dma_start3A_46 = arith.constant 0 : i32
    %dma_start3A_47 = arith.constant 0 : i32
    %dma_start3A_48 = arith.constant 0 : i32
    %dma_start3A_49 = arith.constant 0 : i32
    %dma_start3A_50 = arith.constant 0 : i32
    %dma_start3A_51 = tpu.memref_slice %arg11[%dma_start3A_48, %dma_start3A_49, %dma_start3A_50] : memref<2x128x128xf32, #tpu.memory_space<vmem>> -> memref<1x128x128xf32, #tpu.memory_space<vmem>>
    %dma_start3A_52 = tpu.memref_squeeze %dma_start3A_51 : memref<1x128x128xf32, #tpu.memory_space<vmem>> -> memref<128x128xf32, #tpu.memory_space<vmem>>
    %dma_start3A_53 = arith.constant 0 : i32
    %dma_start3A_54 = tpu.memref_slice %arg10[%dma_start3A_45, %dma_start3A_46, %dma_start3A_47, %dma_start3A_53] : memref<2x2x8x128xi32, #tpu.memory_space<vmem>> -> memref<1x1x1x128xi32, #tpu.memory_space<vmem>>
    %dma_start3A_55 = tpu.memref_squeeze %dma_start3A_54 : memref<1x1x1x128xi32, #tpu.memory_space<vmem>> -> memref<128xi32, #tpu.memory_space<vmem>>
    %dma_start3A_56 = arith.constant 0 : i32
    %dma_start3A_57 = arith.constant 0 : i32
    %dma_start3A_58 = tpu.memref_slice %arg2[%dma_start3A_56, %dma_start3A_57] : memref<10112x128xf32, #tpu.memory_space<hbm>> -> memref<10112x128xf32, #tpu.memory_space<hbm>>
    tpu.enqueue_indirect_dma source(%dma_start3A_58 : memref<10112x128xf32, #tpu.memory_space<hbm>>) target(%dma_start3A_52 : memref<128x128xf32, #tpu.memory_space<vmem>>) offsets(%dma_start3A_55 : memref<128xi32, #tpu.memory_space<vmem>>) semaphore(%arg13 : memref<!tpu.dma_semaphore, #tpu.memory_space<semaphore_mem>>)
    %dma_start3A_59 = arith.constant 0 : i32
    %dma_start3A_60 = arith.constant 0 : i32
    %dma_start3A_61 = arith.constant 1 : i32
    %dma_start3A_62 = arith.constant 1 : i32
    %dma_start3A_63 = arith.constant 0 : i32
    %dma_start3A_64 = arith.constant 0 : i32
    %dma_start3A_65 = tpu.memref_slice %arg11[%dma_start3A_62, %dma_start3A_63, %dma_start3A_64] : memref<2x128x128xf32, #tpu.memory_space<vmem>> -> memref<1x128x128xf32, #tpu.memory_space<vmem>>
    %dma_start3A_66 = tpu.memref_squeeze %dma_start3A_65 : memref<1x128x128xf32, #tpu.memory_space<vmem>> -> memref<128x128xf32, #tpu.memory_space<vmem>>
    %dma_start3A_67 = arith.constant 0 : i32
    %dma_start3A_68 = tpu.memref_slice %arg10[%dma_start3A_59, %dma_start3A_60, %dma_start3A_61, %dma_start3A_67] : memref<2x2x8x128xi32, #tpu.memory_space<vmem>> -> memref<1x1x1x128xi32, #tpu.memory_space<vmem>>
    %dma_start3A_69 = tpu.memref_squeeze %dma_start3A_68 : memref<1x1x1x128xi32, #tpu.memory_space<vmem>> -> memref<128xi32, #tpu.memory_space<vmem>>
    %dma_start3A_70 = arith.constant 0 : i32
    %dma_start3A_71 = arith.constant 0 : i32
    %dma_start3A_72 = tpu.memref_slice %arg2[%dma_start3A_70, %dma_start3A_71] : memref<10112x128xf32, #tpu.memory_space<hbm>> -> memref<10112x128xf32, #tpu.memory_space<hbm>>
    tpu.enqueue_indirect_dma source(%dma_start3A_72 : memref<10112x128xf32, #tpu.memory_space<hbm>>) target(%dma_start3A_66 : memref<128x128xf32, #tpu.memory_space<vmem>>) offsets(%dma_start3A_69 : memref<128xi32, #tpu.memory_space<vmem>>) semaphore(%arg14 : memref<!tpu.dma_semaphore, #tpu.memory_space<semaphore_mem>>)
    %mul3A_73 = arith.constant 632 : i32
    %mul3A_74 = arith.muli %arg1, %mul3A_73 : i32
    %mul3A_75 = arith.constant 632 : i32
    %mul3A_76 = arith.muli %arg1, %mul3A_75 : i32
    "tpu.region"() ({
      %run_scoped3A_94 = tpu.sem_alloc : memref<!tpu.dma_semaphore, #tpu.memory_space<semaphore_mem>>
      %dma_start3A_95 = arith.constant 0 : i32
      %dma_start3A_96 = tpu.memref_slice %arg12[%mul3A_76, %dma_start3A_95] : memref<10112x128xf32, #tpu.memory_space<vmem_shared>> -> memref<632x128xf32, #tpu.memory_space<vmem_shared>>
      %dma_start3A_97 = arith.constant 0 : i32
      %dma_start3A_98 = tpu.memref_slice %arg5[%mul3A_74, %dma_start3A_97] : memref<10112x128xf32, #tpu.memory_space<hbm>> -> memref<632x128xf32, #tpu.memory_space<hbm>>
      tpu.enqueue_dma source(%dma_start3A_98 : memref<632x128xf32, #tpu.memory_space<hbm>>) target(%dma_start3A_96 : memref<632x128xf32, #tpu.memory_space<vmem_shared>>) target_semaphore(%run_scoped3A_94 : memref<!tpu.dma_semaphore, #tpu.memory_space<semaphore_mem>>)
      %dma_wait3A = arith.constant 0 : i32
      %dma_wait3A_99 = tpu.memref_slice %arg12[%mul3A_76, %dma_wait3A] : memref<10112x128xf32, #tpu.memory_space<vmem_shared>> -> memref<632x128xf32, #tpu.memory_space<vmem_shared>>
      %dma_wait3A_100 = arith.constant 0 : i32
      %dma_wait3A_101 = tpu.memref_slice %arg5[%mul3A_74, %dma_wait3A_100] : memref<10112x128xf32, #tpu.memory_space<hbm>> -> memref<632x128xf32, #tpu.memory_space<hbm>>
      tpu.wait_dma2 semaphore(%run_scoped3A_94 : memref<!tpu.dma_semaphore, #tpu.memory_space<semaphore_mem>>) src(%dma_wait3A_101 : memref<632x128xf32, #tpu.memory_space<hbm>>) dst(%dma_wait3A_99 : memref<632x128xf32, #tpu.memory_space<vmem_shared>>)
      tpu.yield
    }) : () -> ()
    "tpu.region"() ({
      %run_scoped3A_94 = tpu.sem_alloc : memref<!tpu.dma_semaphore, #tpu.memory_space<semaphore_mem>>
      tpu.enqueue_dma source(%arg7 : memref<128xf32, #tpu.memory_space<hbm>>) target(%arg17 : memref<128xf32, #tpu.memory_space<vmem>>) target_semaphore(%run_scoped3A_94 : memref<!tpu.dma_semaphore, #tpu.memory_space<semaphore_mem>>)
      tpu.wait_dma2 semaphore(%run_scoped3A_94 : memref<!tpu.dma_semaphore, #tpu.memory_space<semaphore_mem>>) src(%arg7 : memref<128xf32, #tpu.memory_space<hbm>>) dst(%arg17 : memref<128xf32, #tpu.memory_space<vmem>>)
      tpu.yield
    }) : () -> ()
    %eq3A = arith.constant 0 : i32
    %eq3A_77 = arith.cmpi eq, %arg1, %eq3A : i32
    %convert_element_type3A = arith.extui %eq3A_77 : i1 to i32
    %cond3A = arith.constant 0 : i32
    %cond3A_78 = arith.cmpi ne, %convert_element_type3A, %cond3A : i32
    scf.if %cond3A_78 {
      "tpu.region"() ({
        %run_scoped3A_94 = tpu.sem_alloc : memref<!tpu.dma_semaphore, #tpu.memory_space<semaphore_mem>>
        tpu.enqueue_dma source(%arg6 : memref<10112xf32, #tpu.memory_space<hbm>>) target(%arg18 : memref<10112xf32, #tpu.memory_space<vmem_shared>>) target_semaphore(%run_scoped3A_94 : memref<!tpu.dma_semaphore, #tpu.memory_space<semaphore_mem>>)
        tpu.wait_dma2 semaphore(%run_scoped3A_94 : memref<!tpu.dma_semaphore, #tpu.memory_space<semaphore_mem>>) src(%arg6 : memref<10112xf32, #tpu.memory_space<hbm>>) dst(%arg18 : memref<10112xf32, #tpu.memory_space<vmem_shared>>)
        tpu.yield
      }) : () -> ()
    } else {
    }
    %barrier3A = arith.constant 0 : index
    tpu.barrier barrier_id(%barrier3A)
    %scan3A = arith.constant 0 : i32
    %scan3A_79 = arith.constant 0 : i32
    %scan3A_80 = arith.constant 10 : i32
    %scan3A_81 = arith.addi %scan3A_79, %scan3A_80 : i32
    %scan3A_82 = arith.constant 1 : i32
    scf.for %scan3A_94 = %scan3A_79 to %scan3A_81 step %scan3A_82  : i32 {
      %rem3A = arith.constant 2 : i32
      %rem3A_95 = arith.remsi %scan3A_94, %rem3A : i32
      %sub3A = arith.constant 1 : i32
      %sub3A_96 = arith.subi %sub3A, %rem3A_95 : i32
      %dma_wait3A = arith.constant 0 : i32
      %dma_wait3A_97 = arith.constant 0 : i32
      %dma_wait3A_98 = arith.constant 0 : i32
      %dma_wait3A_99 = arith.constant 0 : i32
      %dma_wait3A_100 = arith.constant 0 : i32
      %dma_wait3A_101 = tpu.memref_slice %arg11[%dma_wait3A_98, %dma_wait3A_99, %dma_wait3A_100] : memref<2x128x128xf32, #tpu.memory_space<vmem>> -> memref<1x128x128xf32, #tpu.memory_space<vmem>>
      %dma_wait3A_102 = tpu.memref_squeeze %dma_wait3A_101 : memref<1x128x128xf32, #tpu.memory_space<vmem>> -> memref<128x128xf32, #tpu.memory_space<vmem>>
      %dma_wait3A_103 = arith.constant 0 : i32
      %dma_wait3A_104 = tpu.memref_slice %arg10[%rem3A_95, %dma_wait3A, %dma_wait3A_97, %dma_wait3A_103] : memref<2x2x8x128xi32, #tpu.memory_space<vmem>> -> memref<1x1x1x128xi32, #tpu.memory_space<vmem>>
      %dma_wait3A_105 = tpu.memref_squeeze %dma_wait3A_104 : memref<1x1x1x128xi32, #tpu.memory_space<vmem>> -> memref<128xi32, #tpu.memory_space<vmem>>
      %dma_wait3A_106 = arith.constant 0 : i32
      %dma_wait3A_107 = arith.constant 0 : i32
      %dma_wait3A_108 = tpu.memref_slice %arg2[%dma_wait3A_106, %dma_wait3A_107] : memref<10112x128xf32, #tpu.memory_space<hbm>> -> memref<10112x128xf32, #tpu.memory_space<hbm>>
      tpu.wait_indirect_dma semaphore(%arg13 : memref<!tpu.dma_semaphore, #tpu.memory_space<semaphore_mem>>) src(%dma_wait3A_108 : memref<10112x128xf32, #tpu.memory_space<hbm>>) dst(%dma_wait3A_102 : memref<128x128xf32, #tpu.memory_space<vmem>>)
      %run_scoped3A_109 = arith.constant 0 : i32
      %run_scoped3A_110 = arith.constant 1 : i32
      %run_scoped3A_111 = arith.constant 0 : i32
      "tpu.region"() ({
        %run_scoped3A_433 = tpu.sem_alloc : memref<!tpu.dma_semaphore, #tpu.memory_space<semaphore_mem>>
        %dma_start3A_434 = arith.constant 0 : i32
        %dma_start3A_435 = arith.constant 0 : i32
        %dma_start3A_436 = tpu.memref_slice %arg11[%run_scoped3A_109, %dma_start3A_434, %dma_start3A_435] : memref<2x128x128xf32, #tpu.memory_space<vmem>> -> memref<1x128x128xf32, #tpu.memory_space<vmem>>
        %dma_start3A_437 = tpu.memref_squeeze %dma_start3A_436 : memref<1x128x128xf32, #tpu.memory_space<vmem>> -> memref<128x128xf32, #tpu.memory_space<vmem>>
        %dma_start3A_438 = arith.constant 0 : i32
        %dma_start3A_439 = tpu.memref_slice %arg10[%rem3A_95, %run_scoped3A_110, %run_scoped3A_111, %dma_start3A_438] : memref<2x2x8x128xi32, #tpu.memory_space<vmem>> -> memref<1x1x1x128xi32, #tpu.memory_space<vmem>>
        %dma_start3A_440 = tpu.memref_squeeze %dma_start3A_439 : memref<1x1x1x128xi32, #tpu.memory_space<vmem>> -> memref<128xi32, #tpu.memory_space<vmem>>
        %dma_start3A_441 = arith.constant 0 : i32
        %dma_start3A_442 = arith.constant 0 : i32
        %dma_start3A_443 = tpu.memref_slice %arg12[%dma_start3A_441, %dma_start3A_442] : memref<10112x128xf32, #tpu.memory_space<vmem_shared>> -> memref<10112x128xf32, #tpu.memory_space<vmem_shared>>
        tpu.enqueue_indirect_dma source(%dma_start3A_437 : memref<128x128xf32, #tpu.memory_space<vmem>>) target(%dma_start3A_443 : memref<10112x128xf32, #tpu.memory_space<vmem_shared>>) offsets(%dma_start3A_440 : memref<128xi32, #tpu.memory_space<vmem>>) semaphore(%run_scoped3A_433 : memref<!tpu.dma_semaphore, #tpu.memory_space<semaphore_mem>>) {add = true}
        %dma_wait3A_444 = arith.constant 0 : i32
        %dma_wait3A_445 = arith.constant 0 : i32
        %dma_wait3A_446 = tpu.memref_slice %arg11[%run_scoped3A_109, %dma_wait3A_444, %dma_wait3A_445] : memref<2x128x128xf32, #tpu.memory_space<vmem>> -> memref<1x128x128xf32, #tpu.memory_space<vmem>>
        %dma_wait3A_447 = tpu.memref_squeeze %dma_wait3A_446 : memref<1x128x128xf32, #tpu.memory_space<vmem>> -> memref<128x128xf32, #tpu.memory_space<vmem>>
        %dma_wait3A_448 = arith.constant 0 : i32
        %dma_wait3A_449 = tpu.memref_slice %arg10[%rem3A_95, %run_scoped3A_110, %run_scoped3A_111, %dma_wait3A_448] : memref<2x2x8x128xi32, #tpu.memory_space<vmem>> -> memref<1x1x1x128xi32, #tpu.memory_space<vmem>>
        %dma_wait3A_450 = tpu.memref_squeeze %dma_wait3A_449 : memref<1x1x1x128xi32, #tpu.memory_space<vmem>> -> memref<128xi32, #tpu.memory_space<vmem>>
        %dma_wait3A_451 = arith.constant 0 : i32
        %dma_wait3A_452 = arith.constant 0 : i32
        %dma_wait3A_453 = tpu.memref_slice %arg12[%dma_wait3A_451, %dma_wait3A_452] : memref<10112x128xf32, #tpu.memory_space<vmem_shared>> -> memref<10112x128xf32, #tpu.memory_space<vmem_shared>>
        tpu.wait_indirect_dma semaphore(%run_scoped3A_433 : memref<!tpu.dma_semaphore, #tpu.memory_space<semaphore_mem>>) src(%dma_wait3A_447 : memref<128x128xf32, #tpu.memory_space<vmem>>) dst(%dma_wait3A_453 : memref<10112x128xf32, #tpu.memory_space<vmem_shared>>)
        tpu.yield
      }) : () -> ()
      %dma_start3A_112 = arith.constant 1 : i32
      %dma_start3A_113 = arith.constant 0 : i32
      %dma_start3A_114 = arith.constant 0 : i32
      %dma_start3A_115 = tpu.memref_slice %arg10[%rem3A_95, %dma_start3A_112, %dma_start3A_113, %dma_start3A_114] : memref<2x2x8x128xi32, #tpu.memory_space<vmem>> -> memref<1x1x1x128xi32, #tpu.memory_space<vmem>>
      %dma_start3A_116 = tpu.memref_squeeze %dma_start3A_115 : memref<1x1x1x128xi32, #tpu.memory_space<vmem>> -> memref<128xi32, #tpu.memory_space<vmem>>
      %dma_start3A_117 = arith.constant 0 : i32
      %dma_start3A_118 = tpu.memref_slice %arg18[%dma_start3A_117] : memref<10112xf32, #tpu.memory_space<vmem_shared>> -> memref<10112xf32, #tpu.memory_space<vmem_shared>>
      tpu.enqueue_indirect_dma source(%arg17 : memref<128xf32, #tpu.memory_space<vmem>>) target(%dma_start3A_118 : memref<10112xf32, #tpu.memory_space<vmem_shared>>) offsets(%dma_start3A_116 : memref<128xi32, #tpu.memory_space<vmem>>) semaphore(%arg16 : memref<!tpu.dma_semaphore, #tpu.memory_space<semaphore_mem>>) {add = true}
      %dma_start3A_119 = arith.constant 0 : i32
      %dma_start3A_120 = arith.constant 2 : i32
      %dma_start3A_121 = arith.constant 0 : i32
      %dma_start3A_122 = arith.constant 0 : i32
      %dma_start3A_123 = arith.constant 0 : i32
      %dma_start3A_124 = tpu.memref_slice %arg11[%dma_start3A_121, %dma_start3A_122, %dma_start3A_123] : memref<2x128x128xf32, #tpu.memory_space<vmem>> -> memref<1x128x128xf32, #tpu.memory_space<vmem>>
      %dma_start3A_125 = tpu.memref_squeeze %dma_start3A_124 : memref<1x128x128xf32, #tpu.memory_space<vmem>> -> memref<128x128xf32, #tpu.memory_space<vmem>>
      %dma_start3A_126 = arith.constant 0 : i32
      %dma_start3A_127 = tpu.memref_slice %arg10[%rem3A_95, %dma_start3A_119, %dma_start3A_120, %dma_start3A_126] : memref<2x2x8x128xi32, #tpu.memory_space<vmem>> -> memref<1x1x1x128xi32, #tpu.memory_space<vmem>>
      %dma_start3A_128 = tpu.memref_squeeze %dma_start3A_127 : memref<1x1x1x128xi32, #tpu.memory_space<vmem>> -> memref<128xi32, #tpu.memory_space<vmem>>
      %dma_start3A_129 = arith.constant 0 : i32
      %dma_start3A_130 = arith.constant 0 : i32
      %dma_start3A_131 = tpu.memref_slice %arg2[%dma_start3A_129, %dma_start3A_130] : memref<10112x128xf32, #tpu.memory_space<hbm>> -> memref<10112x128xf32, #tpu.memory_space<hbm>>
      tpu.enqueue_indirect_dma source(%dma_start3A_131 : memref<10112x128xf32, #tpu.memory_space<hbm>>) target(%dma_start3A_125 : memref<128x128xf32, #tpu.memory_space<vmem>>) offsets(%dma_start3A_128 : memref<128xi32, #tpu.memory_space<vmem>>) semaphore(%arg13 : memref<!tpu.dma_semaphore, #tpu.memory_space<semaphore_mem>>)
      %dma_wait3A_132 = arith.constant 0 : i32
      %dma_wait3A_133 = arith.constant 1 : i32
      %dma_wait3A_134 = arith.constant 1 : i32
      %dma_wait3A_135 = arith.constant 0 : i32
      %dma_wait3A_136 = arith.constant 0 : i32
      %dma_wait3A_137 = tpu.memref_slice %arg11[%dma_wait3A_134, %dma_wait3A_135, %dma_wait3A_136] : memref<2x128x128xf32, #tpu.memory_space<vmem>> -> memref<1x128x128xf32, #tpu.memory_space<vmem>>
      %dma_wait3A_138 = tpu.memref_squeeze %dma_wait3A_137 : memref<1x128x128xf32, #tpu.memory_space<vmem>> -> memref<128x128xf32, #tpu.memory_space<vmem>>
      %dma_wait3A_139 = arith.constant 0 : i32
      %dma_wait3A_140 = tpu.memref_slice %arg10[%rem3A_95, %dma_wait3A_132, %dma_wait3A_133, %dma_wait3A_139] : memref<2x2x8x128xi32, #tpu.memory_space<vmem>> -> memref<1x1x1x128xi32, #tpu.memory_space<vmem>>
      %dma_wait3A_141 = tpu.memref_squeeze %dma_wait3A_140 : memref<1x1x1x128xi32, #tpu.memory_space<vmem>> -> memref<128xi32, #tpu.memory_space<vmem>>
      %dma_wait3A_142 = arith.constant 0 : i32
      %dma_wait3A_143 = arith.constant 0 : i32
      %dma_wait3A_144 = tpu.memref_slice %arg2[%dma_wait3A_142, %dma_wait3A_143] : memref<10112x128xf32, #tpu.memory_space<hbm>> -> memref<10112x128xf32, #tpu.memory_space<hbm>>
      tpu.wait_indirect_dma semaphore(%arg14 : memref<!tpu.dma_semaphore, #tpu.memory_space<semaphore_mem>>) src(%dma_wait3A_144 : memref<10112x128xf32, #tpu.memory_space<hbm>>) dst(%dma_wait3A_138 : memref<128x128xf32, #tpu.memory_space<vmem>>)
      %run_scoped3A_145 = arith.constant 1 : i32
      %run_scoped3A_146 = arith.constant 1 : i32
      %run_scoped3A_147 = arith.constant 1 : i32
      "tpu.region"() ({
        %run_scoped3A_433 = tpu.sem_alloc : memref<!tpu.dma_semaphore, #tpu.memory_space<semaphore_mem>>
        %dma_start3A_434 = arith.constant 0 : i32
        %dma_start3A_435 = arith.constant 0 : i32
        %dma_start3A_436 = tpu.memref_slice %arg11[%run_scoped3A_145, %dma_start3A_434, %dma_start3A_435] : memref<2x128x128xf32, #tpu.memory_space<vmem>> -> memref<1x128x128xf32, #tpu.memory_space<vmem>>
        %dma_start3A_437 = tpu.memref_squeeze %dma_start3A_436 : memref<1x128x128xf32, #tpu.memory_space<vmem>> -> memref<128x128xf32, #tpu.memory_space<vmem>>
        %dma_start3A_438 = arith.constant 0 : i32
        %dma_start3A_439 = tpu.memref_slice %arg10[%rem3A_95, %run_scoped3A_146, %run_scoped3A_147, %dma_start3A_438] : memref<2x2x8x128xi32, #tpu.memory_space<vmem>> -> memref<1x1x1x128xi32, #tpu.memory_space<vmem>>
        %dma_start3A_440 = tpu.memref_squeeze %dma_start3A_439 : memref<1x1x1x128xi32, #tpu.memory_space<vmem>> -> memref<128xi32, #tpu.memory_space<vmem>>
        %dma_start3A_441 = arith.constant 0 : i32
        %dma_start3A_442 = arith.constant 0 : i32
        %dma_start3A_443 = tpu.memref_slice %arg12[%dma_start3A_441, %dma_start3A_442] : memref<10112x128xf32, #tpu.memory_space<vmem_shared>> -> memref<10112x128xf32, #tpu.memory_space<vmem_shared>>
        tpu.enqueue_indirect_dma source(%dma_start3A_437 : memref<128x128xf32, #tpu.memory_space<vmem>>) target(%dma_start3A_443 : memref<10112x128xf32, #tpu.memory_space<vmem_shared>>) offsets(%dma_start3A_440 : memref<128xi32, #tpu.memory_space<vmem>>) semaphore(%run_scoped3A_433 : memref<!tpu.dma_semaphore, #tpu.memory_space<semaphore_mem>>) {add = true}
        %dma_wait3A_444 = arith.constant 0 : i32
        %dma_wait3A_445 = arith.constant 0 : i32
        %dma_wait3A_446 = tpu.memref_slice %arg11[%run_scoped3A_145, %dma_wait3A_444, %dma_wait3A_445] : memref<2x128x128xf32, #tpu.memory_space<vmem>> -> memref<1x128x128xf32, #tpu.memory_space<vmem>>
        %dma_wait3A_447 = tpu.memref_squeeze %dma_wait3A_446 : memref<1x128x128xf32, #tpu.memory_space<vmem>> -> memref<128x128xf32, #tpu.memory_space<vmem>>
        %dma_wait3A_448 = arith.constant 0 : i32
        %dma_wait3A_449 = tpu.memref_slice %arg10[%rem3A_95, %run_scoped3A_146, %run_scoped3A_147, %dma_wait3A_448] : memref<2x2x8x128xi32, #tpu.memory_space<vmem>> -> memref<1x1x1x128xi32, #tpu.memory_space<vmem>>
        %dma_wait3A_450 = tpu.memref_squeeze %dma_wait3A_449 : memref<1x1x1x128xi32, #tpu.memory_space<vmem>> -> memref<128xi32, #tpu.memory_space<vmem>>
        %dma_wait3A_451 = arith.constant 0 : i32
        %dma_wait3A_452 = arith.constant 0 : i32
        %dma_wait3A_453 = tpu.memref_slice %arg12[%dma_wait3A_451, %dma_wait3A_452] : memref<10112x128xf32, #tpu.memory_space<vmem_shared>> -> memref<10112x128xf32, #tpu.memory_space<vmem_shared>>
        tpu.wait_indirect_dma semaphore(%run_scoped3A_433 : memref<!tpu.dma_semaphore, #tpu.memory_space<semaphore_mem>>) src(%dma_wait3A_447 : memref<128x128xf32, #tpu.memory_space<vmem>>) dst(%dma_wait3A_453 : memref<10112x128xf32, #tpu.memory_space<vmem_shared>>)
        tpu.yield
      }) : () -> ()
      %dma_wait3A_148 = arith.constant 1 : i32
      %dma_wait3A_149 = arith.constant 0 : i32
      %dma_wait3A_150 = arith.constant 0 : i32
      %dma_wait3A_151 = tpu.memref_slice %arg10[%rem3A_95, %dma_wait3A_148, %dma_wait3A_149, %dma_wait3A_150] : memref<2x2x8x128xi32, #tpu.memory_space<vmem>> -> memref<1x1x1x128xi32, #tpu.memory_space<vmem>>
      %dma_wait3A_152 = tpu.memref_squeeze %dma_wait3A_151 : memref<1x1x1x128xi32, #tpu.memory_space<vmem>> -> memref<128xi32, #tpu.memory_space<vmem>>
      %dma_wait3A_153 = arith.constant 0 : i32
      %dma_wait3A_154 = tpu.memref_slice %arg18[%dma_wait3A_153] : memref<10112xf32, #tpu.memory_space<vmem_shared>> -> memref<10112xf32, #tpu.memory_space<vmem_shared>>
      tpu.wait_indirect_dma semaphore(%arg16 : memref<!tpu.dma_semaphore, #tpu.memory_space<semaphore_mem>>) src(%arg17 : memref<128xf32, #tpu.memory_space<vmem>>) dst(%dma_wait3A_154 : memref<10112xf32, #tpu.memory_space<vmem_shared>>)
      %dma_start3A_155 = arith.constant 1 : i32
      %dma_start3A_156 = arith.constant 1 : i32
      %dma_start3A_157 = arith.constant 0 : i32
      %dma_start3A_158 = tpu.memref_slice %arg10[%rem3A_95, %dma_start3A_155, %dma_start3A_156, %dma_start3A_157] : memref<2x2x8x128xi32, #tpu.memory_space<vmem>> -> memref<1x1x1x128xi32, #tpu.memory_space<vmem>>
      %dma_start3A_159 = tpu.memref_squeeze %dma_start3A_158 : memref<1x1x1x128xi32, #tpu.memory_space<vmem>> -> memref<128xi32, #tpu.memory_space<vmem>>
      %dma_start3A_160 = arith.constant 0 : i32
      %dma_start3A_161 = tpu.memref_slice %arg18[%dma_start3A_160] : memref<10112xf32, #tpu.memory_space<vmem_shared>> -> memref<10112xf32, #tpu.memory_space<vmem_shared>>
      tpu.enqueue_indirect_dma source(%arg17 : memref<128xf32, #tpu.memory_space<vmem>>) target(%dma_start3A_161 : memref<10112xf32, #tpu.memory_space<vmem_shared>>) offsets(%dma_start3A_159 : memref<128xi32, #tpu.memory_space<vmem>>) semaphore(%arg16 : memref<!tpu.dma_semaphore, #tpu.memory_space<semaphore_mem>>) {add = true}
      %dma_start3A_162 = arith.constant 0 : i32
      %dma_start3A_163 = arith.constant 3 : i32
      %dma_start3A_164 = arith.constant 1 : i32
      %dma_start3A_165 = arith.constant 0 : i32
      %dma_start3A_166 = arith.constant 0 : i32
      %dma_start3A_167 = tpu.memref_slice %arg11[%dma_start3A_164, %dma_start3A_165, %dma_start3A_166] : memref<2x128x128xf32, #tpu.memory_space<vmem>> -> memref<1x128x128xf32, #tpu.memory_space<vmem>>
      %dma_start3A_168 = tpu.memref_squeeze %dma_start3A_167 : memref<1x128x128xf32, #tpu.memory_space<vmem>> -> memref<128x128xf32, #tpu.memory_space<vmem>>
      %dma_start3A_169 = arith.constant 0 : i32
      %dma_start3A_170 = tpu.memref_slice %arg10[%rem3A_95, %dma_start3A_162, %dma_start3A_163, %dma_start3A_169] : memref<2x2x8x128xi32, #tpu.memory_space<vmem>> -> memref<1x1x1x128xi32, #tpu.memory_space<vmem>>
      %dma_start3A_171 = tpu.memref_squeeze %dma_start3A_170 : memref<1x1x1x128xi32, #tpu.memory_space<vmem>> -> memref<128xi32, #tpu.memory_space<vmem>>
      %dma_start3A_172 = arith.constant 0 : i32
      %dma_start3A_173 = arith.constant 0 : i32
      %dma_start3A_174 = tpu.memref_slice %arg2[%dma_start3A_172, %dma_start3A_173] : memref<10112x128xf32, #tpu.memory_space<hbm>> -> memref<10112x128xf32, #tpu.memory_space<hbm>>
      tpu.enqueue_indirect_dma source(%dma_start3A_174 : memref<10112x128xf32, #tpu.memory_space<hbm>>) target(%dma_start3A_168 : memref<128x128xf32, #tpu.memory_space<vmem>>) offsets(%dma_start3A_171 : memref<128xi32, #tpu.memory_space<vmem>>) semaphore(%arg14 : memref<!tpu.dma_semaphore, #tpu.memory_space<semaphore_mem>>)
      %dma_wait3A_175 = arith.constant 0 : i32
      %dma_wait3A_176 = arith.constant 2 : i32
      %dma_wait3A_177 = arith.constant 0 : i32
      %dma_wait3A_178 = arith.constant 0 : i32
      %dma_wait3A_179 = arith.constant 0 : i32
      %dma_wait3A_180 = tpu.memref_slice %arg11[%dma_wait3A_177, %dma_wait3A_178, %dma_wait3A_179] : memref<2x128x128xf32, #tpu.memory_space<vmem>> -> memref<1x128x128xf32, #tpu.memory_space<vmem>>
      %dma_wait3A_181 = tpu.memref_squeeze %dma_wait3A_180 : memref<1x128x128xf32, #tpu.memory_space<vmem>> -> memref<128x128xf32, #tpu.memory_space<vmem>>
      %dma_wait3A_182 = arith.constant 0 : i32
      %dma_wait3A_183 = tpu.memref_slice %arg10[%rem3A_95, %dma_wait3A_175, %dma_wait3A_176, %dma_wait3A_182] : memref<2x2x8x128xi32, #tpu.memory_space<vmem>> -> memref<1x1x1x128xi32, #tpu.memory_space<vmem>>
      %dma_wait3A_184 = tpu.memref_squeeze %dma_wait3A_183 : memref<1x1x1x128xi32, #tpu.memory_space<vmem>> -> memref<128xi32, #tpu.memory_space<vmem>>
      %dma_wait3A_185 = arith.constant 0 : i32
      %dma_wait3A_186 = arith.constant 0 : i32
      %dma_wait3A_187 = tpu.memref_slice %arg2[%dma_wait3A_185, %dma_wait3A_186] : memref<10112x128xf32, #tpu.memory_space<hbm>> -> memref<10112x128xf32, #tpu.memory_space<hbm>>
      tpu.wait_indirect_dma semaphore(%arg13 : memref<!tpu.dma_semaphore, #tpu.memory_space<semaphore_mem>>) src(%dma_wait3A_187 : memref<10112x128xf32, #tpu.memory_space<hbm>>) dst(%dma_wait3A_181 : memref<128x128xf32, #tpu.memory_space<vmem>>)
      %run_scoped3A_188 = arith.constant 0 : i32
      %run_scoped3A_189 = arith.constant 1 : i32
      %run_scoped3A_190 = arith.constant 2 : i32
      "tpu.region"() ({
        %run_scoped3A_433 = tpu.sem_alloc : memref<!tpu.dma_semaphore, #tpu.memory_space<semaphore_mem>>
        %dma_start3A_434 = arith.constant 0 : i32
        %dma_start3A_435 = arith.constant 0 : i32
        %dma_start3A_436 = tpu.memref_slice %arg11[%run_scoped3A_188, %dma_start3A_434, %dma_start3A_435] : memref<2x128x128xf32, #tpu.memory_space<vmem>> -> memref<1x128x128xf32, #tpu.memory_space<vmem>>
        %dma_start3A_437 = tpu.memref_squeeze %dma_start3A_436 : memref<1x128x128xf32, #tpu.memory_space<vmem>> -> memref<128x128xf32, #tpu.memory_space<vmem>>
        %dma_start3A_438 = arith.constant 0 : i32
        %dma_start3A_439 = tpu.memref_slice %arg10[%rem3A_95, %run_scoped3A_189, %run_scoped3A_190, %dma_start3A_438] : memref<2x2x8x128xi32, #tpu.memory_space<vmem>> -> memref<1x1x1x128xi32, #tpu.memory_space<vmem>>
        %dma_start3A_440 = tpu.memref_squeeze %dma_start3A_439 : memref<1x1x1x128xi32, #tpu.memory_space<vmem>> -> memref<128xi32, #tpu.memory_space<vmem>>
        %dma_start3A_441 = arith.constant 0 : i32
        %dma_start3A_442 = arith.constant 0 : i32
        %dma_start3A_443 = tpu.memref_slice %arg12[%dma_start3A_441, %dma_start3A_442] : memref<10112x128xf32, #tpu.memory_space<vmem_shared>> -> memref<10112x128xf32, #tpu.memory_space<vmem_shared>>
        tpu.enqueue_indirect_dma source(%dma_start3A_437 : memref<128x128xf32, #tpu.memory_space<vmem>>) target(%dma_start3A_443 : memref<10112x128xf32, #tpu.memory_space<vmem_shared>>) offsets(%dma_start3A_440 : memref<128xi32, #tpu.memory_space<vmem>>) semaphore(%run_scoped3A_433 : memref<!tpu.dma_semaphore, #tpu.memory_space<semaphore_mem>>) {add = true}
        %dma_wait3A_444 = arith.constant 0 : i32
        %dma_wait3A_445 = arith.constant 0 : i32
        %dma_wait3A_446 = tpu.memref_slice %arg11[%run_scoped3A_188, %dma_wait3A_444, %dma_wait3A_445] : memref<2x128x128xf32, #tpu.memory_space<vmem>> -> memref<1x128x128xf32, #tpu.memory_space<vmem>>
        %dma_wait3A_447 = tpu.memref_squeeze %dma_wait3A_446 : memref<1x128x128xf32, #tpu.memory_space<vmem>> -> memref<128x128xf32, #tpu.memory_space<vmem>>
        %dma_wait3A_448 = arith.constant 0 : i32
        %dma_wait3A_449 = tpu.memref_slice %arg10[%rem3A_95, %run_scoped3A_189, %run_scoped3A_190, %dma_wait3A_448] : memref<2x2x8x128xi32, #tpu.memory_space<vmem>> -> memref<1x1x1x128xi32, #tpu.memory_space<vmem>>
        %dma_wait3A_450 = tpu.memref_squeeze %dma_wait3A_449 : memref<1x1x1x128xi32, #tpu.memory_space<vmem>> -> memref<128xi32, #tpu.memory_space<vmem>>
        %dma_wait3A_451 = arith.constant 0 : i32
        %dma_wait3A_452 = arith.constant 0 : i32
        %dma_wait3A_453 = tpu.memref_slice %arg12[%dma_wait3A_451, %dma_wait3A_452] : memref<10112x128xf32, #tpu.memory_space<vmem_shared>> -> memref<10112x128xf32, #tpu.memory_space<vmem_shared>>
        tpu.wait_indirect_dma semaphore(%run_scoped3A_433 : memref<!tpu.dma_semaphore, #tpu.memory_space<semaphore_mem>>) src(%dma_wait3A_447 : memref<128x128xf32, #tpu.memory_space<vmem>>) dst(%dma_wait3A_453 : memref<10112x128xf32, #tpu.memory_space<vmem_shared>>)
        tpu.yield
      }) : () -> ()
      %dma_wait3A_191 = arith.constant 1 : i32
      %dma_wait3A_192 = arith.constant 1 : i32
      %dma_wait3A_193 = arith.constant 0 : i32
      %dma_wait3A_194 = tpu.memref_slice %arg10[%rem3A_95, %dma_wait3A_191, %dma_wait3A_192, %dma_wait3A_193] : memref<2x2x8x128xi32, #tpu.memory_space<vmem>> -> memref<1x1x1x128xi32, #tpu.memory_space<vmem>>
      %dma_wait3A_195 = tpu.memref_squeeze %dma_wait3A_194 : memref<1x1x1x128xi32, #tpu.memory_space<vmem>> -> memref<128xi32, #tpu.memory_space<vmem>>
      %dma_wait3A_196 = arith.constant 0 : i32
      %dma_wait3A_197 = tpu.memref_slice %arg18[%dma_wait3A_196] : memref<10112xf32, #tpu.memory_space<vmem_shared>> -> memref<10112xf32, #tpu.memory_space<vmem_shared>>
      tpu.wait_indirect_dma semaphore(%arg16 : memref<!tpu.dma_semaphore, #tpu.memory_space<semaphore_mem>>) src(%arg17 : memref<128xf32, #tpu.memory_space<vmem>>) dst(%dma_wait3A_197 : memref<10112xf32, #tpu.memory_space<vmem_shared>>)
      %dma_start3A_198 = arith.constant 1 : i32
      %dma_start3A_199 = arith.constant 2 : i32
      %dma_start3A_200 = arith.constant 0 : i32
      %dma_start3A_201 = tpu.memref_slice %arg10[%rem3A_95, %dma_start3A_198, %dma_start3A_199, %dma_start3A_200] : memref<2x2x8x128xi32, #tpu.memory_space<vmem>> -> memref<1x1x1x128xi32, #tpu.memory_space<vmem>>
      %dma_start3A_202 = tpu.memref_squeeze %dma_start3A_201 : memref<1x1x1x128xi32, #tpu.memory_space<vmem>> -> memref<128xi32, #tpu.memory_space<vmem>>
      %dma_start3A_203 = arith.constant 0 : i32
      %dma_start3A_204 = tpu.memref_slice %arg18[%dma_start3A_203] : memref<10112xf32, #tpu.memory_space<vmem_shared>> -> memref<10112xf32, #tpu.memory_space<vmem_shared>>
      tpu.enqueue_indirect_dma source(%arg17 : memref<128xf32, #tpu.memory_space<vmem>>) target(%dma_start3A_204 : memref<10112xf32, #tpu.memory_space<vmem_shared>>) offsets(%dma_start3A_202 : memref<128xi32, #tpu.memory_space<vmem>>) semaphore(%arg16 : memref<!tpu.dma_semaphore, #tpu.memory_space<semaphore_mem>>) {add = true}
      %dma_start3A_205 = arith.constant 0 : i32
      %dma_start3A_206 = arith.constant 4 : i32
      %dma_start3A_207 = arith.constant 0 : i32
      %dma_start3A_208 = arith.constant 0 : i32
      %dma_start3A_209 = arith.constant 0 : i32
      %dma_start3A_210 = tpu.memref_slice %arg11[%dma_start3A_207, %dma_start3A_208, %dma_start3A_209] : memref<2x128x128xf32, #tpu.memory_space<vmem>> -> memref<1x128x128xf32, #tpu.memory_space<vmem>>
      %dma_start3A_211 = tpu.memref_squeeze %dma_start3A_210 : memref<1x128x128xf32, #tpu.memory_space<vmem>> -> memref<128x128xf32, #tpu.memory_space<vmem>>
      %dma_start3A_212 = arith.constant 0 : i32
      %dma_start3A_213 = tpu.memref_slice %arg10[%rem3A_95, %dma_start3A_205, %dma_start3A_206, %dma_start3A_212] : memref<2x2x8x128xi32, #tpu.memory_space<vmem>> -> memref<1x1x1x128xi32, #tpu.memory_space<vmem>>
      %dma_start3A_214 = tpu.memref_squeeze %dma_start3A_213 : memref<1x1x1x128xi32, #tpu.memory_space<vmem>> -> memref<128xi32, #tpu.memory_space<vmem>>
      %dma_start3A_215 = arith.constant 0 : i32
      %dma_start3A_216 = arith.constant 0 : i32
      %dma_start3A_217 = tpu.memref_slice %arg2[%dma_start3A_215, %dma_start3A_216] : memref<10112x128xf32, #tpu.memory_space<hbm>> -> memref<10112x128xf32, #tpu.memory_space<hbm>>
      tpu.enqueue_indirect_dma source(%dma_start3A_217 : memref<10112x128xf32, #tpu.memory_space<hbm>>) target(%dma_start3A_211 : memref<128x128xf32, #tpu.memory_space<vmem>>) offsets(%dma_start3A_214 : memref<128xi32, #tpu.memory_space<vmem>>) semaphore(%arg13 : memref<!tpu.dma_semaphore, #tpu.memory_space<semaphore_mem>>)
      %dma_wait3A_218 = arith.constant 0 : i32
      %dma_wait3A_219 = arith.constant 3 : i32
      %dma_wait3A_220 = arith.constant 1 : i32
      %dma_wait3A_221 = arith.constant 0 : i32
      %dma_wait3A_222 = arith.constant 0 : i32
      %dma_wait3A_223 = tpu.memref_slice %arg11[%dma_wait3A_220, %dma_wait3A_221, %dma_wait3A_222] : memref<2x128x128xf32, #tpu.memory_space<vmem>> -> memref<1x128x128xf32, #tpu.memory_space<vmem>>
      %dma_wait3A_224 = tpu.memref_squeeze %dma_wait3A_223 : memref<1x128x128xf32, #tpu.memory_space<vmem>> -> memref<128x128xf32, #tpu.memory_space<vmem>>
      %dma_wait3A_225 = arith.constant 0 : i32
      %dma_wait3A_226 = tpu.memref_slice %arg10[%rem3A_95, %dma_wait3A_218, %dma_wait3A_219, %dma_wait3A_225] : memref<2x2x8x128xi32, #tpu.memory_space<vmem>> -> memref<1x1x1x128xi32, #tpu.memory_space<vmem>>
      %dma_wait3A_227 = tpu.memref_squeeze %dma_wait3A_226 : memref<1x1x1x128xi32, #tpu.memory_space<vmem>> -> memref<128xi32, #tpu.memory_space<vmem>>
      %dma_wait3A_228 = arith.constant 0 : i32
      %dma_wait3A_229 = arith.constant 0 : i32
      %dma_wait3A_230 = tpu.memref_slice %arg2[%dma_wait3A_228, %dma_wait3A_229] : memref<10112x128xf32, #tpu.memory_space<hbm>> -> memref<10112x128xf32, #tpu.memory_space<hbm>>
      tpu.wait_indirect_dma semaphore(%arg14 : memref<!tpu.dma_semaphore, #tpu.memory_space<semaphore_mem>>) src(%dma_wait3A_230 : memref<10112x128xf32, #tpu.memory_space<hbm>>) dst(%dma_wait3A_224 : memref<128x128xf32, #tpu.memory_space<vmem>>)
      %run_scoped3A_231 = arith.constant 1 : i32
      %run_scoped3A_232 = arith.constant 1 : i32
      %run_scoped3A_233 = arith.constant 3 : i32
      "tpu.region"() ({
        %run_scoped3A_433 = tpu.sem_alloc : memref<!tpu.dma_semaphore, #tpu.memory_space<semaphore_mem>>
        %dma_start3A_434 = arith.constant 0 : i32
        %dma_start3A_435 = arith.constant 0 : i32
        %dma_start3A_436 = tpu.memref_slice %arg11[%run_scoped3A_231, %dma_start3A_434, %dma_start3A_435] : memref<2x128x128xf32, #tpu.memory_space<vmem>> -> memref<1x128x128xf32, #tpu.memory_space<vmem>>
        %dma_start3A_437 = tpu.memref_squeeze %dma_start3A_436 : memref<1x128x128xf32, #tpu.memory_space<vmem>> -> memref<128x128xf32, #tpu.memory_space<vmem>>
        %dma_start3A_438 = arith.constant 0 : i32
        %dma_start3A_439 = tpu.memref_slice %arg10[%rem3A_95, %run_scoped3A_232, %run_scoped3A_233, %dma_start3A_438] : memref<2x2x8x128xi32, #tpu.memory_space<vmem>> -> memref<1x1x1x128xi32, #tpu.memory_space<vmem>>
        %dma_start3A_440 = tpu.memref_squeeze %dma_start3A_439 : memref<1x1x1x128xi32, #tpu.memory_space<vmem>> -> memref<128xi32, #tpu.memory_space<vmem>>
        %dma_start3A_441 = arith.constant 0 : i32
        %dma_start3A_442 = arith.constant 0 : i32
        %dma_start3A_443 = tpu.memref_slice %arg12[%dma_start3A_441, %dma_start3A_442] : memref<10112x128xf32, #tpu.memory_space<vmem_shared>> -> memref<10112x128xf32, #tpu.memory_space<vmem_shared>>
        tpu.enqueue_indirect_dma source(%dma_start3A_437 : memref<128x128xf32, #tpu.memory_space<vmem>>) target(%dma_start3A_443 : memref<10112x128xf32, #tpu.memory_space<vmem_shared>>) offsets(%dma_start3A_440 : memref<128xi32, #tpu.memory_space<vmem>>) semaphore(%run_scoped3A_433 : memref<!tpu.dma_semaphore, #tpu.memory_space<semaphore_mem>>) {add = true}
        %dma_wait3A_444 = arith.constant 0 : i32
        %dma_wait3A_445 = arith.constant 0 : i32
        %dma_wait3A_446 = tpu.memref_slice %arg11[%run_scoped3A_231, %dma_wait3A_444, %dma_wait3A_445] : memref<2x128x128xf32, #tpu.memory_space<vmem>> -> memref<1x128x128xf32, #tpu.memory_space<vmem>>
        %dma_wait3A_447 = tpu.memref_squeeze %dma_wait3A_446 : memref<1x128x128xf32, #tpu.memory_space<vmem>> -> memref<128x128xf32, #tpu.memory_space<vmem>>
        %dma_wait3A_448 = arith.constant 0 : i32
        %dma_wait3A_449 = tpu.memref_slice %arg10[%rem3A_95, %run_scoped3A_232, %run_scoped3A_233, %dma_wait3A_448] : memref<2x2x8x128xi32, #tpu.memory_space<vmem>> -> memref<1x1x1x128xi32, #tpu.memory_space<vmem>>
        %dma_wait3A_450 = tpu.memref_squeeze %dma_wait3A_449 : memref<1x1x1x128xi32, #tpu.memory_space<vmem>> -> memref<128xi32, #tpu.memory_space<vmem>>
        %dma_wait3A_451 = arith.constant 0 : i32
        %dma_wait3A_452 = arith.constant 0 : i32
        %dma_wait3A_453 = tpu.memref_slice %arg12[%dma_wait3A_451, %dma_wait3A_452] : memref<10112x128xf32, #tpu.memory_space<vmem_shared>> -> memref<10112x128xf32, #tpu.memory_space<vmem_shared>>
        tpu.wait_indirect_dma semaphore(%run_scoped3A_433 : memref<!tpu.dma_semaphore, #tpu.memory_space<semaphore_mem>>) src(%dma_wait3A_447 : memref<128x128xf32, #tpu.memory_space<vmem>>) dst(%dma_wait3A_453 : memref<10112x128xf32, #tpu.memory_space<vmem_shared>>)
        tpu.yield
      }) : () -> ()
      %dma_wait3A_234 = arith.constant 1 : i32
      %dma_wait3A_235 = arith.constant 2 : i32
      %dma_wait3A_236 = arith.constant 0 : i32
      %dma_wait3A_237 = tpu.memref_slice %arg10[%rem3A_95, %dma_wait3A_234, %dma_wait3A_235, %dma_wait3A_236] : memref<2x2x8x128xi32, #tpu.memory_space<vmem>> -> memref<1x1x1x128xi32, #tpu.memory_space<vmem>>
      %dma_wait3A_238 = tpu.memref_squeeze %dma_wait3A_237 : memref<1x1x1x128xi32, #tpu.memory_space<vmem>> -> memref<128xi32, #tpu.memory_space<vmem>>
      %dma_wait3A_239 = arith.constant 0 : i32
      %dma_wait3A_240 = tpu.memref_slice %arg18[%dma_wait3A_239] : memref<10112xf32, #tpu.memory_space<vmem_shared>> -> memref<10112xf32, #tpu.memory_space<vmem_shared>>
      tpu.wait_indirect_dma semaphore(%arg16 : memref<!tpu.dma_semaphore, #tpu.memory_space<semaphore_mem>>) src(%arg17 : memref<128xf32, #tpu.memory_space<vmem>>) dst(%dma_wait3A_240 : memref<10112xf32, #tpu.memory_space<vmem_shared>>)
      %dma_start3A_241 = arith.constant 1 : i32
      %dma_start3A_242 = arith.constant 3 : i32
      %dma_start3A_243 = arith.constant 0 : i32
      %dma_start3A_244 = tpu.memref_slice %arg10[%rem3A_95, %dma_start3A_241, %dma_start3A_242, %dma_start3A_243] : memref<2x2x8x128xi32, #tpu.memory_space<vmem>> -> memref<1x1x1x128xi32, #tpu.memory_space<vmem>>
      %dma_start3A_245 = tpu.memref_squeeze %dma_start3A_244 : memref<1x1x1x128xi32, #tpu.memory_space<vmem>> -> memref<128xi32, #tpu.memory_space<vmem>>
      %dma_start3A_246 = arith.constant 0 : i32
      %dma_start3A_247 = tpu.memref_slice %arg18[%dma_start3A_246] : memref<10112xf32, #tpu.memory_space<vmem_shared>> -> memref<10112xf32, #tpu.memory_space<vmem_shared>>
      tpu.enqueue_indirect_dma source(%arg17 : memref<128xf32, #tpu.memory_space<vmem>>) target(%dma_start3A_247 : memref<10112xf32, #tpu.memory_space<vmem_shared>>) offsets(%dma_start3A_245 : memref<128xi32, #tpu.memory_space<vmem>>) semaphore(%arg16 : memref<!tpu.dma_semaphore, #tpu.memory_space<semaphore_mem>>) {add = true}
      %dma_start3A_248 = arith.constant 0 : i32
      %dma_start3A_249 = arith.constant 5 : i32
      %dma_start3A_250 = arith.constant 1 : i32
      %dma_start3A_251 = arith.constant 0 : i32
      %dma_start3A_252 = arith.constant 0 : i32
      %dma_start3A_253 = tpu.memref_slice %arg11[%dma_start3A_250, %dma_start3A_251, %dma_start3A_252] : memref<2x128x128xf32, #tpu.memory_space<vmem>> -> memref<1x128x128xf32, #tpu.memory_space<vmem>>
      %dma_start3A_254 = tpu.memref_squeeze %dma_start3A_253 : memref<1x128x128xf32, #tpu.memory_space<vmem>> -> memref<128x128xf32, #tpu.memory_space<vmem>>
      %dma_start3A_255 = arith.constant 0 : i32
      %dma_start3A_256 = tpu.memref_slice %arg10[%rem3A_95, %dma_start3A_248, %dma_start3A_249, %dma_start3A_255] : memref<2x2x8x128xi32, #tpu.memory_space<vmem>> -> memref<1x1x1x128xi32, #tpu.memory_space<vmem>>
      %dma_start3A_257 = tpu.memref_squeeze %dma_start3A_256 : memref<1x1x1x128xi32, #tpu.memory_space<vmem>> -> memref<128xi32, #tpu.memory_space<vmem>>
      %dma_start3A_258 = arith.constant 0 : i32
      %dma_start3A_259 = arith.constant 0 : i32
      %dma_start3A_260 = tpu.memref_slice %arg2[%dma_start3A_258, %dma_start3A_259] : memref<10112x128xf32, #tpu.memory_space<hbm>> -> memref<10112x128xf32, #tpu.memory_space<hbm>>
      tpu.enqueue_indirect_dma source(%dma_start3A_260 : memref<10112x128xf32, #tpu.memory_space<hbm>>) target(%dma_start3A_254 : memref<128x128xf32, #tpu.memory_space<vmem>>) offsets(%dma_start3A_257 : memref<128xi32, #tpu.memory_space<vmem>>) semaphore(%arg14 : memref<!tpu.dma_semaphore, #tpu.memory_space<semaphore_mem>>)
      %dma_wait3A_261 = arith.constant 0 : i32
      %dma_wait3A_262 = arith.constant 4 : i32
      %dma_wait3A_263 = arith.constant 0 : i32
      %dma_wait3A_264 = arith.constant 0 : i32
      %dma_wait3A_265 = arith.constant 0 : i32
      %dma_wait3A_266 = tpu.memref_slice %arg11[%dma_wait3A_263, %dma_wait3A_264, %dma_wait3A_265] : memref<2x128x128xf32, #tpu.memory_space<vmem>> -> memref<1x128x128xf32, #tpu.memory_space<vmem>>
      %dma_wait3A_267 = tpu.memref_squeeze %dma_wait3A_266 : memref<1x128x128xf32, #tpu.memory_space<vmem>> -> memref<128x128xf32, #tpu.memory_space<vmem>>
      %dma_wait3A_268 = arith.constant 0 : i32
      %dma_wait3A_269 = tpu.memref_slice %arg10[%rem3A_95, %dma_wait3A_261, %dma_wait3A_262, %dma_wait3A_268] : memref<2x2x8x128xi32, #tpu.memory_space<vmem>> -> memref<1x1x1x128xi32, #tpu.memory_space<vmem>>
      %dma_wait3A_270 = tpu.memref_squeeze %dma_wait3A_269 : memref<1x1x1x128xi32, #tpu.memory_space<vmem>> -> memref<128xi32, #tpu.memory_space<vmem>>
      %dma_wait3A_271 = arith.constant 0 : i32
      %dma_wait3A_272 = arith.constant 0 : i32
      %dma_wait3A_273 = tpu.memref_slice %arg2[%dma_wait3A_271, %dma_wait3A_272] : memref<10112x128xf32, #tpu.memory_space<hbm>> -> memref<10112x128xf32, #tpu.memory_space<hbm>>
      tpu.wait_indirect_dma semaphore(%arg13 : memref<!tpu.dma_semaphore, #tpu.memory_space<semaphore_mem>>) src(%dma_wait3A_273 : memref<10112x128xf32, #tpu.memory_space<hbm>>) dst(%dma_wait3A_267 : memref<128x128xf32, #tpu.memory_space<vmem>>)
      %run_scoped3A_274 = arith.constant 0 : i32
      %run_scoped3A_275 = arith.constant 1 : i32
      %run_scoped3A_276 = arith.constant 4 : i32
      "tpu.region"() ({
        %run_scoped3A_433 = tpu.sem_alloc : memref<!tpu.dma_semaphore, #tpu.memory_space<semaphore_mem>>
        %dma_start3A_434 = arith.constant 0 : i32
        %dma_start3A_435 = arith.constant 0 : i32
        %dma_start3A_436 = tpu.memref_slice %arg11[%run_scoped3A_274, %dma_start3A_434, %dma_start3A_435] : memref<2x128x128xf32, #tpu.memory_space<vmem>> -> memref<1x128x128xf32, #tpu.memory_space<vmem>>
        %dma_start3A_437 = tpu.memref_squeeze %dma_start3A_436 : memref<1x128x128xf32, #tpu.memory_space<vmem>> -> memref<128x128xf32, #tpu.memory_space<vmem>>
        %dma_start3A_438 = arith.constant 0 : i32
        %dma_start3A_439 = tpu.memref_slice %arg10[%rem3A_95, %run_scoped3A_275, %run_scoped3A_276, %dma_start3A_438] : memref<2x2x8x128xi32, #tpu.memory_space<vmem>> -> memref<1x1x1x128xi32, #tpu.memory_space<vmem>>
        %dma_start3A_440 = tpu.memref_squeeze %dma_start3A_439 : memref<1x1x1x128xi32, #tpu.memory_space<vmem>> -> memref<128xi32, #tpu.memory_space<vmem>>
        %dma_start3A_441 = arith.constant 0 : i32
        %dma_start3A_442 = arith.constant 0 : i32
        %dma_start3A_443 = tpu.memref_slice %arg12[%dma_start3A_441, %dma_start3A_442] : memref<10112x128xf32, #tpu.memory_space<vmem_shared>> -> memref<10112x128xf32, #tpu.memory_space<vmem_shared>>
        tpu.enqueue_indirect_dma source(%dma_start3A_437 : memref<128x128xf32, #tpu.memory_space<vmem>>) target(%dma_start3A_443 : memref<10112x128xf32, #tpu.memory_space<vmem_shared>>) offsets(%dma_start3A_440 : memref<128xi32, #tpu.memory_space<vmem>>) semaphore(%run_scoped3A_433 : memref<!tpu.dma_semaphore, #tpu.memory_space<semaphore_mem>>) {add = true}
        %dma_wait3A_444 = arith.constant 0 : i32
        %dma_wait3A_445 = arith.constant 0 : i32
        %dma_wait3A_446 = tpu.memref_slice %arg11[%run_scoped3A_274, %dma_wait3A_444, %dma_wait3A_445] : memref<2x128x128xf32, #tpu.memory_space<vmem>> -> memref<1x128x128xf32, #tpu.memory_space<vmem>>
        %dma_wait3A_447 = tpu.memref_squeeze %dma_wait3A_446 : memref<1x128x128xf32, #tpu.memory_space<vmem>> -> memref<128x128xf32, #tpu.memory_space<vmem>>
        %dma_wait3A_448 = arith.constant 0 : i32
        %dma_wait3A_449 = tpu.memref_slice %arg10[%rem3A_95, %run_scoped3A_275, %run_scoped3A_276, %dma_wait3A_448] : memref<2x2x8x128xi32, #tpu.memory_space<vmem>> -> memref<1x1x1x128xi32, #tpu.memory_space<vmem>>
        %dma_wait3A_450 = tpu.memref_squeeze %dma_wait3A_449 : memref<1x1x1x128xi32, #tpu.memory_space<vmem>> -> memref<128xi32, #tpu.memory_space<vmem>>
        %dma_wait3A_451 = arith.constant 0 : i32
        %dma_wait3A_452 = arith.constant 0 : i32
        %dma_wait3A_453 = tpu.memref_slice %arg12[%dma_wait3A_451, %dma_wait3A_452] : memref<10112x128xf32, #tpu.memory_space<vmem_shared>> -> memref<10112x128xf32, #tpu.memory_space<vmem_shared>>
        tpu.wait_indirect_dma semaphore(%run_scoped3A_433 : memref<!tpu.dma_semaphore, #tpu.memory_space<semaphore_mem>>) src(%dma_wait3A_447 : memref<128x128xf32, #tpu.memory_space<vmem>>) dst(%dma_wait3A_453 : memref<10112x128xf32, #tpu.memory_space<vmem_shared>>)
        tpu.yield
      }) : () -> ()
      %dma_wait3A_277 = arith.constant 1 : i32
      %dma_wait3A_278 = arith.constant 3 : i32
      %dma_wait3A_279 = arith.constant 0 : i32
      %dma_wait3A_280 = tpu.memref_slice %arg10[%rem3A_95, %dma_wait3A_277, %dma_wait3A_278, %dma_wait3A_279] : memref<2x2x8x128xi32, #tpu.memory_space<vmem>> -> memref<1x1x1x128xi32, #tpu.memory_space<vmem>>
      %dma_wait3A_281 = tpu.memref_squeeze %dma_wait3A_280 : memref<1x1x1x128xi32, #tpu.memory_space<vmem>> -> memref<128xi32, #tpu.memory_space<vmem>>
      %dma_wait3A_282 = arith.constant 0 : i32
      %dma_wait3A_283 = tpu.memref_slice %arg18[%dma_wait3A_282] : memref<10112xf32, #tpu.memory_space<vmem_shared>> -> memref<10112xf32, #tpu.memory_space<vmem_shared>>
      tpu.wait_indirect_dma semaphore(%arg16 : memref<!tpu.dma_semaphore, #tpu.memory_space<semaphore_mem>>) src(%arg17 : memref<128xf32, #tpu.memory_space<vmem>>) dst(%dma_wait3A_283 : memref<10112xf32, #tpu.memory_space<vmem_shared>>)
      %dma_start3A_284 = arith.constant 1 : i32
      %dma_start3A_285 = arith.constant 4 : i32
      %dma_start3A_286 = arith.constant 0 : i32
      %dma_start3A_287 = tpu.memref_slice %arg10[%rem3A_95, %dma_start3A_284, %dma_start3A_285, %dma_start3A_286] : memref<2x2x8x128xi32, #tpu.memory_space<vmem>> -> memref<1x1x1x128xi32, #tpu.memory_space<vmem>>
      %dma_start3A_288 = tpu.memref_squeeze %dma_start3A_287 : memref<1x1x1x128xi32, #tpu.memory_space<vmem>> -> memref<128xi32, #tpu.memory_space<vmem>>
      %dma_start3A_289 = arith.constant 0 : i32
      %dma_start3A_290 = tpu.memref_slice %arg18[%dma_start3A_289] : memref<10112xf32, #tpu.memory_space<vmem_shared>> -> memref<10112xf32, #tpu.memory_space<vmem_shared>>
      tpu.enqueue_indirect_dma source(%arg17 : memref<128xf32, #tpu.memory_space<vmem>>) target(%dma_start3A_290 : memref<10112xf32, #tpu.memory_space<vmem_shared>>) offsets(%dma_start3A_288 : memref<128xi32, #tpu.memory_space<vmem>>) semaphore(%arg16 : memref<!tpu.dma_semaphore, #tpu.memory_space<semaphore_mem>>) {add = true}
      %dma_start3A_291 = arith.constant 0 : i32
      %dma_start3A_292 = arith.constant 6 : i32
      %dma_start3A_293 = arith.constant 0 : i32
      %dma_start3A_294 = arith.constant 0 : i32
      %dma_start3A_295 = arith.constant 0 : i32
      %dma_start3A_296 = tpu.memref_slice %arg11[%dma_start3A_293, %dma_start3A_294, %dma_start3A_295] : memref<2x128x128xf32, #tpu.memory_space<vmem>> -> memref<1x128x128xf32, #tpu.memory_space<vmem>>
      %dma_start3A_297 = tpu.memref_squeeze %dma_start3A_296 : memref<1x128x128xf32, #tpu.memory_space<vmem>> -> memref<128x128xf32, #tpu.memory_space<vmem>>
      %dma_start3A_298 = arith.constant 0 : i32
      %dma_start3A_299 = tpu.memref_slice %arg10[%rem3A_95, %dma_start3A_291, %dma_start3A_292, %dma_start3A_298] : memref<2x2x8x128xi32, #tpu.memory_space<vmem>> -> memref<1x1x1x128xi32, #tpu.memory_space<vmem>>
      %dma_start3A_300 = tpu.memref_squeeze %dma_start3A_299 : memref<1x1x1x128xi32, #tpu.memory_space<vmem>> -> memref<128xi32, #tpu.memory_space<vmem>>
      %dma_start3A_301 = arith.constant 0 : i32
      %dma_start3A_302 = arith.constant 0 : i32
      %dma_start3A_303 = tpu.memref_slice %arg2[%dma_start3A_301, %dma_start3A_302] : memref<10112x128xf32, #tpu.memory_space<hbm>> -> memref<10112x128xf32, #tpu.memory_space<hbm>>
      tpu.enqueue_indirect_dma source(%dma_start3A_303 : memref<10112x128xf32, #tpu.memory_space<hbm>>) target(%dma_start3A_297 : memref<128x128xf32, #tpu.memory_space<vmem>>) offsets(%dma_start3A_300 : memref<128xi32, #tpu.memory_space<vmem>>) semaphore(%arg13 : memref<!tpu.dma_semaphore, #tpu.memory_space<semaphore_mem>>)
      %dma_wait3A_304 = arith.constant 0 : i32
      %dma_wait3A_305 = arith.constant 5 : i32
      %dma_wait3A_306 = arith.constant 1 : i32
      %dma_wait3A_307 = arith.constant 0 : i32
      %dma_wait3A_308 = arith.constant 0 : i32
      %dma_wait3A_309 = tpu.memref_slice %arg11[%dma_wait3A_306, %dma_wait3A_307, %dma_wait3A_308] : memref<2x128x128xf32, #tpu.memory_space<vmem>> -> memref<1x128x128xf32, #tpu.memory_space<vmem>>
      %dma_wait3A_310 = tpu.memref_squeeze %dma_wait3A_309 : memref<1x128x128xf32, #tpu.memory_space<vmem>> -> memref<128x128xf32, #tpu.memory_space<vmem>>
      %dma_wait3A_311 = arith.constant 0 : i32
      %dma_wait3A_312 = tpu.memref_slice %arg10[%rem3A_95, %dma_wait3A_304, %dma_wait3A_305, %dma_wait3A_311] : memref<2x2x8x128xi32, #tpu.memory_space<vmem>> -> memref<1x1x1x128xi32, #tpu.memory_space<vmem>>
      %dma_wait3A_313 = tpu.memref_squeeze %dma_wait3A_312 : memref<1x1x1x128xi32, #tpu.memory_space<vmem>> -> memref<128xi32, #tpu.memory_space<vmem>>
      %dma_wait3A_314 = arith.constant 0 : i32
      %dma_wait3A_315 = arith.constant 0 : i32
      %dma_wait3A_316 = tpu.memref_slice %arg2[%dma_wait3A_314, %dma_wait3A_315] : memref<10112x128xf32, #tpu.memory_space<hbm>> -> memref<10112x128xf32, #tpu.memory_space<hbm>>
      tpu.wait_indirect_dma semaphore(%arg14 : memref<!tpu.dma_semaphore, #tpu.memory_space<semaphore_mem>>) src(%dma_wait3A_316 : memref<10112x128xf32, #tpu.memory_space<hbm>>) dst(%dma_wait3A_310 : memref<128x128xf32, #tpu.memory_space<vmem>>)
      %run_scoped3A_317 = arith.constant 1 : i32
      %run_scoped3A_318 = arith.constant 1 : i32
      %run_scoped3A_319 = arith.constant 5 : i32
      "tpu.region"() ({
        %run_scoped3A_433 = tpu.sem_alloc : memref<!tpu.dma_semaphore, #tpu.memory_space<semaphore_mem>>
        %dma_start3A_434 = arith.constant 0 : i32
        %dma_start3A_435 = arith.constant 0 : i32
        %dma_start3A_436 = tpu.memref_slice %arg11[%run_scoped3A_317, %dma_start3A_434, %dma_start3A_435] : memref<2x128x128xf32, #tpu.memory_space<vmem>> -> memref<1x128x128xf32, #tpu.memory_space<vmem>>
        %dma_start3A_437 = tpu.memref_squeeze %dma_start3A_436 : memref<1x128x128xf32, #tpu.memory_space<vmem>> -> memref<128x128xf32, #tpu.memory_space<vmem>>
        %dma_start3A_438 = arith.constant 0 : i32
        %dma_start3A_439 = tpu.memref_slice %arg10[%rem3A_95, %run_scoped3A_318, %run_scoped3A_319, %dma_start3A_438] : memref<2x2x8x128xi32, #tpu.memory_space<vmem>> -> memref<1x1x1x128xi32, #tpu.memory_space<vmem>>
        %dma_start3A_440 = tpu.memref_squeeze %dma_start3A_439 : memref<1x1x1x128xi32, #tpu.memory_space<vmem>> -> memref<128xi32, #tpu.memory_space<vmem>>
        %dma_start3A_441 = arith.constant 0 : i32
        %dma_start3A_442 = arith.constant 0 : i32
        %dma_start3A_443 = tpu.memref_slice %arg12[%dma_start3A_441, %dma_start3A_442] : memref<10112x128xf32, #tpu.memory_space<vmem_shared>> -> memref<10112x128xf32, #tpu.memory_space<vmem_shared>>
        tpu.enqueue_indirect_dma source(%dma_start3A_437 : memref<128x128xf32, #tpu.memory_space<vmem>>) target(%dma_start3A_443 : memref<10112x128xf32, #tpu.memory_space<vmem_shared>>) offsets(%dma_start3A_440 : memref<128xi32, #tpu.memory_space<vmem>>) semaphore(%run_scoped3A_433 : memref<!tpu.dma_semaphore, #tpu.memory_space<semaphore_mem>>) {add = true}
        %dma_wait3A_444 = arith.constant 0 : i32
        %dma_wait3A_445 = arith.constant 0 : i32
        %dma_wait3A_446 = tpu.memref_slice %arg11[%run_scoped3A_317, %dma_wait3A_444, %dma_wait3A_445] : memref<2x128x128xf32, #tpu.memory_space<vmem>> -> memref<1x128x128xf32, #tpu.memory_space<vmem>>
        %dma_wait3A_447 = tpu.memref_squeeze %dma_wait3A_446 : memref<1x128x128xf32, #tpu.memory_space<vmem>> -> memref<128x128xf32, #tpu.memory_space<vmem>>
        %dma_wait3A_448 = arith.constant 0 : i32
        %dma_wait3A_449 = tpu.memref_slice %arg10[%rem3A_95, %run_scoped3A_318, %run_scoped3A_319, %dma_wait3A_448] : memref<2x2x8x128xi32, #tpu.memory_space<vmem>> -> memref<1x1x1x128xi32, #tpu.memory_space<vmem>>
        %dma_wait3A_450 = tpu.memref_squeeze %dma_wait3A_449 : memref<1x1x1x128xi32, #tpu.memory_space<vmem>> -> memref<128xi32, #tpu.memory_space<vmem>>
        %dma_wait3A_451 = arith.constant 0 : i32
        %dma_wait3A_452 = arith.constant 0 : i32
        %dma_wait3A_453 = tpu.memref_slice %arg12[%dma_wait3A_451, %dma_wait3A_452] : memref<10112x128xf32, #tpu.memory_space<vmem_shared>> -> memref<10112x128xf32, #tpu.memory_space<vmem_shared>>
        tpu.wait_indirect_dma semaphore(%run_scoped3A_433 : memref<!tpu.dma_semaphore, #tpu.memory_space<semaphore_mem>>) src(%dma_wait3A_447 : memref<128x128xf32, #tpu.memory_space<vmem>>) dst(%dma_wait3A_453 : memref<10112x128xf32, #tpu.memory_space<vmem_shared>>)
        tpu.yield
      }) : () -> ()
      %dma_wait3A_320 = arith.constant 1 : i32
      %dma_wait3A_321 = arith.constant 4 : i32
      %dma_wait3A_322 = arith.constant 0 : i32
      %dma_wait3A_323 = tpu.memref_slice %arg10[%rem3A_95, %dma_wait3A_320, %dma_wait3A_321, %dma_wait3A_322] : memref<2x2x8x128xi32, #tpu.memory_space<vmem>> -> memref<1x1x1x128xi32, #tpu.memory_space<vmem>>
      %dma_wait3A_324 = tpu.memref_squeeze %dma_wait3A_323 : memref<1x1x1x128xi32, #tpu.memory_space<vmem>> -> memref<128xi32, #tpu.memory_space<vmem>>
      %dma_wait3A_325 = arith.constant 0 : i32
      %dma_wait3A_326 = tpu.memref_slice %arg18[%dma_wait3A_325] : memref<10112xf32, #tpu.memory_space<vmem_shared>> -> memref<10112xf32, #tpu.memory_space<vmem_shared>>
      tpu.wait_indirect_dma semaphore(%arg16 : memref<!tpu.dma_semaphore, #tpu.memory_space<semaphore_mem>>) src(%arg17 : memref<128xf32, #tpu.memory_space<vmem>>) dst(%dma_wait3A_326 : memref<10112xf32, #tpu.memory_space<vmem_shared>>)
      %dma_start3A_327 = arith.constant 1 : i32
      %dma_start3A_328 = arith.constant 5 : i32
      %dma_start3A_329 = arith.constant 0 : i32
      %dma_start3A_330 = tpu.memref_slice %arg10[%rem3A_95, %dma_start3A_327, %dma_start3A_328, %dma_start3A_329] : memref<2x2x8x128xi32, #tpu.memory_space<vmem>> -> memref<1x1x1x128xi32, #tpu.memory_space<vmem>>
      %dma_start3A_331 = tpu.memref_squeeze %dma_start3A_330 : memref<1x1x1x128xi32, #tpu.memory_space<vmem>> -> memref<128xi32, #tpu.memory_space<vmem>>
      %dma_start3A_332 = arith.constant 0 : i32
      %dma_start3A_333 = tpu.memref_slice %arg18[%dma_start3A_332] : memref<10112xf32, #tpu.memory_space<vmem_shared>> -> memref<10112xf32, #tpu.memory_space<vmem_shared>>
      tpu.enqueue_indirect_dma source(%arg17 : memref<128xf32, #tpu.memory_space<vmem>>) target(%dma_start3A_333 : memref<10112xf32, #tpu.memory_space<vmem_shared>>) offsets(%dma_start3A_331 : memref<128xi32, #tpu.memory_space<vmem>>) semaphore(%arg16 : memref<!tpu.dma_semaphore, #tpu.memory_space<semaphore_mem>>) {add = true}
      %dma_start3A_334 = arith.constant 0 : i32
      %dma_start3A_335 = arith.constant 7 : i32
      %dma_start3A_336 = arith.constant 1 : i32
      %dma_start3A_337 = arith.constant 0 : i32
      %dma_start3A_338 = arith.constant 0 : i32
      %dma_start3A_339 = tpu.memref_slice %arg11[%dma_start3A_336, %dma_start3A_337, %dma_start3A_338] : memref<2x128x128xf32, #tpu.memory_space<vmem>> -> memref<1x128x128xf32, #tpu.memory_space<vmem>>
      %dma_start3A_340 = tpu.memref_squeeze %dma_start3A_339 : memref<1x128x128xf32, #tpu.memory_space<vmem>> -> memref<128x128xf32, #tpu.memory_space<vmem>>
      %dma_start3A_341 = arith.constant 0 : i32
      %dma_start3A_342 = tpu.memref_slice %arg10[%rem3A_95, %dma_start3A_334, %dma_start3A_335, %dma_start3A_341] : memref<2x2x8x128xi32, #tpu.memory_space<vmem>> -> memref<1x1x1x128xi32, #tpu.memory_space<vmem>>
      %dma_start3A_343 = tpu.memref_squeeze %dma_start3A_342 : memref<1x1x1x128xi32, #tpu.memory_space<vmem>> -> memref<128xi32, #tpu.memory_space<vmem>>
      %dma_start3A_344 = arith.constant 0 : i32
      %dma_start3A_345 = arith.constant 0 : i32
      %dma_start3A_346 = tpu.memref_slice %arg2[%dma_start3A_344, %dma_start3A_345] : memref<10112x128xf32, #tpu.memory_space<hbm>> -> memref<10112x128xf32, #tpu.memory_space<hbm>>
      tpu.enqueue_indirect_dma source(%dma_start3A_346 : memref<10112x128xf32, #tpu.memory_space<hbm>>) target(%dma_start3A_340 : memref<128x128xf32, #tpu.memory_space<vmem>>) offsets(%dma_start3A_343 : memref<128xi32, #tpu.memory_space<vmem>>) semaphore(%arg14 : memref<!tpu.dma_semaphore, #tpu.memory_space<semaphore_mem>>)
      %dma_wait3A_347 = arith.constant 0 : i32
      %dma_wait3A_348 = arith.constant 6 : i32
      %dma_wait3A_349 = arith.constant 0 : i32
      %dma_wait3A_350 = arith.constant 0 : i32
      %dma_wait3A_351 = arith.constant 0 : i32
      %dma_wait3A_352 = tpu.memref_slice %arg11[%dma_wait3A_349, %dma_wait3A_350, %dma_wait3A_351] : memref<2x128x128xf32, #tpu.memory_space<vmem>> -> memref<1x128x128xf32, #tpu.memory_space<vmem>>
      %dma_wait3A_353 = tpu.memref_squeeze %dma_wait3A_352 : memref<1x128x128xf32, #tpu.memory_space<vmem>> -> memref<128x128xf32, #tpu.memory_space<vmem>>
      %dma_wait3A_354 = arith.constant 0 : i32
      %dma_wait3A_355 = tpu.memref_slice %arg10[%rem3A_95, %dma_wait3A_347, %dma_wait3A_348, %dma_wait3A_354] : memref<2x2x8x128xi32, #tpu.memory_space<vmem>> -> memref<1x1x1x128xi32, #tpu.memory_space<vmem>>
      %dma_wait3A_356 = tpu.memref_squeeze %dma_wait3A_355 : memref<1x1x1x128xi32, #tpu.memory_space<vmem>> -> memref<128xi32, #tpu.memory_space<vmem>>
      %dma_wait3A_357 = arith.constant 0 : i32
      %dma_wait3A_358 = arith.constant 0 : i32
      %dma_wait3A_359 = tpu.memref_slice %arg2[%dma_wait3A_357, %dma_wait3A_358] : memref<10112x128xf32, #tpu.memory_space<hbm>> -> memref<10112x128xf32, #tpu.memory_space<hbm>>
      tpu.wait_indirect_dma semaphore(%arg13 : memref<!tpu.dma_semaphore, #tpu.memory_space<semaphore_mem>>) src(%dma_wait3A_359 : memref<10112x128xf32, #tpu.memory_space<hbm>>) dst(%dma_wait3A_353 : memref<128x128xf32, #tpu.memory_space<vmem>>)
      %run_scoped3A_360 = arith.constant 0 : i32
      %run_scoped3A_361 = arith.constant 1 : i32
      %run_scoped3A_362 = arith.constant 6 : i32
      "tpu.region"() ({
        %run_scoped3A_433 = tpu.sem_alloc : memref<!tpu.dma_semaphore, #tpu.memory_space<semaphore_mem>>
        %dma_start3A_434 = arith.constant 0 : i32
        %dma_start3A_435 = arith.constant 0 : i32
        %dma_start3A_436 = tpu.memref_slice %arg11[%run_scoped3A_360, %dma_start3A_434, %dma_start3A_435] : memref<2x128x128xf32, #tpu.memory_space<vmem>> -> memref<1x128x128xf32, #tpu.memory_space<vmem>>
        %dma_start3A_437 = tpu.memref_squeeze %dma_start3A_436 : memref<1x128x128xf32, #tpu.memory_space<vmem>> -> memref<128x128xf32, #tpu.memory_space<vmem>>
        %dma_start3A_438 = arith.constant 0 : i32
        %dma_start3A_439 = tpu.memref_slice %arg10[%rem3A_95, %run_scoped3A_361, %run_scoped3A_362, %dma_start3A_438] : memref<2x2x8x128xi32, #tpu.memory_space<vmem>> -> memref<1x1x1x128xi32, #tpu.memory_space<vmem>>
        %dma_start3A_440 = tpu.memref_squeeze %dma_start3A_439 : memref<1x1x1x128xi32, #tpu.memory_space<vmem>> -> memref<128xi32, #tpu.memory_space<vmem>>
        %dma_start3A_441 = arith.constant 0 : i32
        %dma_start3A_442 = arith.constant 0 : i32
        %dma_start3A_443 = tpu.memref_slice %arg12[%dma_start3A_441, %dma_start3A_442] : memref<10112x128xf32, #tpu.memory_space<vmem_shared>> -> memref<10112x128xf32, #tpu.memory_space<vmem_shared>>
        tpu.enqueue_indirect_dma source(%dma_start3A_437 : memref<128x128xf32, #tpu.memory_space<vmem>>) target(%dma_start3A_443 : memref<10112x128xf32, #tpu.memory_space<vmem_shared>>) offsets(%dma_start3A_440 : memref<128xi32, #tpu.memory_space<vmem>>) semaphore(%run_scoped3A_433 : memref<!tpu.dma_semaphore, #tpu.memory_space<semaphore_mem>>) {add = true}
        %dma_wait3A_444 = arith.constant 0 : i32
        %dma_wait3A_445 = arith.constant 0 : i32
        %dma_wait3A_446 = tpu.memref_slice %arg11[%run_scoped3A_360, %dma_wait3A_444, %dma_wait3A_445] : memref<2x128x128xf32, #tpu.memory_space<vmem>> -> memref<1x128x128xf32, #tpu.memory_space<vmem>>
        %dma_wait3A_447 = tpu.memref_squeeze %dma_wait3A_446 : memref<1x128x128xf32, #tpu.memory_space<vmem>> -> memref<128x128xf32, #tpu.memory_space<vmem>>
        %dma_wait3A_448 = arith.constant 0 : i32
        %dma_wait3A_449 = tpu.memref_slice %arg10[%rem3A_95, %run_scoped3A_361, %run_scoped3A_362, %dma_wait3A_448] : memref<2x2x8x128xi32, #tpu.memory_space<vmem>> -> memref<1x1x1x128xi32, #tpu.memory_space<vmem>>
        %dma_wait3A_450 = tpu.memref_squeeze %dma_wait3A_449 : memref<1x1x1x128xi32, #tpu.memory_space<vmem>> -> memref<128xi32, #tpu.memory_space<vmem>>
        %dma_wait3A_451 = arith.constant 0 : i32
        %dma_wait3A_452 = arith.constant 0 : i32
        %dma_wait3A_453 = tpu.memref_slice %arg12[%dma_wait3A_451, %dma_wait3A_452] : memref<10112x128xf32, #tpu.memory_space<vmem_shared>> -> memref<10112x128xf32, #tpu.memory_space<vmem_shared>>
        tpu.wait_indirect_dma semaphore(%run_scoped3A_433 : memref<!tpu.dma_semaphore, #tpu.memory_space<semaphore_mem>>) src(%dma_wait3A_447 : memref<128x128xf32, #tpu.memory_space<vmem>>) dst(%dma_wait3A_453 : memref<10112x128xf32, #tpu.memory_space<vmem_shared>>)
        tpu.yield
      }) : () -> ()
      %dma_wait3A_363 = arith.constant 1 : i32
      %dma_wait3A_364 = arith.constant 5 : i32
      %dma_wait3A_365 = arith.constant 0 : i32
      %dma_wait3A_366 = tpu.memref_slice %arg10[%rem3A_95, %dma_wait3A_363, %dma_wait3A_364, %dma_wait3A_365] : memref<2x2x8x128xi32, #tpu.memory_space<vmem>> -> memref<1x1x1x128xi32, #tpu.memory_space<vmem>>
      %dma_wait3A_367 = tpu.memref_squeeze %dma_wait3A_366 : memref<1x1x1x128xi32, #tpu.memory_space<vmem>> -> memref<128xi32, #tpu.memory_space<vmem>>
      %dma_wait3A_368 = arith.constant 0 : i32
      %dma_wait3A_369 = tpu.memref_slice %arg18[%dma_wait3A_368] : memref<10112xf32, #tpu.memory_space<vmem_shared>> -> memref<10112xf32, #tpu.memory_space<vmem_shared>>
      tpu.wait_indirect_dma semaphore(%arg16 : memref<!tpu.dma_semaphore, #tpu.memory_space<semaphore_mem>>) src(%arg17 : memref<128xf32, #tpu.memory_space<vmem>>) dst(%dma_wait3A_369 : memref<10112xf32, #tpu.memory_space<vmem_shared>>)
      %dma_start3A_370 = arith.constant 1 : i32
      %dma_start3A_371 = arith.constant 6 : i32
      %dma_start3A_372 = arith.constant 0 : i32
      %dma_start3A_373 = tpu.memref_slice %arg10[%rem3A_95, %dma_start3A_370, %dma_start3A_371, %dma_start3A_372] : memref<2x2x8x128xi32, #tpu.memory_space<vmem>> -> memref<1x1x1x128xi32, #tpu.memory_space<vmem>>
      %dma_start3A_374 = tpu.memref_squeeze %dma_start3A_373 : memref<1x1x1x128xi32, #tpu.memory_space<vmem>> -> memref<128xi32, #tpu.memory_space<vmem>>
      %dma_start3A_375 = arith.constant 0 : i32
      %dma_start3A_376 = tpu.memref_slice %arg18[%dma_start3A_375] : memref<10112xf32, #tpu.memory_space<vmem_shared>> -> memref<10112xf32, #tpu.memory_space<vmem_shared>>
      tpu.enqueue_indirect_dma source(%arg17 : memref<128xf32, #tpu.memory_space<vmem>>) target(%dma_start3A_376 : memref<10112xf32, #tpu.memory_space<vmem_shared>>) offsets(%dma_start3A_374 : memref<128xi32, #tpu.memory_space<vmem>>) semaphore(%arg16 : memref<!tpu.dma_semaphore, #tpu.memory_space<semaphore_mem>>) {add = true}
      %lt3A = arith.constant 9 : i32
      %lt3A_377 = arith.cmpi slt, %scan3A_94, %lt3A : i32
      %convert_element_type3A_378 = arith.extui %lt3A_377 : i1 to i32
      %cond3A_379 = arith.constant 0 : i32
      %cond3A_380 = arith.cmpi ne, %convert_element_type3A_378, %cond3A_379 : i32
      scf.if %cond3A_380 {
        %add3A_433 = arith.addi %mul3A_2, %scan3A_94 : i32
        %add3A_434 = arith.constant 1 : i32
        %add3A_435 = arith.addi %add3A_433, %add3A_434 : i32
        %dma_wait3A_436 = arith.constant 0 : i32
        %dma_wait3A_437 = arith.constant 0 : i32
        %dma_wait3A_438 = arith.constant 0 : i32
        %dma_wait3A_439 = tpu.memref_slice %arg10[%sub3A_96, %dma_wait3A_436, %dma_wait3A_437, %dma_wait3A_438] : memref<2x2x8x128xi32, #tpu.memory_space<vmem>> -> memref<1x1x8x128xi32, #tpu.memory_space<vmem>>
        %dma_wait3A_440 = tpu.memref_squeeze %dma_wait3A_439 : memref<1x1x8x128xi32, #tpu.memory_space<vmem>> -> memref<8x128xi32, #tpu.memory_space<vmem>>
        %dma_wait3A_441 = arith.constant 0 : i32
        %dma_wait3A_442 = arith.constant 0 : i32
        %dma_wait3A_443 = tpu.memref_slice %arg3[%add3A_435, %dma_wait3A_441, %dma_wait3A_442] : memref<320x8x128xi32, #tpu.memory_space<hbm>> -> memref<1x8x128xi32, #tpu.memory_space<hbm>>
        %dma_wait3A_444 = tpu.memref_squeeze %dma_wait3A_443 : memref<1x8x128xi32, #tpu.memory_space<hbm>> -> memref<8x128xi32, #tpu.memory_space<hbm>>
        %dma_wait3A_445 = arith.constant 0 : i32
        %dma_wait3A_446 = arith.constant 0 : i32
        %dma_wait3A_447 = tpu.memref_slice %arg10[%sub3A_96, %dma_wait3A_436, %dma_wait3A_445, %dma_wait3A_446] : memref<2x2x8x128xi32, #tpu.memory_space<vmem>> -> memref<1x1x8x128xi32, #tpu.memory_space<vmem>>
        %dma_wait3A_448 = tpu.memref_squeeze %dma_wait3A_447 : memref<1x1x8x128xi32, #tpu.memory_space<vmem>> -> memref<8x128xi32, #tpu.memory_space<vmem>>
        %dma_wait3A_449 = arith.constant 0 : i32
        %dma_wait3A_450 = arith.constant 0 : i32
        %dma_wait3A_451 = tpu.memref_slice %arg3[%add3A_435, %dma_wait3A_449, %dma_wait3A_450] : memref<320x8x128xi32, #tpu.memory_space<hbm>> -> memref<1x8x128xi32, #tpu.memory_space<hbm>>
        %dma_wait3A_452 = tpu.memref_squeeze %dma_wait3A_451 : memref<1x8x128xi32, #tpu.memory_space<hbm>> -> memref<8x128xi32, #tpu.memory_space<hbm>>
        tpu.wait_dma2 semaphore(%arg15 : memref<!tpu.dma_semaphore, #tpu.memory_space<semaphore_mem>>) src(%dma_wait3A_452 : memref<8x128xi32, #tpu.memory_space<hbm>>) dst(%dma_wait3A_448 : memref<8x128xi32, #tpu.memory_space<vmem>>)
        %add3A_453 = arith.addi %mul3A_2, %scan3A_94 : i32
        %add3A_454 = arith.constant 1 : i32
        %add3A_455 = arith.addi %add3A_453, %add3A_454 : i32
        %dma_wait3A_456 = arith.constant 1 : i32
        %dma_wait3A_457 = arith.constant 0 : i32
        %dma_wait3A_458 = arith.constant 0 : i32
        %dma_wait3A_459 = tpu.memref_slice %arg10[%sub3A_96, %dma_wait3A_456, %dma_wait3A_457, %dma_wait3A_458] : memref<2x2x8x128xi32, #tpu.memory_space<vmem>> -> memref<1x1x8x128xi32, #tpu.memory_space<vmem>>
        %dma_wait3A_460 = tpu.memref_squeeze %dma_wait3A_459 : memref<1x1x8x128xi32, #tpu.memory_space<vmem>> -> memref<8x128xi32, #tpu.memory_space<vmem>>
        %dma_wait3A_461 = arith.constant 0 : i32
        %dma_wait3A_462 = arith.constant 0 : i32
        %dma_wait3A_463 = tpu.memref_slice %arg4[%add3A_455, %dma_wait3A_461, %dma_wait3A_462] : memref<320x8x128xi32, #tpu.memory_space<hbm>> -> memref<1x8x128xi32, #tpu.memory_space<hbm>>
        %dma_wait3A_464 = tpu.memref_squeeze %dma_wait3A_463 : memref<1x8x128xi32, #tpu.memory_space<hbm>> -> memref<8x128xi32, #tpu.memory_space<hbm>>
        %dma_wait3A_465 = arith.constant 0 : i32
        %dma_wait3A_466 = arith.constant 0 : i32
        %dma_wait3A_467 = tpu.memref_slice %arg10[%sub3A_96, %dma_wait3A_456, %dma_wait3A_465, %dma_wait3A_466] : memref<2x2x8x128xi32, #tpu.memory_space<vmem>> -> memref<1x1x8x128xi32, #tpu.memory_space<vmem>>
        %dma_wait3A_468 = tpu.memref_squeeze %dma_wait3A_467 : memref<1x1x8x128xi32, #tpu.memory_space<vmem>> -> memref<8x128xi32, #tpu.memory_space<vmem>>
        %dma_wait3A_469 = arith.constant 0 : i32
        %dma_wait3A_470 = arith.constant 0 : i32
        %dma_wait3A_471 = tpu.memref_slice %arg4[%add3A_455, %dma_wait3A_469, %dma_wait3A_470] : memref<320x8x128xi32, #tpu.memory_space<hbm>> -> memref<1x8x128xi32, #tpu.memory_space<hbm>>
        %dma_wait3A_472 = tpu.memref_squeeze %dma_wait3A_471 : memref<1x8x128xi32, #tpu.memory_space<hbm>> -> memref<8x128xi32, #tpu.memory_space<hbm>>
        tpu.wait_dma2 semaphore(%arg15 : memref<!tpu.dma_semaphore, #tpu.memory_space<semaphore_mem>>) src(%dma_wait3A_472 : memref<8x128xi32, #tpu.memory_space<hbm>>) dst(%dma_wait3A_468 : memref<8x128xi32, #tpu.memory_space<vmem>>)
      } else {
      }
      %lt3A_381 = arith.constant 9 : i32
      %lt3A_382 = arith.cmpi slt, %scan3A_94, %lt3A_381 : i32
      %convert_element_type3A_383 = arith.extui %lt3A_382 : i1 to i32
      %cond3A_384 = arith.constant 0 : i32
      %cond3A_385 = arith.cmpi ne, %convert_element_type3A_383, %cond3A_384 : i32
      scf.if %cond3A_385 {
        %dma_start3A_433 = arith.constant 0 : i32
        %dma_start3A_434 = arith.constant 0 : i32
        %dma_start3A_435 = arith.constant 0 : i32
        %dma_start3A_436 = arith.constant 0 : i32
        %dma_start3A_437 = arith.constant 0 : i32
        %dma_start3A_438 = tpu.memref_slice %arg11[%dma_start3A_435, %dma_start3A_436, %dma_start3A_437] : memref<2x128x128xf32, #tpu.memory_space<vmem>> -> memref<1x128x128xf32, #tpu.memory_space<vmem>>
        %dma_start3A_439 = tpu.memref_squeeze %dma_start3A_438 : memref<1x128x128xf32, #tpu.memory_space<vmem>> -> memref<128x128xf32, #tpu.memory_space<vmem>>
        %dma_start3A_440 = arith.constant 0 : i32
        %dma_start3A_441 = tpu.memref_slice %arg10[%sub3A_96, %dma_start3A_433, %dma_start3A_434, %dma_start3A_440] : memref<2x2x8x128xi32, #tpu.memory_space<vmem>> -> memref<1x1x1x128xi32, #tpu.memory_space<vmem>>
        %dma_start3A_442 = tpu.memref_squeeze %dma_start3A_441 : memref<1x1x1x128xi32, #tpu.memory_space<vmem>> -> memref<128xi32, #tpu.memory_space<vmem>>
        %dma_start3A_443 = arith.constant 0 : i32
        %dma_start3A_444 = arith.constant 0 : i32
        %dma_start3A_445 = tpu.memref_slice %arg2[%dma_start3A_443, %dma_start3A_444] : memref<10112x128xf32, #tpu.memory_space<hbm>> -> memref<10112x128xf32, #tpu.memory_space<hbm>>
        tpu.enqueue_indirect_dma source(%dma_start3A_445 : memref<10112x128xf32, #tpu.memory_space<hbm>>) target(%dma_start3A_439 : memref<128x128xf32, #tpu.memory_space<vmem>>) offsets(%dma_start3A_442 : memref<128xi32, #tpu.memory_space<vmem>>) semaphore(%arg13 : memref<!tpu.dma_semaphore, #tpu.memory_space<semaphore_mem>>)
      } else {
      }
      %dma_wait3A_386 = arith.constant 0 : i32
      %dma_wait3A_387 = arith.constant 7 : i32
      %dma_wait3A_388 = arith.constant 1 : i32
      %dma_wait3A_389 = arith.constant 0 : i32
      %dma_wait3A_390 = arith.constant 0 : i32
      %dma_wait3A_391 = tpu.memref_slice %arg11[%dma_wait3A_388, %dma_wait3A_389, %dma_wait3A_390] : memref<2x128x128xf32, #tpu.memory_space<vmem>> -> memref<1x128x128xf32, #tpu.memory_space<vmem>>
      %dma_wait3A_392 = tpu.memref_squeeze %dma_wait3A_391 : memref<1x128x128xf32, #tpu.memory_space<vmem>> -> memref<128x128xf32, #tpu.memory_space<vmem>>
      %dma_wait3A_393 = arith.constant 0 : i32
      %dma_wait3A_394 = tpu.memref_slice %arg10[%rem3A_95, %dma_wait3A_386, %dma_wait3A_387, %dma_wait3A_393] : memref<2x2x8x128xi32, #tpu.memory_space<vmem>> -> memref<1x1x1x128xi32, #tpu.memory_space<vmem>>
      %dma_wait3A_395 = tpu.memref_squeeze %dma_wait3A_394 : memref<1x1x1x128xi32, #tpu.memory_space<vmem>> -> memref<128xi32, #tpu.memory_space<vmem>>
      %dma_wait3A_396 = arith.constant 0 : i32
      %dma_wait3A_397 = arith.constant 0 : i32
      %dma_wait3A_398 = tpu.memref_slice %arg2[%dma_wait3A_396, %dma_wait3A_397] : memref<10112x128xf32, #tpu.memory_space<hbm>> -> memref<10112x128xf32, #tpu.memory_space<hbm>>
      tpu.wait_indirect_dma semaphore(%arg14 : memref<!tpu.dma_semaphore, #tpu.memory_space<semaphore_mem>>) src(%dma_wait3A_398 : memref<10112x128xf32, #tpu.memory_space<hbm>>) dst(%dma_wait3A_392 : memref<128x128xf32, #tpu.memory_space<vmem>>)
      %run_scoped3A_399 = arith.constant 1 : i32
      %run_scoped3A_400 = arith.constant 1 : i32
      %run_scoped3A_401 = arith.constant 7 : i32
      "tpu.region"() ({
        %run_scoped3A_433 = tpu.sem_alloc : memref<!tpu.dma_semaphore, #tpu.memory_space<semaphore_mem>>
        %dma_start3A_434 = arith.constant 0 : i32
        %dma_start3A_435 = arith.constant 0 : i32
        %dma_start3A_436 = tpu.memref_slice %arg11[%run_scoped3A_399, %dma_start3A_434, %dma_start3A_435] : memref<2x128x128xf32, #tpu.memory_space<vmem>> -> memref<1x128x128xf32, #tpu.memory_space<vmem>>
        %dma_start3A_437 = tpu.memref_squeeze %dma_start3A_436 : memref<1x128x128xf32, #tpu.memory_space<vmem>> -> memref<128x128xf32, #tpu.memory_space<vmem>>
        %dma_start3A_438 = arith.constant 0 : i32
        %dma_start3A_439 = tpu.memref_slice %arg10[%rem3A_95, %run_scoped3A_400, %run_scoped3A_401, %dma_start3A_438] : memref<2x2x8x128xi32, #tpu.memory_space<vmem>> -> memref<1x1x1x128xi32, #tpu.memory_space<vmem>>
        %dma_start3A_440 = tpu.memref_squeeze %dma_start3A_439 : memref<1x1x1x128xi32, #tpu.memory_space<vmem>> -> memref<128xi32, #tpu.memory_space<vmem>>
        %dma_start3A_441 = arith.constant 0 : i32
        %dma_start3A_442 = arith.constant 0 : i32
        %dma_start3A_443 = tpu.memref_slice %arg12[%dma_start3A_441, %dma_start3A_442] : memref<10112x128xf32, #tpu.memory_space<vmem_shared>> -> memref<10112x128xf32, #tpu.memory_space<vmem_shared>>
        tpu.enqueue_indirect_dma source(%dma_start3A_437 : memref<128x128xf32, #tpu.memory_space<vmem>>) target(%dma_start3A_443 : memref<10112x128xf32, #tpu.memory_space<vmem_shared>>) offsets(%dma_start3A_440 : memref<128xi32, #tpu.memory_space<vmem>>) semaphore(%run_scoped3A_433 : memref<!tpu.dma_semaphore, #tpu.memory_space<semaphore_mem>>) {add = true}
        %dma_wait3A_444 = arith.constant 0 : i32
        %dma_wait3A_445 = arith.constant 0 : i32
        %dma_wait3A_446 = tpu.memref_slice %arg11[%run_scoped3A_399, %dma_wait3A_444, %dma_wait3A_445] : memref<2x128x128xf32, #tpu.memory_space<vmem>> -> memref<1x128x128xf32, #tpu.memory_space<vmem>>
        %dma_wait3A_447 = tpu.memref_squeeze %dma_wait3A_446 : memref<1x128x128xf32, #tpu.memory_space<vmem>> -> memref<128x128xf32, #tpu.memory_space<vmem>>
        %dma_wait3A_448 = arith.constant 0 : i32
        %dma_wait3A_449 = tpu.memref_slice %arg10[%rem3A_95, %run_scoped3A_400, %run_scoped3A_401, %dma_wait3A_448] : memref<2x2x8x128xi32, #tpu.memory_space<vmem>> -> memref<1x1x1x128xi32, #tpu.memory_space<vmem>>
        %dma_wait3A_450 = tpu.memref_squeeze %dma_wait3A_449 : memref<1x1x1x128xi32, #tpu.memory_space<vmem>> -> memref<128xi32, #tpu.memory_space<vmem>>
        %dma_wait3A_451 = arith.constant 0 : i32
        %dma_wait3A_452 = arith.constant 0 : i32
        %dma_wait3A_453 = tpu.memref_slice %arg12[%dma_wait3A_451, %dma_wait3A_452] : memref<10112x128xf32, #tpu.memory_space<vmem_shared>> -> memref<10112x128xf32, #tpu.memory_space<vmem_shared>>
        tpu.wait_indirect_dma semaphore(%run_scoped3A_433 : memref<!tpu.dma_semaphore, #tpu.memory_space<semaphore_mem>>) src(%dma_wait3A_447 : memref<128x128xf32, #tpu.memory_space<vmem>>) dst(%dma_wait3A_453 : memref<10112x128xf32, #tpu.memory_space<vmem_shared>>)
        tpu.yield
      }) : () -> ()
      %dma_wait3A_402 = arith.constant 1 : i32
      %dma_wait3A_403 = arith.constant 6 : i32
      %dma_wait3A_404 = arith.constant 0 : i32
      %dma_wait3A_405 = tpu.memref_slice %arg10[%rem3A_95, %dma_wait3A_402, %dma_wait3A_403, %dma_wait3A_404] : memref<2x2x8x128xi32, #tpu.memory_space<vmem>> -> memref<1x1x1x128xi32, #tpu.memory_space<vmem>>
      %dma_wait3A_406 = tpu.memref_squeeze %dma_wait3A_405 : memref<1x1x1x128xi32, #tpu.memory_space<vmem>> -> memref<128xi32, #tpu.memory_space<vmem>>
      %dma_wait3A_407 = arith.constant 0 : i32
      %dma_wait3A_408 = tpu.memref_slice %arg18[%dma_wait3A_407] : memref<10112xf32, #tpu.memory_space<vmem_shared>> -> memref<10112xf32, #tpu.memory_space<vmem_shared>>
      tpu.wait_indirect_dma semaphore(%arg16 : memref<!tpu.dma_semaphore, #tpu.memory_space<semaphore_mem>>) src(%arg17 : memref<128xf32, #tpu.memory_space<vmem>>) dst(%dma_wait3A_408 : memref<10112xf32, #tpu.memory_space<vmem_shared>>)
      %dma_start3A_409 = arith.constant 1 : i32
      %dma_start3A_410 = arith.constant 7 : i32
      %dma_start3A_411 = arith.constant 0 : i32
      %dma_start3A_412 = tpu.memref_slice %arg10[%rem3A_95, %dma_start3A_409, %dma_start3A_410, %dma_start3A_411] : memref<2x2x8x128xi32, #tpu.memory_space<vmem>> -> memref<1x1x1x128xi32, #tpu.memory_space<vmem>>
      %dma_start3A_413 = tpu.memref_squeeze %dma_start3A_412 : memref<1x1x1x128xi32, #tpu.memory_space<vmem>> -> memref<128xi32, #tpu.memory_space<vmem>>
      %dma_start3A_414 = arith.constant 0 : i32
      %dma_start3A_415 = tpu.memref_slice %arg18[%dma_start3A_414] : memref<10112xf32, #tpu.memory_space<vmem_shared>> -> memref<10112xf32, #tpu.memory_space<vmem_shared>>
      tpu.enqueue_indirect_dma source(%arg17 : memref<128xf32, #tpu.memory_space<vmem>>) target(%dma_start3A_415 : memref<10112xf32, #tpu.memory_space<vmem_shared>>) offsets(%dma_start3A_413 : memref<128xi32, #tpu.memory_space<vmem>>) semaphore(%arg16 : memref<!tpu.dma_semaphore, #tpu.memory_space<semaphore_mem>>) {add = true}
      %lt3A_416 = arith.constant 9 : i32
      %lt3A_417 = arith.cmpi slt, %scan3A_94, %lt3A_416 : i32
      %convert_element_type3A_418 = arith.extui %lt3A_417 : i1 to i32
      %cond3A_419 = arith.constant 0 : i32
      %cond3A_420 = arith.cmpi ne, %convert_element_type3A_418, %cond3A_419 : i32
      scf.if %cond3A_420 {
        %dma_start3A_433 = arith.constant 0 : i32
        %dma_start3A_434 = arith.constant 1 : i32
        %dma_start3A_435 = arith.constant 1 : i32
        %dma_start3A_436 = arith.constant 0 : i32
        %dma_start3A_437 = arith.constant 0 : i32
        %dma_start3A_438 = tpu.memref_slice %arg11[%dma_start3A_435, %dma_start3A_436, %dma_start3A_437] : memref<2x128x128xf32, #tpu.memory_space<vmem>> -> memref<1x128x128xf32, #tpu.memory_space<vmem>>
        %dma_start3A_439 = tpu.memref_squeeze %dma_start3A_438 : memref<1x128x128xf32, #tpu.memory_space<vmem>> -> memref<128x128xf32, #tpu.memory_space<vmem>>
        %dma_start3A_440 = arith.constant 0 : i32
        %dma_start3A_441 = tpu.memref_slice %arg10[%sub3A_96, %dma_start3A_433, %dma_start3A_434, %dma_start3A_440] : memref<2x2x8x128xi32, #tpu.memory_space<vmem>> -> memref<1x1x1x128xi32, #tpu.memory_space<vmem>>
        %dma_start3A_442 = tpu.memref_squeeze %dma_start3A_441 : memref<1x1x1x128xi32, #tpu.memory_space<vmem>> -> memref<128xi32, #tpu.memory_space<vmem>>
        %dma_start3A_443 = arith.constant 0 : i32
        %dma_start3A_444 = arith.constant 0 : i32
        %dma_start3A_445 = tpu.memref_slice %arg2[%dma_start3A_443, %dma_start3A_444] : memref<10112x128xf32, #tpu.memory_space<hbm>> -> memref<10112x128xf32, #tpu.memory_space<hbm>>
        tpu.enqueue_indirect_dma source(%dma_start3A_445 : memref<10112x128xf32, #tpu.memory_space<hbm>>) target(%dma_start3A_439 : memref<128x128xf32, #tpu.memory_space<vmem>>) offsets(%dma_start3A_442 : memref<128xi32, #tpu.memory_space<vmem>>) semaphore(%arg14 : memref<!tpu.dma_semaphore, #tpu.memory_space<semaphore_mem>>)
      } else {
      }
      %dma_wait3A_421 = arith.constant 1 : i32
      %dma_wait3A_422 = arith.constant 7 : i32
      %dma_wait3A_423 = arith.constant 0 : i32
      %dma_wait3A_424 = tpu.memref_slice %arg10[%rem3A_95, %dma_wait3A_421, %dma_wait3A_422, %dma_wait3A_423] : memref<2x2x8x128xi32, #tpu.memory_space<vmem>> -> memref<1x1x1x128xi32, #tpu.memory_space<vmem>>
      %dma_wait3A_425 = tpu.memref_squeeze %dma_wait3A_424 : memref<1x1x1x128xi32, #tpu.memory_space<vmem>> -> memref<128xi32, #tpu.memory_space<vmem>>
      %dma_wait3A_426 = arith.constant 0 : i32
      %dma_wait3A_427 = tpu.memref_slice %arg18[%dma_wait3A_426] : memref<10112xf32, #tpu.memory_space<vmem_shared>> -> memref<10112xf32, #tpu.memory_space<vmem_shared>>
      tpu.wait_indirect_dma semaphore(%arg16 : memref<!tpu.dma_semaphore, #tpu.memory_space<semaphore_mem>>) src(%arg17 : memref<128xf32, #tpu.memory_space<vmem>>) dst(%dma_wait3A_427 : memref<10112xf32, #tpu.memory_space<vmem_shared>>)
      %lt3A_428 = arith.constant 8 : i32
      %lt3A_429 = arith.cmpi slt, %scan3A_94, %lt3A_428 : i32
      %convert_element_type3A_430 = arith.extui %lt3A_429 : i1 to i32
      %cond3A_431 = arith.constant 0 : i32
      %cond3A_432 = arith.cmpi ne, %convert_element_type3A_430, %cond3A_431 : i32
      scf.if %cond3A_432 {
        %add3A_433 = arith.addi %mul3A_2, %scan3A_94 : i32
        %add3A_434 = arith.constant 2 : i32
        %add3A_435 = arith.addi %add3A_433, %add3A_434 : i32
        %dma_start3A_436 = arith.constant 0 : i32
        %dma_start3A_437 = arith.constant 0 : i32
        %dma_start3A_438 = arith.constant 0 : i32
        %dma_start3A_439 = tpu.memref_slice %arg10[%rem3A_95, %dma_start3A_436, %dma_start3A_437, %dma_start3A_438] : memref<2x2x8x128xi32, #tpu.memory_space<vmem>> -> memref<1x1x8x128xi32, #tpu.memory_space<vmem>>
        %dma_start3A_440 = tpu.memref_squeeze %dma_start3A_439 : memref<1x1x8x128xi32, #tpu.memory_space<vmem>> -> memref<8x128xi32, #tpu.memory_space<vmem>>
        %dma_start3A_441 = arith.constant 0 : i32
        %dma_start3A_442 = arith.constant 0 : i32
        %dma_start3A_443 = tpu.memref_slice %arg3[%add3A_435, %dma_start3A_441, %dma_start3A_442] : memref<320x8x128xi32, #tpu.memory_space<hbm>> -> memref<1x8x128xi32, #tpu.memory_space<hbm>>
        %dma_start3A_444 = tpu.memref_squeeze %dma_start3A_443 : memref<1x8x128xi32, #tpu.memory_space<hbm>> -> memref<8x128xi32, #tpu.memory_space<hbm>>
        %dma_start3A_445 = arith.constant 0 : i32
        %dma_start3A_446 = arith.constant 0 : i32
        %dma_start3A_447 = tpu.memref_slice %arg10[%rem3A_95, %dma_start3A_436, %dma_start3A_445, %dma_start3A_446] : memref<2x2x8x128xi32, #tpu.memory_space<vmem>> -> memref<1x1x8x128xi32, #tpu.memory_space<vmem>>
        %dma_start3A_448 = tpu.memref_squeeze %dma_start3A_447 : memref<1x1x8x128xi32, #tpu.memory_space<vmem>> -> memref<8x128xi32, #tpu.memory_space<vmem>>
        %dma_start3A_449 = arith.constant 0 : i32
        %dma_start3A_450 = arith.constant 0 : i32
        %dma_start3A_451 = tpu.memref_slice %arg3[%add3A_435, %dma_start3A_449, %dma_start3A_450] : memref<320x8x128xi32, #tpu.memory_space<hbm>> -> memref<1x8x128xi32, #tpu.memory_space<hbm>>
        %dma_start3A_452 = tpu.memref_squeeze %dma_start3A_451 : memref<1x8x128xi32, #tpu.memory_space<hbm>> -> memref<8x128xi32, #tpu.memory_space<hbm>>
        tpu.enqueue_dma source(%dma_start3A_452 : memref<8x128xi32, #tpu.memory_space<hbm>>) target(%dma_start3A_448 : memref<8x128xi32, #tpu.memory_space<vmem>>) target_semaphore(%arg15 : memref<!tpu.dma_semaphore, #tpu.memory_space<semaphore_mem>>)
        %add3A_453 = arith.addi %mul3A_2, %scan3A_94 : i32
        %add3A_454 = arith.constant 2 : i32
        %add3A_455 = arith.addi %add3A_453, %add3A_454 : i32
        %dma_start3A_456 = arith.constant 1 : i32
        %dma_start3A_457 = arith.constant 0 : i32
        %dma_start3A_458 = arith.constant 0 : i32
        %dma_start3A_459 = tpu.memref_slice %arg10[%rem3A_95, %dma_start3A_456, %dma_start3A_457, %dma_start3A_458] : memref<2x2x8x128xi32, #tpu.memory_space<vmem>> -> memref<1x1x8x128xi32, #tpu.memory_space<vmem>>
        %dma_start3A_460 = tpu.memref_squeeze %dma_start3A_459 : memref<1x1x8x128xi32, #tpu.memory_space<vmem>> -> memref<8x128xi32, #tpu.memory_space<vmem>>
        %dma_start3A_461 = arith.constant 0 : i32
        %dma_start3A_462 = arith.constant 0 : i32
        %dma_start3A_463 = tpu.memref_slice %arg4[%add3A_455, %dma_start3A_461, %dma_start3A_462] : memref<320x8x128xi32, #tpu.memory_space<hbm>> -> memref<1x8x128xi32, #tpu.memory_space<hbm>>
        %dma_start3A_464 = tpu.memref_squeeze %dma_start3A_463 : memref<1x8x128xi32, #tpu.memory_space<hbm>> -> memref<8x128xi32, #tpu.memory_space<hbm>>
        %dma_start3A_465 = arith.constant 0 : i32
        %dma_start3A_466 = arith.constant 0 : i32
        %dma_start3A_467 = tpu.memref_slice %arg10[%rem3A_95, %dma_start3A_456, %dma_start3A_465, %dma_start3A_466] : memref<2x2x8x128xi32, #tpu.memory_space<vmem>> -> memref<1x1x8x128xi32, #tpu.memory_space<vmem>>
        %dma_start3A_468 = tpu.memref_squeeze %dma_start3A_467 : memref<1x1x8x128xi32, #tpu.memory_space<vmem>> -> memref<8x128xi32, #tpu.memory_space<vmem>>
        %dma_start3A_469 = arith.constant 0 : i32
        %dma_start3A_470 = arith.constant 0 : i32
        %dma_start3A_471 = tpu.memref_slice %arg4[%add3A_455, %dma_start3A_469, %dma_start3A_470] : memref<320x8x128xi32, #tpu.memory_space<hbm>> -> memref<1x8x128xi32, #tpu.memory_space<hbm>>
        %dma_start3A_472 = tpu.memref_squeeze %dma_start3A_471 : memref<1x8x128xi32, #tpu.memory_space<hbm>> -> memref<8x128xi32, #tpu.memory_space<hbm>>
        tpu.enqueue_dma source(%dma_start3A_472 : memref<8x128xi32, #tpu.memory_space<hbm>>) target(%dma_start3A_468 : memref<8x128xi32, #tpu.memory_space<vmem>>) target_semaphore(%arg15 : memref<!tpu.dma_semaphore, #tpu.memory_space<semaphore_mem>>)
      } else {
      }
    }
    %scan3A_83 = arith.constant 10 : i32
    %barrier3A_84 = arith.constant 0 : index
    tpu.barrier barrier_id(%barrier3A_84)
    %mul3A_85 = arith.constant 632 : i32
    %mul3A_86 = arith.muli %arg1, %mul3A_85 : i32
    %mul3A_87 = arith.constant 632 : i32
    %mul3A_88 = arith.muli %arg1, %mul3A_87 : i32
    "tpu.region"() ({
      %run_scoped3A_94 = tpu.sem_alloc : memref<!tpu.dma_semaphore, #tpu.memory_space<semaphore_mem>>
      %dma_start3A_95 = arith.constant 0 : i32
      %dma_start3A_96 = tpu.memref_slice %arg8[%arg0, %mul3A_88, %dma_start3A_95] : memref<2x10112x128xf32, #tpu.memory_space<hbm>> -> memref<1x632x128xf32, #tpu.memory_space<hbm>>
      %dma_start3A_97 = tpu.memref_squeeze %dma_start3A_96 : memref<1x632x128xf32, #tpu.memory_space<hbm>> -> memref<632x128xf32, #tpu.memory_space<hbm>>
      %dma_start3A_98 = arith.constant 0 : i32
      %dma_start3A_99 = tpu.memref_slice %arg12[%mul3A_86, %dma_start3A_98] : memref<10112x128xf32, #tpu.memory_space<vmem_shared>> -> memref<632x128xf32, #tpu.memory_space<vmem_shared>>
      tpu.enqueue_dma source(%dma_start3A_99 : memref<632x128xf32, #tpu.memory_space<vmem_shared>>) target(%dma_start3A_97 : memref<632x128xf32, #tpu.memory_space<hbm>>) target_semaphore(%run_scoped3A_94 : memref<!tpu.dma_semaphore, #tpu.memory_space<semaphore_mem>>)
      %dma_wait3A = arith.constant 0 : i32
      %dma_wait3A_100 = tpu.memref_slice %arg8[%arg0, %mul3A_88, %dma_wait3A] : memref<2x10112x128xf32, #tpu.memory_space<hbm>> -> memref<1x632x128xf32, #tpu.memory_space<hbm>>
      %dma_wait3A_101 = tpu.memref_squeeze %dma_wait3A_100 : memref<1x632x128xf32, #tpu.memory_space<hbm>> -> memref<632x128xf32, #tpu.memory_space<hbm>>
      %dma_wait3A_102 = arith.constant 0 : i32
      %dma_wait3A_103 = tpu.memref_slice %arg12[%mul3A_86, %dma_wait3A_102] : memref<10112x128xf32, #tpu.memory_space<vmem_shared>> -> memref<632x128xf32, #tpu.memory_space<vmem_shared>>
      tpu.wait_dma2 semaphore(%run_scoped3A_94 : memref<!tpu.dma_semaphore, #tpu.memory_space<semaphore_mem>>) src(%dma_wait3A_103 : memref<632x128xf32, #tpu.memory_space<vmem_shared>>) dst(%dma_wait3A_101 : memref<632x128xf32, #tpu.memory_space<hbm>>)
      tpu.yield
    }) : () -> ()
    %eq3A_89 = arith.constant 0 : i32
    %eq3A_90 = arith.cmpi eq, %arg1, %eq3A_89 : i32
    %convert_element_type3A_91 = arith.extui %eq3A_90 : i1 to i32
    %cond3A_92 = arith.constant 0 : i32
    %cond3A_93 = arith.cmpi ne, %convert_element_type3A_91, %cond3A_92 : i32
    scf.if %cond3A_93 {
      "tpu.region"() ({
        %run_scoped3A_94 = tpu.sem_alloc : memref<!tpu.dma_semaphore, #tpu.memory_space<semaphore_mem>>
        %dma_start3A_95 = arith.constant 0 : i32
        %dma_start3A_96 = tpu.memref_slice %arg9[%arg0, %dma_start3A_95] : memref<2x10112xf32, #tpu.memory_space<hbm>> -> memref<1x10112xf32, #tpu.memory_space<hbm>>
        %dma_start3A_97 = tpu.memref_squeeze %dma_start3A_96 : memref<1x10112xf32, #tpu.memory_space<hbm>> -> memref<10112xf32, #tpu.memory_space<hbm>>
        tpu.enqueue_dma source(%arg18 : memref<10112xf32, #tpu.memory_space<vmem_shared>>) target(%dma_start3A_97 : memref<10112xf32, #tpu.memory_space<hbm>>) target_semaphore(%run_scoped3A_94 : memref<!tpu.dma_semaphore, #tpu.memory_space<semaphore_mem>>)
        %dma_wait3A = arith.constant 0 : i32
        %dma_wait3A_98 = tpu.memref_slice %arg9[%arg0, %dma_wait3A] : memref<2x10112xf32, #tpu.memory_space<hbm>> -> memref<1x10112xf32, #tpu.memory_space<hbm>>
        %dma_wait3A_99 = tpu.memref_squeeze %dma_wait3A_98 : memref<1x10112xf32, #tpu.memory_space<hbm>> -> memref<10112xf32, #tpu.memory_space<hbm>>
        tpu.wait_dma2 semaphore(%run_scoped3A_94 : memref<!tpu.dma_semaphore, #tpu.memory_space<semaphore_mem>>) src(%arg18 : memref<10112xf32, #tpu.memory_space<vmem_shared>>) dst(%dma_wait3A_99 : memref<10112xf32, #tpu.memory_space<hbm>>)
        tpu.yield
      }) : () -> ()
    } else {
    }
    return
  }
}

#map = affine_map<(d0, d1) -> (0, 0)>
#map1 = affine_map<(d0, d1) -> (0, 0, 0)>
module attributes {stable_mosaic.version = 14 : i64} {
  func.func @agg(%arg0: i32, %arg1: i32, %arg2: memref<10112x48xf32, #tpu.memory_space<hbm>>, %arg3: memref<320x8x128xi32, #tpu.memory_space<hbm>>, %arg4: memref<320x8x128xi32, #tpu.memory_space<hbm>>, %arg5: memref<10112x48xf32, #tpu.memory_space<hbm>>, %arg6: memref<2x10112x48xf32, #tpu.memory_space<hbm>>, %arg7: memref<2x2x8x128xi32, #tpu.memory_space<vmem>>, %arg8: memref<2x128x48xf32, #tpu.memory_space<vmem>>, %arg9: memref<10112x48xf32, #tpu.memory_space<vmem_shared>>, %arg10: memref<!tpu.dma_semaphore, #tpu.memory_space<semaphore_mem>>, %arg11: memref<!tpu.dma_semaphore, #tpu.memory_space<semaphore_mem>>, %arg12: memref<!tpu.dma_semaphore, #tpu.memory_space<semaphore_mem>>, %arg13: memref<!tpu.dma_semaphore, #tpu.memory_space<semaphore_mem>>) attributes {dimension_semantics = [#tpu.dimension_semantics<core_parallel>, #tpu.dimension_semantics<subcore_parallel>], iteration_bounds = array<i64: 2, 16>, scalar_prefetch = 0 : i64, scratch_operands = 7 : i64, tpu.core_type = #tpu.core_type<sc_vector_subcore>, window_params = [{transform_indices = #map}, {transform_indices = #map1}, {transform_indices = #map1}, {transform_indices = #map}, {transform_indices = #map1}]} {
    %mul3A = arith.constant 2 : i32
    %mul3A_0 = arith.muli %arg1, %mul3A : i32
    %add3A = arith.addi %mul3A_0, %arg0 : i32
    %mul3A_1 = arith.constant 10 : i32
    %mul3A_2 = arith.muli %add3A, %mul3A_1 : i32
    %run_scoped3A = arith.constant 0 : i32
    %run_scoped3A_3 = arith.constant 0 : i32
    "tpu.region"() ({
      %run_scoped3A_87 = tpu.sem_alloc : memref<!tpu.dma_semaphore, #tpu.memory_space<semaphore_mem>>
      %dma_start3A_88 = arith.constant 0 : i32
      %dma_start3A_89 = arith.constant 0 : i32
      %dma_start3A_90 = tpu.memref_slice %arg7[%run_scoped3A, %run_scoped3A_3, %dma_start3A_88, %dma_start3A_89] : memref<2x2x8x128xi32, #tpu.memory_space<vmem>> -> memref<1x1x8x128xi32, #tpu.memory_space<vmem>>
      %dma_start3A_91 = tpu.memref_squeeze %dma_start3A_90 : memref<1x1x8x128xi32, #tpu.memory_space<vmem>> -> memref<8x128xi32, #tpu.memory_space<vmem>>
      %dma_start3A_92 = arith.constant 0 : i32
      %dma_start3A_93 = arith.constant 0 : i32
      %dma_start3A_94 = tpu.memref_slice %arg3[%mul3A_2, %dma_start3A_92, %dma_start3A_93] : memref<320x8x128xi32, #tpu.memory_space<hbm>> -> memref<1x8x128xi32, #tpu.memory_space<hbm>>
      %dma_start3A_95 = tpu.memref_squeeze %dma_start3A_94 : memref<1x8x128xi32, #tpu.memory_space<hbm>> -> memref<8x128xi32, #tpu.memory_space<hbm>>
      %dma_start3A_96 = arith.constant 0 : i32
      %dma_start3A_97 = arith.constant 0 : i32
      %dma_start3A_98 = tpu.memref_slice %arg7[%run_scoped3A, %run_scoped3A_3, %dma_start3A_96, %dma_start3A_97] : memref<2x2x8x128xi32, #tpu.memory_space<vmem>> -> memref<1x1x8x128xi32, #tpu.memory_space<vmem>>
      %dma_start3A_99 = tpu.memref_squeeze %dma_start3A_98 : memref<1x1x8x128xi32, #tpu.memory_space<vmem>> -> memref<8x128xi32, #tpu.memory_space<vmem>>
      %dma_start3A_100 = arith.constant 0 : i32
      %dma_start3A_101 = arith.constant 0 : i32
      %dma_start3A_102 = tpu.memref_slice %arg3[%mul3A_2, %dma_start3A_100, %dma_start3A_101] : memref<320x8x128xi32, #tpu.memory_space<hbm>> -> memref<1x8x128xi32, #tpu.memory_space<hbm>>
      %dma_start3A_103 = tpu.memref_squeeze %dma_start3A_102 : memref<1x8x128xi32, #tpu.memory_space<hbm>> -> memref<8x128xi32, #tpu.memory_space<hbm>>
      tpu.enqueue_dma source(%dma_start3A_103 : memref<8x128xi32, #tpu.memory_space<hbm>>) target(%dma_start3A_99 : memref<8x128xi32, #tpu.memory_space<vmem>>) target_semaphore(%run_scoped3A_87 : memref<!tpu.dma_semaphore, #tpu.memory_space<semaphore_mem>>)
      %dma_wait3A = arith.constant 0 : i32
      %dma_wait3A_104 = arith.constant 0 : i32
      %dma_wait3A_105 = tpu.memref_slice %arg7[%run_scoped3A, %run_scoped3A_3, %dma_wait3A, %dma_wait3A_104] : memref<2x2x8x128xi32, #tpu.memory_space<vmem>> -> memref<1x1x8x128xi32, #tpu.memory_space<vmem>>
      %dma_wait3A_106 = tpu.memref_squeeze %dma_wait3A_105 : memref<1x1x8x128xi32, #tpu.memory_space<vmem>> -> memref<8x128xi32, #tpu.memory_space<vmem>>
      %dma_wait3A_107 = arith.constant 0 : i32
      %dma_wait3A_108 = arith.constant 0 : i32
      %dma_wait3A_109 = tpu.memref_slice %arg3[%mul3A_2, %dma_wait3A_107, %dma_wait3A_108] : memref<320x8x128xi32, #tpu.memory_space<hbm>> -> memref<1x8x128xi32, #tpu.memory_space<hbm>>
      %dma_wait3A_110 = tpu.memref_squeeze %dma_wait3A_109 : memref<1x8x128xi32, #tpu.memory_space<hbm>> -> memref<8x128xi32, #tpu.memory_space<hbm>>
      %dma_wait3A_111 = arith.constant 0 : i32
      %dma_wait3A_112 = arith.constant 0 : i32
      %dma_wait3A_113 = tpu.memref_slice %arg7[%run_scoped3A, %run_scoped3A_3, %dma_wait3A_111, %dma_wait3A_112] : memref<2x2x8x128xi32, #tpu.memory_space<vmem>> -> memref<1x1x8x128xi32, #tpu.memory_space<vmem>>
      %dma_wait3A_114 = tpu.memref_squeeze %dma_wait3A_113 : memref<1x1x8x128xi32, #tpu.memory_space<vmem>> -> memref<8x128xi32, #tpu.memory_space<vmem>>
      %dma_wait3A_115 = arith.constant 0 : i32
      %dma_wait3A_116 = arith.constant 0 : i32
      %dma_wait3A_117 = tpu.memref_slice %arg3[%mul3A_2, %dma_wait3A_115, %dma_wait3A_116] : memref<320x8x128xi32, #tpu.memory_space<hbm>> -> memref<1x8x128xi32, #tpu.memory_space<hbm>>
      %dma_wait3A_118 = tpu.memref_squeeze %dma_wait3A_117 : memref<1x8x128xi32, #tpu.memory_space<hbm>> -> memref<8x128xi32, #tpu.memory_space<hbm>>
      tpu.wait_dma2 semaphore(%run_scoped3A_87 : memref<!tpu.dma_semaphore, #tpu.memory_space<semaphore_mem>>) src(%dma_wait3A_118 : memref<8x128xi32, #tpu.memory_space<hbm>>) dst(%dma_wait3A_114 : memref<8x128xi32, #tpu.memory_space<vmem>>)
      tpu.yield
    }) : () -> ()
    %run_scoped3A_4 = arith.constant 0 : i32
    %run_scoped3A_5 = arith.constant 1 : i32
    "tpu.region"() ({
      %run_scoped3A_87 = tpu.sem_alloc : memref<!tpu.dma_semaphore, #tpu.memory_space<semaphore_mem>>
      %dma_start3A_88 = arith.constant 0 : i32
      %dma_start3A_89 = arith.constant 0 : i32
      %dma_start3A_90 = tpu.memref_slice %arg7[%run_scoped3A_4, %run_scoped3A_5, %dma_start3A_88, %dma_start3A_89] : memref<2x2x8x128xi32, #tpu.memory_space<vmem>> -> memref<1x1x8x128xi32, #tpu.memory_space<vmem>>
      %dma_start3A_91 = tpu.memref_squeeze %dma_start3A_90 : memref<1x1x8x128xi32, #tpu.memory_space<vmem>> -> memref<8x128xi32, #tpu.memory_space<vmem>>
      %dma_start3A_92 = arith.constant 0 : i32
      %dma_start3A_93 = arith.constant 0 : i32
      %dma_start3A_94 = tpu.memref_slice %arg4[%mul3A_2, %dma_start3A_92, %dma_start3A_93] : memref<320x8x128xi32, #tpu.memory_space<hbm>> -> memref<1x8x128xi32, #tpu.memory_space<hbm>>
      %dma_start3A_95 = tpu.memref_squeeze %dma_start3A_94 : memref<1x8x128xi32, #tpu.memory_space<hbm>> -> memref<8x128xi32, #tpu.memory_space<hbm>>
      %dma_start3A_96 = arith.constant 0 : i32
      %dma_start3A_97 = arith.constant 0 : i32
      %dma_start3A_98 = tpu.memref_slice %arg7[%run_scoped3A_4, %run_scoped3A_5, %dma_start3A_96, %dma_start3A_97] : memref<2x2x8x128xi32, #tpu.memory_space<vmem>> -> memref<1x1x8x128xi32, #tpu.memory_space<vmem>>
      %dma_start3A_99 = tpu.memref_squeeze %dma_start3A_98 : memref<1x1x8x128xi32, #tpu.memory_space<vmem>> -> memref<8x128xi32, #tpu.memory_space<vmem>>
      %dma_start3A_100 = arith.constant 0 : i32
      %dma_start3A_101 = arith.constant 0 : i32
      %dma_start3A_102 = tpu.memref_slice %arg4[%mul3A_2, %dma_start3A_100, %dma_start3A_101] : memref<320x8x128xi32, #tpu.memory_space<hbm>> -> memref<1x8x128xi32, #tpu.memory_space<hbm>>
      %dma_start3A_103 = tpu.memref_squeeze %dma_start3A_102 : memref<1x8x128xi32, #tpu.memory_space<hbm>> -> memref<8x128xi32, #tpu.memory_space<hbm>>
      tpu.enqueue_dma source(%dma_start3A_103 : memref<8x128xi32, #tpu.memory_space<hbm>>) target(%dma_start3A_99 : memref<8x128xi32, #tpu.memory_space<vmem>>) target_semaphore(%run_scoped3A_87 : memref<!tpu.dma_semaphore, #tpu.memory_space<semaphore_mem>>)
      %dma_wait3A = arith.constant 0 : i32
      %dma_wait3A_104 = arith.constant 0 : i32
      %dma_wait3A_105 = tpu.memref_slice %arg7[%run_scoped3A_4, %run_scoped3A_5, %dma_wait3A, %dma_wait3A_104] : memref<2x2x8x128xi32, #tpu.memory_space<vmem>> -> memref<1x1x8x128xi32, #tpu.memory_space<vmem>>
      %dma_wait3A_106 = tpu.memref_squeeze %dma_wait3A_105 : memref<1x1x8x128xi32, #tpu.memory_space<vmem>> -> memref<8x128xi32, #tpu.memory_space<vmem>>
      %dma_wait3A_107 = arith.constant 0 : i32
      %dma_wait3A_108 = arith.constant 0 : i32
      %dma_wait3A_109 = tpu.memref_slice %arg4[%mul3A_2, %dma_wait3A_107, %dma_wait3A_108] : memref<320x8x128xi32, #tpu.memory_space<hbm>> -> memref<1x8x128xi32, #tpu.memory_space<hbm>>
      %dma_wait3A_110 = tpu.memref_squeeze %dma_wait3A_109 : memref<1x8x128xi32, #tpu.memory_space<hbm>> -> memref<8x128xi32, #tpu.memory_space<hbm>>
      %dma_wait3A_111 = arith.constant 0 : i32
      %dma_wait3A_112 = arith.constant 0 : i32
      %dma_wait3A_113 = tpu.memref_slice %arg7[%run_scoped3A_4, %run_scoped3A_5, %dma_wait3A_111, %dma_wait3A_112] : memref<2x2x8x128xi32, #tpu.memory_space<vmem>> -> memref<1x1x8x128xi32, #tpu.memory_space<vmem>>
      %dma_wait3A_114 = tpu.memref_squeeze %dma_wait3A_113 : memref<1x1x8x128xi32, #tpu.memory_space<vmem>> -> memref<8x128xi32, #tpu.memory_space<vmem>>
      %dma_wait3A_115 = arith.constant 0 : i32
      %dma_wait3A_116 = arith.constant 0 : i32
      %dma_wait3A_117 = tpu.memref_slice %arg4[%mul3A_2, %dma_wait3A_115, %dma_wait3A_116] : memref<320x8x128xi32, #tpu.memory_space<hbm>> -> memref<1x8x128xi32, #tpu.memory_space<hbm>>
      %dma_wait3A_118 = tpu.memref_squeeze %dma_wait3A_117 : memref<1x8x128xi32, #tpu.memory_space<hbm>> -> memref<8x128xi32, #tpu.memory_space<hbm>>
      tpu.wait_dma2 semaphore(%run_scoped3A_87 : memref<!tpu.dma_semaphore, #tpu.memory_space<semaphore_mem>>) src(%dma_wait3A_118 : memref<8x128xi32, #tpu.memory_space<hbm>>) dst(%dma_wait3A_114 : memref<8x128xi32, #tpu.memory_space<vmem>>)
      tpu.yield
    }) : () -> ()
    %add3A_6 = arith.constant 1 : i32
    %add3A_7 = arith.addi %mul3A_2, %add3A_6 : i32
    %dma_start3A = arith.constant 1 : i32
    %dma_start3A_8 = arith.constant 0 : i32
    %dma_start3A_9 = arith.constant 0 : i32
    %dma_start3A_10 = arith.constant 0 : i32
    %dma_start3A_11 = tpu.memref_slice %arg7[%dma_start3A, %dma_start3A_8, %dma_start3A_9, %dma_start3A_10] : memref<2x2x8x128xi32, #tpu.memory_space<vmem>> -> memref<1x1x8x128xi32, #tpu.memory_space<vmem>>
    %dma_start3A_12 = tpu.memref_squeeze %dma_start3A_11 : memref<1x1x8x128xi32, #tpu.memory_space<vmem>> -> memref<8x128xi32, #tpu.memory_space<vmem>>
    %dma_start3A_13 = arith.constant 0 : i32
    %dma_start3A_14 = arith.constant 0 : i32
    %dma_start3A_15 = tpu.memref_slice %arg3[%add3A_7, %dma_start3A_13, %dma_start3A_14] : memref<320x8x128xi32, #tpu.memory_space<hbm>> -> memref<1x8x128xi32, #tpu.memory_space<hbm>>
    %dma_start3A_16 = tpu.memref_squeeze %dma_start3A_15 : memref<1x8x128xi32, #tpu.memory_space<hbm>> -> memref<8x128xi32, #tpu.memory_space<hbm>>
    %dma_start3A_17 = arith.constant 0 : i32
    %dma_start3A_18 = arith.constant 0 : i32
    %dma_start3A_19 = tpu.memref_slice %arg7[%dma_start3A, %dma_start3A_8, %dma_start3A_17, %dma_start3A_18] : memref<2x2x8x128xi32, #tpu.memory_space<vmem>> -> memref<1x1x8x128xi32, #tpu.memory_space<vmem>>
    %dma_start3A_20 = tpu.memref_squeeze %dma_start3A_19 : memref<1x1x8x128xi32, #tpu.memory_space<vmem>> -> memref<8x128xi32, #tpu.memory_space<vmem>>
    %dma_start3A_21 = arith.constant 0 : i32
    %dma_start3A_22 = arith.constant 0 : i32
    %dma_start3A_23 = tpu.memref_slice %arg3[%add3A_7, %dma_start3A_21, %dma_start3A_22] : memref<320x8x128xi32, #tpu.memory_space<hbm>> -> memref<1x8x128xi32, #tpu.memory_space<hbm>>
    %dma_start3A_24 = tpu.memref_squeeze %dma_start3A_23 : memref<1x8x128xi32, #tpu.memory_space<hbm>> -> memref<8x128xi32, #tpu.memory_space<hbm>>
    tpu.enqueue_dma source(%dma_start3A_24 : memref<8x128xi32, #tpu.memory_space<hbm>>) target(%dma_start3A_20 : memref<8x128xi32, #tpu.memory_space<vmem>>) target_semaphore(%arg12 : memref<!tpu.dma_semaphore, #tpu.memory_space<semaphore_mem>>)
    %add3A_25 = arith.constant 1 : i32
    %add3A_26 = arith.addi %mul3A_2, %add3A_25 : i32
    %dma_start3A_27 = arith.constant 1 : i32
    %dma_start3A_28 = arith.constant 1 : i32
    %dma_start3A_29 = arith.constant 0 : i32
    %dma_start3A_30 = arith.constant 0 : i32
    %dma_start3A_31 = tpu.memref_slice %arg7[%dma_start3A_27, %dma_start3A_28, %dma_start3A_29, %dma_start3A_30] : memref<2x2x8x128xi32, #tpu.memory_space<vmem>> -> memref<1x1x8x128xi32, #tpu.memory_space<vmem>>
    %dma_start3A_32 = tpu.memref_squeeze %dma_start3A_31 : memref<1x1x8x128xi32, #tpu.memory_space<vmem>> -> memref<8x128xi32, #tpu.memory_space<vmem>>
    %dma_start3A_33 = arith.constant 0 : i32
    %dma_start3A_34 = arith.constant 0 : i32
    %dma_start3A_35 = tpu.memref_slice %arg4[%add3A_26, %dma_start3A_33, %dma_start3A_34] : memref<320x8x128xi32, #tpu.memory_space<hbm>> -> memref<1x8x128xi32, #tpu.memory_space<hbm>>
    %dma_start3A_36 = tpu.memref_squeeze %dma_start3A_35 : memref<1x8x128xi32, #tpu.memory_space<hbm>> -> memref<8x128xi32, #tpu.memory_space<hbm>>
    %dma_start3A_37 = arith.constant 0 : i32
    %dma_start3A_38 = arith.constant 0 : i32
    %dma_start3A_39 = tpu.memref_slice %arg7[%dma_start3A_27, %dma_start3A_28, %dma_start3A_37, %dma_start3A_38] : memref<2x2x8x128xi32, #tpu.memory_space<vmem>> -> memref<1x1x8x128xi32, #tpu.memory_space<vmem>>
    %dma_start3A_40 = tpu.memref_squeeze %dma_start3A_39 : memref<1x1x8x128xi32, #tpu.memory_space<vmem>> -> memref<8x128xi32, #tpu.memory_space<vmem>>
    %dma_start3A_41 = arith.constant 0 : i32
    %dma_start3A_42 = arith.constant 0 : i32
    %dma_start3A_43 = tpu.memref_slice %arg4[%add3A_26, %dma_start3A_41, %dma_start3A_42] : memref<320x8x128xi32, #tpu.memory_space<hbm>> -> memref<1x8x128xi32, #tpu.memory_space<hbm>>
    %dma_start3A_44 = tpu.memref_squeeze %dma_start3A_43 : memref<1x8x128xi32, #tpu.memory_space<hbm>> -> memref<8x128xi32, #tpu.memory_space<hbm>>
    tpu.enqueue_dma source(%dma_start3A_44 : memref<8x128xi32, #tpu.memory_space<hbm>>) target(%dma_start3A_40 : memref<8x128xi32, #tpu.memory_space<vmem>>) target_semaphore(%arg12 : memref<!tpu.dma_semaphore, #tpu.memory_space<semaphore_mem>>)
    %dma_start3A_45 = arith.constant 0 : i32
    %dma_start3A_46 = arith.constant 0 : i32
    %dma_start3A_47 = arith.constant 0 : i32
    %dma_start3A_48 = arith.constant 0 : i32
    %dma_start3A_49 = arith.constant 0 : i32
    %dma_start3A_50 = arith.constant 0 : i32
    %dma_start3A_51 = tpu.memref_slice %arg8[%dma_start3A_48, %dma_start3A_49, %dma_start3A_50] : memref<2x128x48xf32, #tpu.memory_space<vmem>> -> memref<1x128x48xf32, #tpu.memory_space<vmem>>
    %dma_start3A_52 = tpu.memref_squeeze %dma_start3A_51 : memref<1x128x48xf32, #tpu.memory_space<vmem>> -> memref<128x48xf32, #tpu.memory_space<vmem>>
    %dma_start3A_53 = arith.constant 0 : i32
    %dma_start3A_54 = tpu.memref_slice %arg7[%dma_start3A_45, %dma_start3A_46, %dma_start3A_47, %dma_start3A_53] : memref<2x2x8x128xi32, #tpu.memory_space<vmem>> -> memref<1x1x1x128xi32, #tpu.memory_space<vmem>>
    %dma_start3A_55 = tpu.memref_squeeze %dma_start3A_54 : memref<1x1x1x128xi32, #tpu.memory_space<vmem>> -> memref<128xi32, #tpu.memory_space<vmem>>
    %dma_start3A_56 = arith.constant 0 : i32
    %dma_start3A_57 = arith.constant 0 : i32
    %dma_start3A_58 = tpu.memref_slice %arg2[%dma_start3A_56, %dma_start3A_57] : memref<10112x48xf32, #tpu.memory_space<hbm>> -> memref<10112x48xf32, #tpu.memory_space<hbm>>
    tpu.enqueue_indirect_dma source(%dma_start3A_58 : memref<10112x48xf32, #tpu.memory_space<hbm>>) target(%dma_start3A_52 : memref<128x48xf32, #tpu.memory_space<vmem>>) offsets(%dma_start3A_55 : memref<128xi32, #tpu.memory_space<vmem>>) semaphore(%arg10 : memref<!tpu.dma_semaphore, #tpu.memory_space<semaphore_mem>>)
    %dma_start3A_59 = arith.constant 0 : i32
    %dma_start3A_60 = arith.constant 0 : i32
    %dma_start3A_61 = arith.constant 1 : i32
    %dma_start3A_62 = arith.constant 1 : i32
    %dma_start3A_63 = arith.constant 0 : i32
    %dma_start3A_64 = arith.constant 0 : i32
    %dma_start3A_65 = tpu.memref_slice %arg8[%dma_start3A_62, %dma_start3A_63, %dma_start3A_64] : memref<2x128x48xf32, #tpu.memory_space<vmem>> -> memref<1x128x48xf32, #tpu.memory_space<vmem>>
    %dma_start3A_66 = tpu.memref_squeeze %dma_start3A_65 : memref<1x128x48xf32, #tpu.memory_space<vmem>> -> memref<128x48xf32, #tpu.memory_space<vmem>>
    %dma_start3A_67 = arith.constant 0 : i32
    %dma_start3A_68 = tpu.memref_slice %arg7[%dma_start3A_59, %dma_start3A_60, %dma_start3A_61, %dma_start3A_67] : memref<2x2x8x128xi32, #tpu.memory_space<vmem>> -> memref<1x1x1x128xi32, #tpu.memory_space<vmem>>
    %dma_start3A_69 = tpu.memref_squeeze %dma_start3A_68 : memref<1x1x1x128xi32, #tpu.memory_space<vmem>> -> memref<128xi32, #tpu.memory_space<vmem>>
    %dma_start3A_70 = arith.constant 0 : i32
    %dma_start3A_71 = arith.constant 0 : i32
    %dma_start3A_72 = tpu.memref_slice %arg2[%dma_start3A_70, %dma_start3A_71] : memref<10112x48xf32, #tpu.memory_space<hbm>> -> memref<10112x48xf32, #tpu.memory_space<hbm>>
    tpu.enqueue_indirect_dma source(%dma_start3A_72 : memref<10112x48xf32, #tpu.memory_space<hbm>>) target(%dma_start3A_66 : memref<128x48xf32, #tpu.memory_space<vmem>>) offsets(%dma_start3A_69 : memref<128xi32, #tpu.memory_space<vmem>>) semaphore(%arg11 : memref<!tpu.dma_semaphore, #tpu.memory_space<semaphore_mem>>)
    %mul3A_73 = arith.constant 632 : i32
    %mul3A_74 = arith.muli %arg1, %mul3A_73 : i32
    %mul3A_75 = arith.constant 632 : i32
    %mul3A_76 = arith.muli %arg1, %mul3A_75 : i32
    "tpu.region"() ({
      %run_scoped3A_87 = tpu.sem_alloc : memref<!tpu.dma_semaphore, #tpu.memory_space<semaphore_mem>>
      %dma_start3A_88 = arith.constant 0 : i32
      %dma_start3A_89 = tpu.memref_slice %arg9[%mul3A_76, %dma_start3A_88] : memref<10112x48xf32, #tpu.memory_space<vmem_shared>> -> memref<632x48xf32, #tpu.memory_space<vmem_shared>>
      %dma_start3A_90 = arith.constant 0 : i32
      %dma_start3A_91 = tpu.memref_slice %arg5[%mul3A_74, %dma_start3A_90] : memref<10112x48xf32, #tpu.memory_space<hbm>> -> memref<632x48xf32, #tpu.memory_space<hbm>>
      tpu.enqueue_dma source(%dma_start3A_91 : memref<632x48xf32, #tpu.memory_space<hbm>>) target(%dma_start3A_89 : memref<632x48xf32, #tpu.memory_space<vmem_shared>>) target_semaphore(%run_scoped3A_87 : memref<!tpu.dma_semaphore, #tpu.memory_space<semaphore_mem>>)
      %dma_wait3A = arith.constant 0 : i32
      %dma_wait3A_92 = tpu.memref_slice %arg9[%mul3A_76, %dma_wait3A] : memref<10112x48xf32, #tpu.memory_space<vmem_shared>> -> memref<632x48xf32, #tpu.memory_space<vmem_shared>>
      %dma_wait3A_93 = arith.constant 0 : i32
      %dma_wait3A_94 = tpu.memref_slice %arg5[%mul3A_74, %dma_wait3A_93] : memref<10112x48xf32, #tpu.memory_space<hbm>> -> memref<632x48xf32, #tpu.memory_space<hbm>>
      tpu.wait_dma2 semaphore(%run_scoped3A_87 : memref<!tpu.dma_semaphore, #tpu.memory_space<semaphore_mem>>) src(%dma_wait3A_94 : memref<632x48xf32, #tpu.memory_space<hbm>>) dst(%dma_wait3A_92 : memref<632x48xf32, #tpu.memory_space<vmem_shared>>)
      tpu.yield
    }) : () -> ()
    %barrier3A = arith.constant 0 : index
    tpu.barrier barrier_id(%barrier3A)
    %scan3A = arith.constant 0 : i32
    %scan3A_77 = arith.constant 0 : i32
    %scan3A_78 = arith.constant 10 : i32
    %scan3A_79 = arith.addi %scan3A_77, %scan3A_78 : i32
    %scan3A_80 = arith.constant 1 : i32
    scf.for %scan3A_87 = %scan3A_77 to %scan3A_79 step %scan3A_80  : i32 {
      %rem3A = arith.constant 2 : i32
      %rem3A_88 = arith.remsi %scan3A_87, %rem3A : i32
      %sub3A = arith.constant 1 : i32
      %sub3A_89 = arith.subi %sub3A, %rem3A_88 : i32
      %dma_wait3A = arith.constant 0 : i32
      %dma_wait3A_90 = arith.constant 0 : i32
      %dma_wait3A_91 = arith.constant 0 : i32
      %dma_wait3A_92 = arith.constant 0 : i32
      %dma_wait3A_93 = arith.constant 0 : i32
      %dma_wait3A_94 = tpu.memref_slice %arg8[%dma_wait3A_91, %dma_wait3A_92, %dma_wait3A_93] : memref<2x128x48xf32, #tpu.memory_space<vmem>> -> memref<1x128x48xf32, #tpu.memory_space<vmem>>
      %dma_wait3A_95 = tpu.memref_squeeze %dma_wait3A_94 : memref<1x128x48xf32, #tpu.memory_space<vmem>> -> memref<128x48xf32, #tpu.memory_space<vmem>>
      %dma_wait3A_96 = arith.constant 0 : i32
      %dma_wait3A_97 = tpu.memref_slice %arg7[%rem3A_88, %dma_wait3A, %dma_wait3A_90, %dma_wait3A_96] : memref<2x2x8x128xi32, #tpu.memory_space<vmem>> -> memref<1x1x1x128xi32, #tpu.memory_space<vmem>>
      %dma_wait3A_98 = tpu.memref_squeeze %dma_wait3A_97 : memref<1x1x1x128xi32, #tpu.memory_space<vmem>> -> memref<128xi32, #tpu.memory_space<vmem>>
      %dma_wait3A_99 = arith.constant 0 : i32
      %dma_wait3A_100 = arith.constant 0 : i32
      %dma_wait3A_101 = tpu.memref_slice %arg2[%dma_wait3A_99, %dma_wait3A_100] : memref<10112x48xf32, #tpu.memory_space<hbm>> -> memref<10112x48xf32, #tpu.memory_space<hbm>>
      tpu.wait_indirect_dma semaphore(%arg10 : memref<!tpu.dma_semaphore, #tpu.memory_space<semaphore_mem>>) src(%dma_wait3A_101 : memref<10112x48xf32, #tpu.memory_space<hbm>>) dst(%dma_wait3A_95 : memref<128x48xf32, #tpu.memory_space<vmem>>)
      %run_scoped3A_102 = arith.constant 0 : i32
      %run_scoped3A_103 = arith.constant 1 : i32
      %run_scoped3A_104 = arith.constant 0 : i32
      "tpu.region"() ({
        %run_scoped3A_312 = tpu.sem_alloc : memref<!tpu.dma_semaphore, #tpu.memory_space<semaphore_mem>>
        %dma_start3A_313 = arith.constant 0 : i32
        %dma_start3A_314 = arith.constant 0 : i32
        %dma_start3A_315 = tpu.memref_slice %arg8[%run_scoped3A_102, %dma_start3A_313, %dma_start3A_314] : memref<2x128x48xf32, #tpu.memory_space<vmem>> -> memref<1x128x48xf32, #tpu.memory_space<vmem>>
        %dma_start3A_316 = tpu.memref_squeeze %dma_start3A_315 : memref<1x128x48xf32, #tpu.memory_space<vmem>> -> memref<128x48xf32, #tpu.memory_space<vmem>>
        %dma_start3A_317 = arith.constant 0 : i32
        %dma_start3A_318 = tpu.memref_slice %arg7[%rem3A_88, %run_scoped3A_103, %run_scoped3A_104, %dma_start3A_317] : memref<2x2x8x128xi32, #tpu.memory_space<vmem>> -> memref<1x1x1x128xi32, #tpu.memory_space<vmem>>
        %dma_start3A_319 = tpu.memref_squeeze %dma_start3A_318 : memref<1x1x1x128xi32, #tpu.memory_space<vmem>> -> memref<128xi32, #tpu.memory_space<vmem>>
        %dma_start3A_320 = arith.constant 0 : i32
        %dma_start3A_321 = arith.constant 0 : i32
        %dma_start3A_322 = tpu.memref_slice %arg9[%dma_start3A_320, %dma_start3A_321] : memref<10112x48xf32, #tpu.memory_space<vmem_shared>> -> memref<10112x48xf32, #tpu.memory_space<vmem_shared>>
        tpu.enqueue_indirect_dma source(%dma_start3A_316 : memref<128x48xf32, #tpu.memory_space<vmem>>) target(%dma_start3A_322 : memref<10112x48xf32, #tpu.memory_space<vmem_shared>>) offsets(%dma_start3A_319 : memref<128xi32, #tpu.memory_space<vmem>>) semaphore(%run_scoped3A_312 : memref<!tpu.dma_semaphore, #tpu.memory_space<semaphore_mem>>) {add = true}
        %dma_wait3A_323 = arith.constant 0 : i32
        %dma_wait3A_324 = arith.constant 0 : i32
        %dma_wait3A_325 = tpu.memref_slice %arg8[%run_scoped3A_102, %dma_wait3A_323, %dma_wait3A_324] : memref<2x128x48xf32, #tpu.memory_space<vmem>> -> memref<1x128x48xf32, #tpu.memory_space<vmem>>
        %dma_wait3A_326 = tpu.memref_squeeze %dma_wait3A_325 : memref<1x128x48xf32, #tpu.memory_space<vmem>> -> memref<128x48xf32, #tpu.memory_space<vmem>>
        %dma_wait3A_327 = arith.constant 0 : i32
        %dma_wait3A_328 = tpu.memref_slice %arg7[%rem3A_88, %run_scoped3A_103, %run_scoped3A_104, %dma_wait3A_327] : memref<2x2x8x128xi32, #tpu.memory_space<vmem>> -> memref<1x1x1x128xi32, #tpu.memory_space<vmem>>
        %dma_wait3A_329 = tpu.memref_squeeze %dma_wait3A_328 : memref<1x1x1x128xi32, #tpu.memory_space<vmem>> -> memref<128xi32, #tpu.memory_space<vmem>>
        %dma_wait3A_330 = arith.constant 0 : i32
        %dma_wait3A_331 = arith.constant 0 : i32
        %dma_wait3A_332 = tpu.memref_slice %arg9[%dma_wait3A_330, %dma_wait3A_331] : memref<10112x48xf32, #tpu.memory_space<vmem_shared>> -> memref<10112x48xf32, #tpu.memory_space<vmem_shared>>
        tpu.wait_indirect_dma semaphore(%run_scoped3A_312 : memref<!tpu.dma_semaphore, #tpu.memory_space<semaphore_mem>>) src(%dma_wait3A_326 : memref<128x48xf32, #tpu.memory_space<vmem>>) dst(%dma_wait3A_332 : memref<10112x48xf32, #tpu.memory_space<vmem_shared>>)
        tpu.yield
      }) : () -> ()
      %dma_start3A_105 = arith.constant 0 : i32
      %dma_start3A_106 = arith.constant 2 : i32
      %dma_start3A_107 = arith.constant 0 : i32
      %dma_start3A_108 = arith.constant 0 : i32
      %dma_start3A_109 = arith.constant 0 : i32
      %dma_start3A_110 = tpu.memref_slice %arg8[%dma_start3A_107, %dma_start3A_108, %dma_start3A_109] : memref<2x128x48xf32, #tpu.memory_space<vmem>> -> memref<1x128x48xf32, #tpu.memory_space<vmem>>
      %dma_start3A_111 = tpu.memref_squeeze %dma_start3A_110 : memref<1x128x48xf32, #tpu.memory_space<vmem>> -> memref<128x48xf32, #tpu.memory_space<vmem>>
      %dma_start3A_112 = arith.constant 0 : i32
      %dma_start3A_113 = tpu.memref_slice %arg7[%rem3A_88, %dma_start3A_105, %dma_start3A_106, %dma_start3A_112] : memref<2x2x8x128xi32, #tpu.memory_space<vmem>> -> memref<1x1x1x128xi32, #tpu.memory_space<vmem>>
      %dma_start3A_114 = tpu.memref_squeeze %dma_start3A_113 : memref<1x1x1x128xi32, #tpu.memory_space<vmem>> -> memref<128xi32, #tpu.memory_space<vmem>>
      %dma_start3A_115 = arith.constant 0 : i32
      %dma_start3A_116 = arith.constant 0 : i32
      %dma_start3A_117 = tpu.memref_slice %arg2[%dma_start3A_115, %dma_start3A_116] : memref<10112x48xf32, #tpu.memory_space<hbm>> -> memref<10112x48xf32, #tpu.memory_space<hbm>>
      tpu.enqueue_indirect_dma source(%dma_start3A_117 : memref<10112x48xf32, #tpu.memory_space<hbm>>) target(%dma_start3A_111 : memref<128x48xf32, #tpu.memory_space<vmem>>) offsets(%dma_start3A_114 : memref<128xi32, #tpu.memory_space<vmem>>) semaphore(%arg10 : memref<!tpu.dma_semaphore, #tpu.memory_space<semaphore_mem>>)
      %dma_wait3A_118 = arith.constant 0 : i32
      %dma_wait3A_119 = arith.constant 1 : i32
      %dma_wait3A_120 = arith.constant 1 : i32
      %dma_wait3A_121 = arith.constant 0 : i32
      %dma_wait3A_122 = arith.constant 0 : i32
      %dma_wait3A_123 = tpu.memref_slice %arg8[%dma_wait3A_120, %dma_wait3A_121, %dma_wait3A_122] : memref<2x128x48xf32, #tpu.memory_space<vmem>> -> memref<1x128x48xf32, #tpu.memory_space<vmem>>
      %dma_wait3A_124 = tpu.memref_squeeze %dma_wait3A_123 : memref<1x128x48xf32, #tpu.memory_space<vmem>> -> memref<128x48xf32, #tpu.memory_space<vmem>>
      %dma_wait3A_125 = arith.constant 0 : i32
      %dma_wait3A_126 = tpu.memref_slice %arg7[%rem3A_88, %dma_wait3A_118, %dma_wait3A_119, %dma_wait3A_125] : memref<2x2x8x128xi32, #tpu.memory_space<vmem>> -> memref<1x1x1x128xi32, #tpu.memory_space<vmem>>
      %dma_wait3A_127 = tpu.memref_squeeze %dma_wait3A_126 : memref<1x1x1x128xi32, #tpu.memory_space<vmem>> -> memref<128xi32, #tpu.memory_space<vmem>>
      %dma_wait3A_128 = arith.constant 0 : i32
      %dma_wait3A_129 = arith.constant 0 : i32
      %dma_wait3A_130 = tpu.memref_slice %arg2[%dma_wait3A_128, %dma_wait3A_129] : memref<10112x48xf32, #tpu.memory_space<hbm>> -> memref<10112x48xf32, #tpu.memory_space<hbm>>
      tpu.wait_indirect_dma semaphore(%arg11 : memref<!tpu.dma_semaphore, #tpu.memory_space<semaphore_mem>>) src(%dma_wait3A_130 : memref<10112x48xf32, #tpu.memory_space<hbm>>) dst(%dma_wait3A_124 : memref<128x48xf32, #tpu.memory_space<vmem>>)
      %run_scoped3A_131 = arith.constant 1 : i32
      %run_scoped3A_132 = arith.constant 1 : i32
      %run_scoped3A_133 = arith.constant 1 : i32
      "tpu.region"() ({
        %run_scoped3A_312 = tpu.sem_alloc : memref<!tpu.dma_semaphore, #tpu.memory_space<semaphore_mem>>
        %dma_start3A_313 = arith.constant 0 : i32
        %dma_start3A_314 = arith.constant 0 : i32
        %dma_start3A_315 = tpu.memref_slice %arg8[%run_scoped3A_131, %dma_start3A_313, %dma_start3A_314] : memref<2x128x48xf32, #tpu.memory_space<vmem>> -> memref<1x128x48xf32, #tpu.memory_space<vmem>>
        %dma_start3A_316 = tpu.memref_squeeze %dma_start3A_315 : memref<1x128x48xf32, #tpu.memory_space<vmem>> -> memref<128x48xf32, #tpu.memory_space<vmem>>
        %dma_start3A_317 = arith.constant 0 : i32
        %dma_start3A_318 = tpu.memref_slice %arg7[%rem3A_88, %run_scoped3A_132, %run_scoped3A_133, %dma_start3A_317] : memref<2x2x8x128xi32, #tpu.memory_space<vmem>> -> memref<1x1x1x128xi32, #tpu.memory_space<vmem>>
        %dma_start3A_319 = tpu.memref_squeeze %dma_start3A_318 : memref<1x1x1x128xi32, #tpu.memory_space<vmem>> -> memref<128xi32, #tpu.memory_space<vmem>>
        %dma_start3A_320 = arith.constant 0 : i32
        %dma_start3A_321 = arith.constant 0 : i32
        %dma_start3A_322 = tpu.memref_slice %arg9[%dma_start3A_320, %dma_start3A_321] : memref<10112x48xf32, #tpu.memory_space<vmem_shared>> -> memref<10112x48xf32, #tpu.memory_space<vmem_shared>>
        tpu.enqueue_indirect_dma source(%dma_start3A_316 : memref<128x48xf32, #tpu.memory_space<vmem>>) target(%dma_start3A_322 : memref<10112x48xf32, #tpu.memory_space<vmem_shared>>) offsets(%dma_start3A_319 : memref<128xi32, #tpu.memory_space<vmem>>) semaphore(%run_scoped3A_312 : memref<!tpu.dma_semaphore, #tpu.memory_space<semaphore_mem>>) {add = true}
        %dma_wait3A_323 = arith.constant 0 : i32
        %dma_wait3A_324 = arith.constant 0 : i32
        %dma_wait3A_325 = tpu.memref_slice %arg8[%run_scoped3A_131, %dma_wait3A_323, %dma_wait3A_324] : memref<2x128x48xf32, #tpu.memory_space<vmem>> -> memref<1x128x48xf32, #tpu.memory_space<vmem>>
        %dma_wait3A_326 = tpu.memref_squeeze %dma_wait3A_325 : memref<1x128x48xf32, #tpu.memory_space<vmem>> -> memref<128x48xf32, #tpu.memory_space<vmem>>
        %dma_wait3A_327 = arith.constant 0 : i32
        %dma_wait3A_328 = tpu.memref_slice %arg7[%rem3A_88, %run_scoped3A_132, %run_scoped3A_133, %dma_wait3A_327] : memref<2x2x8x128xi32, #tpu.memory_space<vmem>> -> memref<1x1x1x128xi32, #tpu.memory_space<vmem>>
        %dma_wait3A_329 = tpu.memref_squeeze %dma_wait3A_328 : memref<1x1x1x128xi32, #tpu.memory_space<vmem>> -> memref<128xi32, #tpu.memory_space<vmem>>
        %dma_wait3A_330 = arith.constant 0 : i32
        %dma_wait3A_331 = arith.constant 0 : i32
        %dma_wait3A_332 = tpu.memref_slice %arg9[%dma_wait3A_330, %dma_wait3A_331] : memref<10112x48xf32, #tpu.memory_space<vmem_shared>> -> memref<10112x48xf32, #tpu.memory_space<vmem_shared>>
        tpu.wait_indirect_dma semaphore(%run_scoped3A_312 : memref<!tpu.dma_semaphore, #tpu.memory_space<semaphore_mem>>) src(%dma_wait3A_326 : memref<128x48xf32, #tpu.memory_space<vmem>>) dst(%dma_wait3A_332 : memref<10112x48xf32, #tpu.memory_space<vmem_shared>>)
        tpu.yield
      }) : () -> ()
      %dma_start3A_134 = arith.constant 0 : i32
      %dma_start3A_135 = arith.constant 3 : i32
      %dma_start3A_136 = arith.constant 1 : i32
      %dma_start3A_137 = arith.constant 0 : i32
      %dma_start3A_138 = arith.constant 0 : i32
      %dma_start3A_139 = tpu.memref_slice %arg8[%dma_start3A_136, %dma_start3A_137, %dma_start3A_138] : memref<2x128x48xf32, #tpu.memory_space<vmem>> -> memref<1x128x48xf32, #tpu.memory_space<vmem>>
      %dma_start3A_140 = tpu.memref_squeeze %dma_start3A_139 : memref<1x128x48xf32, #tpu.memory_space<vmem>> -> memref<128x48xf32, #tpu.memory_space<vmem>>
      %dma_start3A_141 = arith.constant 0 : i32
      %dma_start3A_142 = tpu.memref_slice %arg7[%rem3A_88, %dma_start3A_134, %dma_start3A_135, %dma_start3A_141] : memref<2x2x8x128xi32, #tpu.memory_space<vmem>> -> memref<1x1x1x128xi32, #tpu.memory_space<vmem>>
      %dma_start3A_143 = tpu.memref_squeeze %dma_start3A_142 : memref<1x1x1x128xi32, #tpu.memory_space<vmem>> -> memref<128xi32, #tpu.memory_space<vmem>>
      %dma_start3A_144 = arith.constant 0 : i32
      %dma_start3A_145 = arith.constant 0 : i32
      %dma_start3A_146 = tpu.memref_slice %arg2[%dma_start3A_144, %dma_start3A_145] : memref<10112x48xf32, #tpu.memory_space<hbm>> -> memref<10112x48xf32, #tpu.memory_space<hbm>>
      tpu.enqueue_indirect_dma source(%dma_start3A_146 : memref<10112x48xf32, #tpu.memory_space<hbm>>) target(%dma_start3A_140 : memref<128x48xf32, #tpu.memory_space<vmem>>) offsets(%dma_start3A_143 : memref<128xi32, #tpu.memory_space<vmem>>) semaphore(%arg11 : memref<!tpu.dma_semaphore, #tpu.memory_space<semaphore_mem>>)
      %dma_wait3A_147 = arith.constant 0 : i32
      %dma_wait3A_148 = arith.constant 2 : i32
      %dma_wait3A_149 = arith.constant 0 : i32
      %dma_wait3A_150 = arith.constant 0 : i32
      %dma_wait3A_151 = arith.constant 0 : i32
      %dma_wait3A_152 = tpu.memref_slice %arg8[%dma_wait3A_149, %dma_wait3A_150, %dma_wait3A_151] : memref<2x128x48xf32, #tpu.memory_space<vmem>> -> memref<1x128x48xf32, #tpu.memory_space<vmem>>
      %dma_wait3A_153 = tpu.memref_squeeze %dma_wait3A_152 : memref<1x128x48xf32, #tpu.memory_space<vmem>> -> memref<128x48xf32, #tpu.memory_space<vmem>>
      %dma_wait3A_154 = arith.constant 0 : i32
      %dma_wait3A_155 = tpu.memref_slice %arg7[%rem3A_88, %dma_wait3A_147, %dma_wait3A_148, %dma_wait3A_154] : memref<2x2x8x128xi32, #tpu.memory_space<vmem>> -> memref<1x1x1x128xi32, #tpu.memory_space<vmem>>
      %dma_wait3A_156 = tpu.memref_squeeze %dma_wait3A_155 : memref<1x1x1x128xi32, #tpu.memory_space<vmem>> -> memref<128xi32, #tpu.memory_space<vmem>>
      %dma_wait3A_157 = arith.constant 0 : i32
      %dma_wait3A_158 = arith.constant 0 : i32
      %dma_wait3A_159 = tpu.memref_slice %arg2[%dma_wait3A_157, %dma_wait3A_158] : memref<10112x48xf32, #tpu.memory_space<hbm>> -> memref<10112x48xf32, #tpu.memory_space<hbm>>
      tpu.wait_indirect_dma semaphore(%arg10 : memref<!tpu.dma_semaphore, #tpu.memory_space<semaphore_mem>>) src(%dma_wait3A_159 : memref<10112x48xf32, #tpu.memory_space<hbm>>) dst(%dma_wait3A_153 : memref<128x48xf32, #tpu.memory_space<vmem>>)
      %run_scoped3A_160 = arith.constant 0 : i32
      %run_scoped3A_161 = arith.constant 1 : i32
      %run_scoped3A_162 = arith.constant 2 : i32
      "tpu.region"() ({
        %run_scoped3A_312 = tpu.sem_alloc : memref<!tpu.dma_semaphore, #tpu.memory_space<semaphore_mem>>
        %dma_start3A_313 = arith.constant 0 : i32
        %dma_start3A_314 = arith.constant 0 : i32
        %dma_start3A_315 = tpu.memref_slice %arg8[%run_scoped3A_160, %dma_start3A_313, %dma_start3A_314] : memref<2x128x48xf32, #tpu.memory_space<vmem>> -> memref<1x128x48xf32, #tpu.memory_space<vmem>>
        %dma_start3A_316 = tpu.memref_squeeze %dma_start3A_315 : memref<1x128x48xf32, #tpu.memory_space<vmem>> -> memref<128x48xf32, #tpu.memory_space<vmem>>
        %dma_start3A_317 = arith.constant 0 : i32
        %dma_start3A_318 = tpu.memref_slice %arg7[%rem3A_88, %run_scoped3A_161, %run_scoped3A_162, %dma_start3A_317] : memref<2x2x8x128xi32, #tpu.memory_space<vmem>> -> memref<1x1x1x128xi32, #tpu.memory_space<vmem>>
        %dma_start3A_319 = tpu.memref_squeeze %dma_start3A_318 : memref<1x1x1x128xi32, #tpu.memory_space<vmem>> -> memref<128xi32, #tpu.memory_space<vmem>>
        %dma_start3A_320 = arith.constant 0 : i32
        %dma_start3A_321 = arith.constant 0 : i32
        %dma_start3A_322 = tpu.memref_slice %arg9[%dma_start3A_320, %dma_start3A_321] : memref<10112x48xf32, #tpu.memory_space<vmem_shared>> -> memref<10112x48xf32, #tpu.memory_space<vmem_shared>>
        tpu.enqueue_indirect_dma source(%dma_start3A_316 : memref<128x48xf32, #tpu.memory_space<vmem>>) target(%dma_start3A_322 : memref<10112x48xf32, #tpu.memory_space<vmem_shared>>) offsets(%dma_start3A_319 : memref<128xi32, #tpu.memory_space<vmem>>) semaphore(%run_scoped3A_312 : memref<!tpu.dma_semaphore, #tpu.memory_space<semaphore_mem>>) {add = true}
        %dma_wait3A_323 = arith.constant 0 : i32
        %dma_wait3A_324 = arith.constant 0 : i32
        %dma_wait3A_325 = tpu.memref_slice %arg8[%run_scoped3A_160, %dma_wait3A_323, %dma_wait3A_324] : memref<2x128x48xf32, #tpu.memory_space<vmem>> -> memref<1x128x48xf32, #tpu.memory_space<vmem>>
        %dma_wait3A_326 = tpu.memref_squeeze %dma_wait3A_325 : memref<1x128x48xf32, #tpu.memory_space<vmem>> -> memref<128x48xf32, #tpu.memory_space<vmem>>
        %dma_wait3A_327 = arith.constant 0 : i32
        %dma_wait3A_328 = tpu.memref_slice %arg7[%rem3A_88, %run_scoped3A_161, %run_scoped3A_162, %dma_wait3A_327] : memref<2x2x8x128xi32, #tpu.memory_space<vmem>> -> memref<1x1x1x128xi32, #tpu.memory_space<vmem>>
        %dma_wait3A_329 = tpu.memref_squeeze %dma_wait3A_328 : memref<1x1x1x128xi32, #tpu.memory_space<vmem>> -> memref<128xi32, #tpu.memory_space<vmem>>
        %dma_wait3A_330 = arith.constant 0 : i32
        %dma_wait3A_331 = arith.constant 0 : i32
        %dma_wait3A_332 = tpu.memref_slice %arg9[%dma_wait3A_330, %dma_wait3A_331] : memref<10112x48xf32, #tpu.memory_space<vmem_shared>> -> memref<10112x48xf32, #tpu.memory_space<vmem_shared>>
        tpu.wait_indirect_dma semaphore(%run_scoped3A_312 : memref<!tpu.dma_semaphore, #tpu.memory_space<semaphore_mem>>) src(%dma_wait3A_326 : memref<128x48xf32, #tpu.memory_space<vmem>>) dst(%dma_wait3A_332 : memref<10112x48xf32, #tpu.memory_space<vmem_shared>>)
        tpu.yield
      }) : () -> ()
      %dma_start3A_163 = arith.constant 0 : i32
      %dma_start3A_164 = arith.constant 4 : i32
      %dma_start3A_165 = arith.constant 0 : i32
      %dma_start3A_166 = arith.constant 0 : i32
      %dma_start3A_167 = arith.constant 0 : i32
      %dma_start3A_168 = tpu.memref_slice %arg8[%dma_start3A_165, %dma_start3A_166, %dma_start3A_167] : memref<2x128x48xf32, #tpu.memory_space<vmem>> -> memref<1x128x48xf32, #tpu.memory_space<vmem>>
      %dma_start3A_169 = tpu.memref_squeeze %dma_start3A_168 : memref<1x128x48xf32, #tpu.memory_space<vmem>> -> memref<128x48xf32, #tpu.memory_space<vmem>>
      %dma_start3A_170 = arith.constant 0 : i32
      %dma_start3A_171 = tpu.memref_slice %arg7[%rem3A_88, %dma_start3A_163, %dma_start3A_164, %dma_start3A_170] : memref<2x2x8x128xi32, #tpu.memory_space<vmem>> -> memref<1x1x1x128xi32, #tpu.memory_space<vmem>>
      %dma_start3A_172 = tpu.memref_squeeze %dma_start3A_171 : memref<1x1x1x128xi32, #tpu.memory_space<vmem>> -> memref<128xi32, #tpu.memory_space<vmem>>
      %dma_start3A_173 = arith.constant 0 : i32
      %dma_start3A_174 = arith.constant 0 : i32
      %dma_start3A_175 = tpu.memref_slice %arg2[%dma_start3A_173, %dma_start3A_174] : memref<10112x48xf32, #tpu.memory_space<hbm>> -> memref<10112x48xf32, #tpu.memory_space<hbm>>
      tpu.enqueue_indirect_dma source(%dma_start3A_175 : memref<10112x48xf32, #tpu.memory_space<hbm>>) target(%dma_start3A_169 : memref<128x48xf32, #tpu.memory_space<vmem>>) offsets(%dma_start3A_172 : memref<128xi32, #tpu.memory_space<vmem>>) semaphore(%arg10 : memref<!tpu.dma_semaphore, #tpu.memory_space<semaphore_mem>>)
      %dma_wait3A_176 = arith.constant 0 : i32
      %dma_wait3A_177 = arith.constant 3 : i32
      %dma_wait3A_178 = arith.constant 1 : i32
      %dma_wait3A_179 = arith.constant 0 : i32
      %dma_wait3A_180 = arith.constant 0 : i32
      %dma_wait3A_181 = tpu.memref_slice %arg8[%dma_wait3A_178, %dma_wait3A_179, %dma_wait3A_180] : memref<2x128x48xf32, #tpu.memory_space<vmem>> -> memref<1x128x48xf32, #tpu.memory_space<vmem>>
      %dma_wait3A_182 = tpu.memref_squeeze %dma_wait3A_181 : memref<1x128x48xf32, #tpu.memory_space<vmem>> -> memref<128x48xf32, #tpu.memory_space<vmem>>
      %dma_wait3A_183 = arith.constant 0 : i32
      %dma_wait3A_184 = tpu.memref_slice %arg7[%rem3A_88, %dma_wait3A_176, %dma_wait3A_177, %dma_wait3A_183] : memref<2x2x8x128xi32, #tpu.memory_space<vmem>> -> memref<1x1x1x128xi32, #tpu.memory_space<vmem>>
      %dma_wait3A_185 = tpu.memref_squeeze %dma_wait3A_184 : memref<1x1x1x128xi32, #tpu.memory_space<vmem>> -> memref<128xi32, #tpu.memory_space<vmem>>
      %dma_wait3A_186 = arith.constant 0 : i32
      %dma_wait3A_187 = arith.constant 0 : i32
      %dma_wait3A_188 = tpu.memref_slice %arg2[%dma_wait3A_186, %dma_wait3A_187] : memref<10112x48xf32, #tpu.memory_space<hbm>> -> memref<10112x48xf32, #tpu.memory_space<hbm>>
      tpu.wait_indirect_dma semaphore(%arg11 : memref<!tpu.dma_semaphore, #tpu.memory_space<semaphore_mem>>) src(%dma_wait3A_188 : memref<10112x48xf32, #tpu.memory_space<hbm>>) dst(%dma_wait3A_182 : memref<128x48xf32, #tpu.memory_space<vmem>>)
      %run_scoped3A_189 = arith.constant 1 : i32
      %run_scoped3A_190 = arith.constant 1 : i32
      %run_scoped3A_191 = arith.constant 3 : i32
      "tpu.region"() ({
        %run_scoped3A_312 = tpu.sem_alloc : memref<!tpu.dma_semaphore, #tpu.memory_space<semaphore_mem>>
        %dma_start3A_313 = arith.constant 0 : i32
        %dma_start3A_314 = arith.constant 0 : i32
        %dma_start3A_315 = tpu.memref_slice %arg8[%run_scoped3A_189, %dma_start3A_313, %dma_start3A_314] : memref<2x128x48xf32, #tpu.memory_space<vmem>> -> memref<1x128x48xf32, #tpu.memory_space<vmem>>
        %dma_start3A_316 = tpu.memref_squeeze %dma_start3A_315 : memref<1x128x48xf32, #tpu.memory_space<vmem>> -> memref<128x48xf32, #tpu.memory_space<vmem>>
        %dma_start3A_317 = arith.constant 0 : i32
        %dma_start3A_318 = tpu.memref_slice %arg7[%rem3A_88, %run_scoped3A_190, %run_scoped3A_191, %dma_start3A_317] : memref<2x2x8x128xi32, #tpu.memory_space<vmem>> -> memref<1x1x1x128xi32, #tpu.memory_space<vmem>>
        %dma_start3A_319 = tpu.memref_squeeze %dma_start3A_318 : memref<1x1x1x128xi32, #tpu.memory_space<vmem>> -> memref<128xi32, #tpu.memory_space<vmem>>
        %dma_start3A_320 = arith.constant 0 : i32
        %dma_start3A_321 = arith.constant 0 : i32
        %dma_start3A_322 = tpu.memref_slice %arg9[%dma_start3A_320, %dma_start3A_321] : memref<10112x48xf32, #tpu.memory_space<vmem_shared>> -> memref<10112x48xf32, #tpu.memory_space<vmem_shared>>
        tpu.enqueue_indirect_dma source(%dma_start3A_316 : memref<128x48xf32, #tpu.memory_space<vmem>>) target(%dma_start3A_322 : memref<10112x48xf32, #tpu.memory_space<vmem_shared>>) offsets(%dma_start3A_319 : memref<128xi32, #tpu.memory_space<vmem>>) semaphore(%run_scoped3A_312 : memref<!tpu.dma_semaphore, #tpu.memory_space<semaphore_mem>>) {add = true}
        %dma_wait3A_323 = arith.constant 0 : i32
        %dma_wait3A_324 = arith.constant 0 : i32
        %dma_wait3A_325 = tpu.memref_slice %arg8[%run_scoped3A_189, %dma_wait3A_323, %dma_wait3A_324] : memref<2x128x48xf32, #tpu.memory_space<vmem>> -> memref<1x128x48xf32, #tpu.memory_space<vmem>>
        %dma_wait3A_326 = tpu.memref_squeeze %dma_wait3A_325 : memref<1x128x48xf32, #tpu.memory_space<vmem>> -> memref<128x48xf32, #tpu.memory_space<vmem>>
        %dma_wait3A_327 = arith.constant 0 : i32
        %dma_wait3A_328 = tpu.memref_slice %arg7[%rem3A_88, %run_scoped3A_190, %run_scoped3A_191, %dma_wait3A_327] : memref<2x2x8x128xi32, #tpu.memory_space<vmem>> -> memref<1x1x1x128xi32, #tpu.memory_space<vmem>>
        %dma_wait3A_329 = tpu.memref_squeeze %dma_wait3A_328 : memref<1x1x1x128xi32, #tpu.memory_space<vmem>> -> memref<128xi32, #tpu.memory_space<vmem>>
        %dma_wait3A_330 = arith.constant 0 : i32
        %dma_wait3A_331 = arith.constant 0 : i32
        %dma_wait3A_332 = tpu.memref_slice %arg9[%dma_wait3A_330, %dma_wait3A_331] : memref<10112x48xf32, #tpu.memory_space<vmem_shared>> -> memref<10112x48xf32, #tpu.memory_space<vmem_shared>>
        tpu.wait_indirect_dma semaphore(%run_scoped3A_312 : memref<!tpu.dma_semaphore, #tpu.memory_space<semaphore_mem>>) src(%dma_wait3A_326 : memref<128x48xf32, #tpu.memory_space<vmem>>) dst(%dma_wait3A_332 : memref<10112x48xf32, #tpu.memory_space<vmem_shared>>)
        tpu.yield
      }) : () -> ()
      %dma_start3A_192 = arith.constant 0 : i32
      %dma_start3A_193 = arith.constant 5 : i32
      %dma_start3A_194 = arith.constant 1 : i32
      %dma_start3A_195 = arith.constant 0 : i32
      %dma_start3A_196 = arith.constant 0 : i32
      %dma_start3A_197 = tpu.memref_slice %arg8[%dma_start3A_194, %dma_start3A_195, %dma_start3A_196] : memref<2x128x48xf32, #tpu.memory_space<vmem>> -> memref<1x128x48xf32, #tpu.memory_space<vmem>>
      %dma_start3A_198 = tpu.memref_squeeze %dma_start3A_197 : memref<1x128x48xf32, #tpu.memory_space<vmem>> -> memref<128x48xf32, #tpu.memory_space<vmem>>
      %dma_start3A_199 = arith.constant 0 : i32
      %dma_start3A_200 = tpu.memref_slice %arg7[%rem3A_88, %dma_start3A_192, %dma_start3A_193, %dma_start3A_199] : memref<2x2x8x128xi32, #tpu.memory_space<vmem>> -> memref<1x1x1x128xi32, #tpu.memory_space<vmem>>
      %dma_start3A_201 = tpu.memref_squeeze %dma_start3A_200 : memref<1x1x1x128xi32, #tpu.memory_space<vmem>> -> memref<128xi32, #tpu.memory_space<vmem>>
      %dma_start3A_202 = arith.constant 0 : i32
      %dma_start3A_203 = arith.constant 0 : i32
      %dma_start3A_204 = tpu.memref_slice %arg2[%dma_start3A_202, %dma_start3A_203] : memref<10112x48xf32, #tpu.memory_space<hbm>> -> memref<10112x48xf32, #tpu.memory_space<hbm>>
      tpu.enqueue_indirect_dma source(%dma_start3A_204 : memref<10112x48xf32, #tpu.memory_space<hbm>>) target(%dma_start3A_198 : memref<128x48xf32, #tpu.memory_space<vmem>>) offsets(%dma_start3A_201 : memref<128xi32, #tpu.memory_space<vmem>>) semaphore(%arg11 : memref<!tpu.dma_semaphore, #tpu.memory_space<semaphore_mem>>)
      %dma_wait3A_205 = arith.constant 0 : i32
      %dma_wait3A_206 = arith.constant 4 : i32
      %dma_wait3A_207 = arith.constant 0 : i32
      %dma_wait3A_208 = arith.constant 0 : i32
      %dma_wait3A_209 = arith.constant 0 : i32
      %dma_wait3A_210 = tpu.memref_slice %arg8[%dma_wait3A_207, %dma_wait3A_208, %dma_wait3A_209] : memref<2x128x48xf32, #tpu.memory_space<vmem>> -> memref<1x128x48xf32, #tpu.memory_space<vmem>>
      %dma_wait3A_211 = tpu.memref_squeeze %dma_wait3A_210 : memref<1x128x48xf32, #tpu.memory_space<vmem>> -> memref<128x48xf32, #tpu.memory_space<vmem>>
      %dma_wait3A_212 = arith.constant 0 : i32
      %dma_wait3A_213 = tpu.memref_slice %arg7[%rem3A_88, %dma_wait3A_205, %dma_wait3A_206, %dma_wait3A_212] : memref<2x2x8x128xi32, #tpu.memory_space<vmem>> -> memref<1x1x1x128xi32, #tpu.memory_space<vmem>>
      %dma_wait3A_214 = tpu.memref_squeeze %dma_wait3A_213 : memref<1x1x1x128xi32, #tpu.memory_space<vmem>> -> memref<128xi32, #tpu.memory_space<vmem>>
      %dma_wait3A_215 = arith.constant 0 : i32
      %dma_wait3A_216 = arith.constant 0 : i32
      %dma_wait3A_217 = tpu.memref_slice %arg2[%dma_wait3A_215, %dma_wait3A_216] : memref<10112x48xf32, #tpu.memory_space<hbm>> -> memref<10112x48xf32, #tpu.memory_space<hbm>>
      tpu.wait_indirect_dma semaphore(%arg10 : memref<!tpu.dma_semaphore, #tpu.memory_space<semaphore_mem>>) src(%dma_wait3A_217 : memref<10112x48xf32, #tpu.memory_space<hbm>>) dst(%dma_wait3A_211 : memref<128x48xf32, #tpu.memory_space<vmem>>)
      %run_scoped3A_218 = arith.constant 0 : i32
      %run_scoped3A_219 = arith.constant 1 : i32
      %run_scoped3A_220 = arith.constant 4 : i32
      "tpu.region"() ({
        %run_scoped3A_312 = tpu.sem_alloc : memref<!tpu.dma_semaphore, #tpu.memory_space<semaphore_mem>>
        %dma_start3A_313 = arith.constant 0 : i32
        %dma_start3A_314 = arith.constant 0 : i32
        %dma_start3A_315 = tpu.memref_slice %arg8[%run_scoped3A_218, %dma_start3A_313, %dma_start3A_314] : memref<2x128x48xf32, #tpu.memory_space<vmem>> -> memref<1x128x48xf32, #tpu.memory_space<vmem>>
        %dma_start3A_316 = tpu.memref_squeeze %dma_start3A_315 : memref<1x128x48xf32, #tpu.memory_space<vmem>> -> memref<128x48xf32, #tpu.memory_space<vmem>>
        %dma_start3A_317 = arith.constant 0 : i32
        %dma_start3A_318 = tpu.memref_slice %arg7[%rem3A_88, %run_scoped3A_219, %run_scoped3A_220, %dma_start3A_317] : memref<2x2x8x128xi32, #tpu.memory_space<vmem>> -> memref<1x1x1x128xi32, #tpu.memory_space<vmem>>
        %dma_start3A_319 = tpu.memref_squeeze %dma_start3A_318 : memref<1x1x1x128xi32, #tpu.memory_space<vmem>> -> memref<128xi32, #tpu.memory_space<vmem>>
        %dma_start3A_320 = arith.constant 0 : i32
        %dma_start3A_321 = arith.constant 0 : i32
        %dma_start3A_322 = tpu.memref_slice %arg9[%dma_start3A_320, %dma_start3A_321] : memref<10112x48xf32, #tpu.memory_space<vmem_shared>> -> memref<10112x48xf32, #tpu.memory_space<vmem_shared>>
        tpu.enqueue_indirect_dma source(%dma_start3A_316 : memref<128x48xf32, #tpu.memory_space<vmem>>) target(%dma_start3A_322 : memref<10112x48xf32, #tpu.memory_space<vmem_shared>>) offsets(%dma_start3A_319 : memref<128xi32, #tpu.memory_space<vmem>>) semaphore(%run_scoped3A_312 : memref<!tpu.dma_semaphore, #tpu.memory_space<semaphore_mem>>) {add = true}
        %dma_wait3A_323 = arith.constant 0 : i32
        %dma_wait3A_324 = arith.constant 0 : i32
        %dma_wait3A_325 = tpu.memref_slice %arg8[%run_scoped3A_218, %dma_wait3A_323, %dma_wait3A_324] : memref<2x128x48xf32, #tpu.memory_space<vmem>> -> memref<1x128x48xf32, #tpu.memory_space<vmem>>
        %dma_wait3A_326 = tpu.memref_squeeze %dma_wait3A_325 : memref<1x128x48xf32, #tpu.memory_space<vmem>> -> memref<128x48xf32, #tpu.memory_space<vmem>>
        %dma_wait3A_327 = arith.constant 0 : i32
        %dma_wait3A_328 = tpu.memref_slice %arg7[%rem3A_88, %run_scoped3A_219, %run_scoped3A_220, %dma_wait3A_327] : memref<2x2x8x128xi32, #tpu.memory_space<vmem>> -> memref<1x1x1x128xi32, #tpu.memory_space<vmem>>
        %dma_wait3A_329 = tpu.memref_squeeze %dma_wait3A_328 : memref<1x1x1x128xi32, #tpu.memory_space<vmem>> -> memref<128xi32, #tpu.memory_space<vmem>>
        %dma_wait3A_330 = arith.constant 0 : i32
        %dma_wait3A_331 = arith.constant 0 : i32
        %dma_wait3A_332 = tpu.memref_slice %arg9[%dma_wait3A_330, %dma_wait3A_331] : memref<10112x48xf32, #tpu.memory_space<vmem_shared>> -> memref<10112x48xf32, #tpu.memory_space<vmem_shared>>
        tpu.wait_indirect_dma semaphore(%run_scoped3A_312 : memref<!tpu.dma_semaphore, #tpu.memory_space<semaphore_mem>>) src(%dma_wait3A_326 : memref<128x48xf32, #tpu.memory_space<vmem>>) dst(%dma_wait3A_332 : memref<10112x48xf32, #tpu.memory_space<vmem_shared>>)
        tpu.yield
      }) : () -> ()
      %dma_start3A_221 = arith.constant 0 : i32
      %dma_start3A_222 = arith.constant 6 : i32
      %dma_start3A_223 = arith.constant 0 : i32
      %dma_start3A_224 = arith.constant 0 : i32
      %dma_start3A_225 = arith.constant 0 : i32
      %dma_start3A_226 = tpu.memref_slice %arg8[%dma_start3A_223, %dma_start3A_224, %dma_start3A_225] : memref<2x128x48xf32, #tpu.memory_space<vmem>> -> memref<1x128x48xf32, #tpu.memory_space<vmem>>
      %dma_start3A_227 = tpu.memref_squeeze %dma_start3A_226 : memref<1x128x48xf32, #tpu.memory_space<vmem>> -> memref<128x48xf32, #tpu.memory_space<vmem>>
      %dma_start3A_228 = arith.constant 0 : i32
      %dma_start3A_229 = tpu.memref_slice %arg7[%rem3A_88, %dma_start3A_221, %dma_start3A_222, %dma_start3A_228] : memref<2x2x8x128xi32, #tpu.memory_space<vmem>> -> memref<1x1x1x128xi32, #tpu.memory_space<vmem>>
      %dma_start3A_230 = tpu.memref_squeeze %dma_start3A_229 : memref<1x1x1x128xi32, #tpu.memory_space<vmem>> -> memref<128xi32, #tpu.memory_space<vmem>>
      %dma_start3A_231 = arith.constant 0 : i32
      %dma_start3A_232 = arith.constant 0 : i32
      %dma_start3A_233 = tpu.memref_slice %arg2[%dma_start3A_231, %dma_start3A_232] : memref<10112x48xf32, #tpu.memory_space<hbm>> -> memref<10112x48xf32, #tpu.memory_space<hbm>>
      tpu.enqueue_indirect_dma source(%dma_start3A_233 : memref<10112x48xf32, #tpu.memory_space<hbm>>) target(%dma_start3A_227 : memref<128x48xf32, #tpu.memory_space<vmem>>) offsets(%dma_start3A_230 : memref<128xi32, #tpu.memory_space<vmem>>) semaphore(%arg10 : memref<!tpu.dma_semaphore, #tpu.memory_space<semaphore_mem>>)
      %dma_wait3A_234 = arith.constant 0 : i32
      %dma_wait3A_235 = arith.constant 5 : i32
      %dma_wait3A_236 = arith.constant 1 : i32
      %dma_wait3A_237 = arith.constant 0 : i32
      %dma_wait3A_238 = arith.constant 0 : i32
      %dma_wait3A_239 = tpu.memref_slice %arg8[%dma_wait3A_236, %dma_wait3A_237, %dma_wait3A_238] : memref<2x128x48xf32, #tpu.memory_space<vmem>> -> memref<1x128x48xf32, #tpu.memory_space<vmem>>
      %dma_wait3A_240 = tpu.memref_squeeze %dma_wait3A_239 : memref<1x128x48xf32, #tpu.memory_space<vmem>> -> memref<128x48xf32, #tpu.memory_space<vmem>>
      %dma_wait3A_241 = arith.constant 0 : i32
      %dma_wait3A_242 = tpu.memref_slice %arg7[%rem3A_88, %dma_wait3A_234, %dma_wait3A_235, %dma_wait3A_241] : memref<2x2x8x128xi32, #tpu.memory_space<vmem>> -> memref<1x1x1x128xi32, #tpu.memory_space<vmem>>
      %dma_wait3A_243 = tpu.memref_squeeze %dma_wait3A_242 : memref<1x1x1x128xi32, #tpu.memory_space<vmem>> -> memref<128xi32, #tpu.memory_space<vmem>>
      %dma_wait3A_244 = arith.constant 0 : i32
      %dma_wait3A_245 = arith.constant 0 : i32
      %dma_wait3A_246 = tpu.memref_slice %arg2[%dma_wait3A_244, %dma_wait3A_245] : memref<10112x48xf32, #tpu.memory_space<hbm>> -> memref<10112x48xf32, #tpu.memory_space<hbm>>
      tpu.wait_indirect_dma semaphore(%arg11 : memref<!tpu.dma_semaphore, #tpu.memory_space<semaphore_mem>>) src(%dma_wait3A_246 : memref<10112x48xf32, #tpu.memory_space<hbm>>) dst(%dma_wait3A_240 : memref<128x48xf32, #tpu.memory_space<vmem>>)
      %run_scoped3A_247 = arith.constant 1 : i32
      %run_scoped3A_248 = arith.constant 1 : i32
      %run_scoped3A_249 = arith.constant 5 : i32
      "tpu.region"() ({
        %run_scoped3A_312 = tpu.sem_alloc : memref<!tpu.dma_semaphore, #tpu.memory_space<semaphore_mem>>
        %dma_start3A_313 = arith.constant 0 : i32
        %dma_start3A_314 = arith.constant 0 : i32
        %dma_start3A_315 = tpu.memref_slice %arg8[%run_scoped3A_247, %dma_start3A_313, %dma_start3A_314] : memref<2x128x48xf32, #tpu.memory_space<vmem>> -> memref<1x128x48xf32, #tpu.memory_space<vmem>>
        %dma_start3A_316 = tpu.memref_squeeze %dma_start3A_315 : memref<1x128x48xf32, #tpu.memory_space<vmem>> -> memref<128x48xf32, #tpu.memory_space<vmem>>
        %dma_start3A_317 = arith.constant 0 : i32
        %dma_start3A_318 = tpu.memref_slice %arg7[%rem3A_88, %run_scoped3A_248, %run_scoped3A_249, %dma_start3A_317] : memref<2x2x8x128xi32, #tpu.memory_space<vmem>> -> memref<1x1x1x128xi32, #tpu.memory_space<vmem>>
        %dma_start3A_319 = tpu.memref_squeeze %dma_start3A_318 : memref<1x1x1x128xi32, #tpu.memory_space<vmem>> -> memref<128xi32, #tpu.memory_space<vmem>>
        %dma_start3A_320 = arith.constant 0 : i32
        %dma_start3A_321 = arith.constant 0 : i32
        %dma_start3A_322 = tpu.memref_slice %arg9[%dma_start3A_320, %dma_start3A_321] : memref<10112x48xf32, #tpu.memory_space<vmem_shared>> -> memref<10112x48xf32, #tpu.memory_space<vmem_shared>>
        tpu.enqueue_indirect_dma source(%dma_start3A_316 : memref<128x48xf32, #tpu.memory_space<vmem>>) target(%dma_start3A_322 : memref<10112x48xf32, #tpu.memory_space<vmem_shared>>) offsets(%dma_start3A_319 : memref<128xi32, #tpu.memory_space<vmem>>) semaphore(%run_scoped3A_312 : memref<!tpu.dma_semaphore, #tpu.memory_space<semaphore_mem>>) {add = true}
        %dma_wait3A_323 = arith.constant 0 : i32
        %dma_wait3A_324 = arith.constant 0 : i32
        %dma_wait3A_325 = tpu.memref_slice %arg8[%run_scoped3A_247, %dma_wait3A_323, %dma_wait3A_324] : memref<2x128x48xf32, #tpu.memory_space<vmem>> -> memref<1x128x48xf32, #tpu.memory_space<vmem>>
        %dma_wait3A_326 = tpu.memref_squeeze %dma_wait3A_325 : memref<1x128x48xf32, #tpu.memory_space<vmem>> -> memref<128x48xf32, #tpu.memory_space<vmem>>
        %dma_wait3A_327 = arith.constant 0 : i32
        %dma_wait3A_328 = tpu.memref_slice %arg7[%rem3A_88, %run_scoped3A_248, %run_scoped3A_249, %dma_wait3A_327] : memref<2x2x8x128xi32, #tpu.memory_space<vmem>> -> memref<1x1x1x128xi32, #tpu.memory_space<vmem>>
        %dma_wait3A_329 = tpu.memref_squeeze %dma_wait3A_328 : memref<1x1x1x128xi32, #tpu.memory_space<vmem>> -> memref<128xi32, #tpu.memory_space<vmem>>
        %dma_wait3A_330 = arith.constant 0 : i32
        %dma_wait3A_331 = arith.constant 0 : i32
        %dma_wait3A_332 = tpu.memref_slice %arg9[%dma_wait3A_330, %dma_wait3A_331] : memref<10112x48xf32, #tpu.memory_space<vmem_shared>> -> memref<10112x48xf32, #tpu.memory_space<vmem_shared>>
        tpu.wait_indirect_dma semaphore(%run_scoped3A_312 : memref<!tpu.dma_semaphore, #tpu.memory_space<semaphore_mem>>) src(%dma_wait3A_326 : memref<128x48xf32, #tpu.memory_space<vmem>>) dst(%dma_wait3A_332 : memref<10112x48xf32, #tpu.memory_space<vmem_shared>>)
        tpu.yield
      }) : () -> ()
      %dma_start3A_250 = arith.constant 0 : i32
      %dma_start3A_251 = arith.constant 7 : i32
      %dma_start3A_252 = arith.constant 1 : i32
      %dma_start3A_253 = arith.constant 0 : i32
      %dma_start3A_254 = arith.constant 0 : i32
      %dma_start3A_255 = tpu.memref_slice %arg8[%dma_start3A_252, %dma_start3A_253, %dma_start3A_254] : memref<2x128x48xf32, #tpu.memory_space<vmem>> -> memref<1x128x48xf32, #tpu.memory_space<vmem>>
      %dma_start3A_256 = tpu.memref_squeeze %dma_start3A_255 : memref<1x128x48xf32, #tpu.memory_space<vmem>> -> memref<128x48xf32, #tpu.memory_space<vmem>>
      %dma_start3A_257 = arith.constant 0 : i32
      %dma_start3A_258 = tpu.memref_slice %arg7[%rem3A_88, %dma_start3A_250, %dma_start3A_251, %dma_start3A_257] : memref<2x2x8x128xi32, #tpu.memory_space<vmem>> -> memref<1x1x1x128xi32, #tpu.memory_space<vmem>>
      %dma_start3A_259 = tpu.memref_squeeze %dma_start3A_258 : memref<1x1x1x128xi32, #tpu.memory_space<vmem>> -> memref<128xi32, #tpu.memory_space<vmem>>
      %dma_start3A_260 = arith.constant 0 : i32
      %dma_start3A_261 = arith.constant 0 : i32
      %dma_start3A_262 = tpu.memref_slice %arg2[%dma_start3A_260, %dma_start3A_261] : memref<10112x48xf32, #tpu.memory_space<hbm>> -> memref<10112x48xf32, #tpu.memory_space<hbm>>
      tpu.enqueue_indirect_dma source(%dma_start3A_262 : memref<10112x48xf32, #tpu.memory_space<hbm>>) target(%dma_start3A_256 : memref<128x48xf32, #tpu.memory_space<vmem>>) offsets(%dma_start3A_259 : memref<128xi32, #tpu.memory_space<vmem>>) semaphore(%arg11 : memref<!tpu.dma_semaphore, #tpu.memory_space<semaphore_mem>>)
      %dma_wait3A_263 = arith.constant 0 : i32
      %dma_wait3A_264 = arith.constant 6 : i32
      %dma_wait3A_265 = arith.constant 0 : i32
      %dma_wait3A_266 = arith.constant 0 : i32
      %dma_wait3A_267 = arith.constant 0 : i32
      %dma_wait3A_268 = tpu.memref_slice %arg8[%dma_wait3A_265, %dma_wait3A_266, %dma_wait3A_267] : memref<2x128x48xf32, #tpu.memory_space<vmem>> -> memref<1x128x48xf32, #tpu.memory_space<vmem>>
      %dma_wait3A_269 = tpu.memref_squeeze %dma_wait3A_268 : memref<1x128x48xf32, #tpu.memory_space<vmem>> -> memref<128x48xf32, #tpu.memory_space<vmem>>
      %dma_wait3A_270 = arith.constant 0 : i32
      %dma_wait3A_271 = tpu.memref_slice %arg7[%rem3A_88, %dma_wait3A_263, %dma_wait3A_264, %dma_wait3A_270] : memref<2x2x8x128xi32, #tpu.memory_space<vmem>> -> memref<1x1x1x128xi32, #tpu.memory_space<vmem>>
      %dma_wait3A_272 = tpu.memref_squeeze %dma_wait3A_271 : memref<1x1x1x128xi32, #tpu.memory_space<vmem>> -> memref<128xi32, #tpu.memory_space<vmem>>
      %dma_wait3A_273 = arith.constant 0 : i32
      %dma_wait3A_274 = arith.constant 0 : i32
      %dma_wait3A_275 = tpu.memref_slice %arg2[%dma_wait3A_273, %dma_wait3A_274] : memref<10112x48xf32, #tpu.memory_space<hbm>> -> memref<10112x48xf32, #tpu.memory_space<hbm>>
      tpu.wait_indirect_dma semaphore(%arg10 : memref<!tpu.dma_semaphore, #tpu.memory_space<semaphore_mem>>) src(%dma_wait3A_275 : memref<10112x48xf32, #tpu.memory_space<hbm>>) dst(%dma_wait3A_269 : memref<128x48xf32, #tpu.memory_space<vmem>>)
      %run_scoped3A_276 = arith.constant 0 : i32
      %run_scoped3A_277 = arith.constant 1 : i32
      %run_scoped3A_278 = arith.constant 6 : i32
      "tpu.region"() ({
        %run_scoped3A_312 = tpu.sem_alloc : memref<!tpu.dma_semaphore, #tpu.memory_space<semaphore_mem>>
        %dma_start3A_313 = arith.constant 0 : i32
        %dma_start3A_314 = arith.constant 0 : i32
        %dma_start3A_315 = tpu.memref_slice %arg8[%run_scoped3A_276, %dma_start3A_313, %dma_start3A_314] : memref<2x128x48xf32, #tpu.memory_space<vmem>> -> memref<1x128x48xf32, #tpu.memory_space<vmem>>
        %dma_start3A_316 = tpu.memref_squeeze %dma_start3A_315 : memref<1x128x48xf32, #tpu.memory_space<vmem>> -> memref<128x48xf32, #tpu.memory_space<vmem>>
        %dma_start3A_317 = arith.constant 0 : i32
        %dma_start3A_318 = tpu.memref_slice %arg7[%rem3A_88, %run_scoped3A_277, %run_scoped3A_278, %dma_start3A_317] : memref<2x2x8x128xi32, #tpu.memory_space<vmem>> -> memref<1x1x1x128xi32, #tpu.memory_space<vmem>>
        %dma_start3A_319 = tpu.memref_squeeze %dma_start3A_318 : memref<1x1x1x128xi32, #tpu.memory_space<vmem>> -> memref<128xi32, #tpu.memory_space<vmem>>
        %dma_start3A_320 = arith.constant 0 : i32
        %dma_start3A_321 = arith.constant 0 : i32
        %dma_start3A_322 = tpu.memref_slice %arg9[%dma_start3A_320, %dma_start3A_321] : memref<10112x48xf32, #tpu.memory_space<vmem_shared>> -> memref<10112x48xf32, #tpu.memory_space<vmem_shared>>
        tpu.enqueue_indirect_dma source(%dma_start3A_316 : memref<128x48xf32, #tpu.memory_space<vmem>>) target(%dma_start3A_322 : memref<10112x48xf32, #tpu.memory_space<vmem_shared>>) offsets(%dma_start3A_319 : memref<128xi32, #tpu.memory_space<vmem>>) semaphore(%run_scoped3A_312 : memref<!tpu.dma_semaphore, #tpu.memory_space<semaphore_mem>>) {add = true}
        %dma_wait3A_323 = arith.constant 0 : i32
        %dma_wait3A_324 = arith.constant 0 : i32
        %dma_wait3A_325 = tpu.memref_slice %arg8[%run_scoped3A_276, %dma_wait3A_323, %dma_wait3A_324] : memref<2x128x48xf32, #tpu.memory_space<vmem>> -> memref<1x128x48xf32, #tpu.memory_space<vmem>>
        %dma_wait3A_326 = tpu.memref_squeeze %dma_wait3A_325 : memref<1x128x48xf32, #tpu.memory_space<vmem>> -> memref<128x48xf32, #tpu.memory_space<vmem>>
        %dma_wait3A_327 = arith.constant 0 : i32
        %dma_wait3A_328 = tpu.memref_slice %arg7[%rem3A_88, %run_scoped3A_277, %run_scoped3A_278, %dma_wait3A_327] : memref<2x2x8x128xi32, #tpu.memory_space<vmem>> -> memref<1x1x1x128xi32, #tpu.memory_space<vmem>>
        %dma_wait3A_329 = tpu.memref_squeeze %dma_wait3A_328 : memref<1x1x1x128xi32, #tpu.memory_space<vmem>> -> memref<128xi32, #tpu.memory_space<vmem>>
        %dma_wait3A_330 = arith.constant 0 : i32
        %dma_wait3A_331 = arith.constant 0 : i32
        %dma_wait3A_332 = tpu.memref_slice %arg9[%dma_wait3A_330, %dma_wait3A_331] : memref<10112x48xf32, #tpu.memory_space<vmem_shared>> -> memref<10112x48xf32, #tpu.memory_space<vmem_shared>>
        tpu.wait_indirect_dma semaphore(%run_scoped3A_312 : memref<!tpu.dma_semaphore, #tpu.memory_space<semaphore_mem>>) src(%dma_wait3A_326 : memref<128x48xf32, #tpu.memory_space<vmem>>) dst(%dma_wait3A_332 : memref<10112x48xf32, #tpu.memory_space<vmem_shared>>)
        tpu.yield
      }) : () -> ()
      %lt3A = arith.constant 9 : i32
      %lt3A_279 = arith.cmpi slt, %scan3A_87, %lt3A : i32
      %convert_element_type3A = arith.extui %lt3A_279 : i1 to i32
      %cond3A = arith.constant 0 : i32
      %cond3A_280 = arith.cmpi ne, %convert_element_type3A, %cond3A : i32
      scf.if %cond3A_280 {
        %add3A_312 = arith.addi %mul3A_2, %scan3A_87 : i32
        %add3A_313 = arith.constant 1 : i32
        %add3A_314 = arith.addi %add3A_312, %add3A_313 : i32
        %dma_wait3A_315 = arith.constant 0 : i32
        %dma_wait3A_316 = arith.constant 0 : i32
        %dma_wait3A_317 = arith.constant 0 : i32
        %dma_wait3A_318 = tpu.memref_slice %arg7[%sub3A_89, %dma_wait3A_315, %dma_wait3A_316, %dma_wait3A_317] : memref<2x2x8x128xi32, #tpu.memory_space<vmem>> -> memref<1x1x8x128xi32, #tpu.memory_space<vmem>>
        %dma_wait3A_319 = tpu.memref_squeeze %dma_wait3A_318 : memref<1x1x8x128xi32, #tpu.memory_space<vmem>> -> memref<8x128xi32, #tpu.memory_space<vmem>>
        %dma_wait3A_320 = arith.constant 0 : i32
        %dma_wait3A_321 = arith.constant 0 : i32
        %dma_wait3A_322 = tpu.memref_slice %arg3[%add3A_314, %dma_wait3A_320, %dma_wait3A_321] : memref<320x8x128xi32, #tpu.memory_space<hbm>> -> memref<1x8x128xi32, #tpu.memory_space<hbm>>
        %dma_wait3A_323 = tpu.memref_squeeze %dma_wait3A_322 : memref<1x8x128xi32, #tpu.memory_space<hbm>> -> memref<8x128xi32, #tpu.memory_space<hbm>>
        %dma_wait3A_324 = arith.constant 0 : i32
        %dma_wait3A_325 = arith.constant 0 : i32
        %dma_wait3A_326 = tpu.memref_slice %arg7[%sub3A_89, %dma_wait3A_315, %dma_wait3A_324, %dma_wait3A_325] : memref<2x2x8x128xi32, #tpu.memory_space<vmem>> -> memref<1x1x8x128xi32, #tpu.memory_space<vmem>>
        %dma_wait3A_327 = tpu.memref_squeeze %dma_wait3A_326 : memref<1x1x8x128xi32, #tpu.memory_space<vmem>> -> memref<8x128xi32, #tpu.memory_space<vmem>>
        %dma_wait3A_328 = arith.constant 0 : i32
        %dma_wait3A_329 = arith.constant 0 : i32
        %dma_wait3A_330 = tpu.memref_slice %arg3[%add3A_314, %dma_wait3A_328, %dma_wait3A_329] : memref<320x8x128xi32, #tpu.memory_space<hbm>> -> memref<1x8x128xi32, #tpu.memory_space<hbm>>
        %dma_wait3A_331 = tpu.memref_squeeze %dma_wait3A_330 : memref<1x8x128xi32, #tpu.memory_space<hbm>> -> memref<8x128xi32, #tpu.memory_space<hbm>>
        tpu.wait_dma2 semaphore(%arg12 : memref<!tpu.dma_semaphore, #tpu.memory_space<semaphore_mem>>) src(%dma_wait3A_331 : memref<8x128xi32, #tpu.memory_space<hbm>>) dst(%dma_wait3A_327 : memref<8x128xi32, #tpu.memory_space<vmem>>)
        %add3A_332 = arith.addi %mul3A_2, %scan3A_87 : i32
        %add3A_333 = arith.constant 1 : i32
        %add3A_334 = arith.addi %add3A_332, %add3A_333 : i32
        %dma_wait3A_335 = arith.constant 1 : i32
        %dma_wait3A_336 = arith.constant 0 : i32
        %dma_wait3A_337 = arith.constant 0 : i32
        %dma_wait3A_338 = tpu.memref_slice %arg7[%sub3A_89, %dma_wait3A_335, %dma_wait3A_336, %dma_wait3A_337] : memref<2x2x8x128xi32, #tpu.memory_space<vmem>> -> memref<1x1x8x128xi32, #tpu.memory_space<vmem>>
        %dma_wait3A_339 = tpu.memref_squeeze %dma_wait3A_338 : memref<1x1x8x128xi32, #tpu.memory_space<vmem>> -> memref<8x128xi32, #tpu.memory_space<vmem>>
        %dma_wait3A_340 = arith.constant 0 : i32
        %dma_wait3A_341 = arith.constant 0 : i32
        %dma_wait3A_342 = tpu.memref_slice %arg4[%add3A_334, %dma_wait3A_340, %dma_wait3A_341] : memref<320x8x128xi32, #tpu.memory_space<hbm>> -> memref<1x8x128xi32, #tpu.memory_space<hbm>>
        %dma_wait3A_343 = tpu.memref_squeeze %dma_wait3A_342 : memref<1x8x128xi32, #tpu.memory_space<hbm>> -> memref<8x128xi32, #tpu.memory_space<hbm>>
        %dma_wait3A_344 = arith.constant 0 : i32
        %dma_wait3A_345 = arith.constant 0 : i32
        %dma_wait3A_346 = tpu.memref_slice %arg7[%sub3A_89, %dma_wait3A_335, %dma_wait3A_344, %dma_wait3A_345] : memref<2x2x8x128xi32, #tpu.memory_space<vmem>> -> memref<1x1x8x128xi32, #tpu.memory_space<vmem>>
        %dma_wait3A_347 = tpu.memref_squeeze %dma_wait3A_346 : memref<1x1x8x128xi32, #tpu.memory_space<vmem>> -> memref<8x128xi32, #tpu.memory_space<vmem>>
        %dma_wait3A_348 = arith.constant 0 : i32
        %dma_wait3A_349 = arith.constant 0 : i32
        %dma_wait3A_350 = tpu.memref_slice %arg4[%add3A_334, %dma_wait3A_348, %dma_wait3A_349] : memref<320x8x128xi32, #tpu.memory_space<hbm>> -> memref<1x8x128xi32, #tpu.memory_space<hbm>>
        %dma_wait3A_351 = tpu.memref_squeeze %dma_wait3A_350 : memref<1x8x128xi32, #tpu.memory_space<hbm>> -> memref<8x128xi32, #tpu.memory_space<hbm>>
        tpu.wait_dma2 semaphore(%arg12 : memref<!tpu.dma_semaphore, #tpu.memory_space<semaphore_mem>>) src(%dma_wait3A_351 : memref<8x128xi32, #tpu.memory_space<hbm>>) dst(%dma_wait3A_347 : memref<8x128xi32, #tpu.memory_space<vmem>>)
      } else {
      }
      %lt3A_281 = arith.constant 9 : i32
      %lt3A_282 = arith.cmpi slt, %scan3A_87, %lt3A_281 : i32
      %convert_element_type3A_283 = arith.extui %lt3A_282 : i1 to i32
      %cond3A_284 = arith.constant 0 : i32
      %cond3A_285 = arith.cmpi ne, %convert_element_type3A_283, %cond3A_284 : i32
      scf.if %cond3A_285 {
        %dma_start3A_312 = arith.constant 0 : i32
        %dma_start3A_313 = arith.constant 0 : i32
        %dma_start3A_314 = arith.constant 0 : i32
        %dma_start3A_315 = arith.constant 0 : i32
        %dma_start3A_316 = arith.constant 0 : i32
        %dma_start3A_317 = tpu.memref_slice %arg8[%dma_start3A_314, %dma_start3A_315, %dma_start3A_316] : memref<2x128x48xf32, #tpu.memory_space<vmem>> -> memref<1x128x48xf32, #tpu.memory_space<vmem>>
        %dma_start3A_318 = tpu.memref_squeeze %dma_start3A_317 : memref<1x128x48xf32, #tpu.memory_space<vmem>> -> memref<128x48xf32, #tpu.memory_space<vmem>>
        %dma_start3A_319 = arith.constant 0 : i32
        %dma_start3A_320 = tpu.memref_slice %arg7[%sub3A_89, %dma_start3A_312, %dma_start3A_313, %dma_start3A_319] : memref<2x2x8x128xi32, #tpu.memory_space<vmem>> -> memref<1x1x1x128xi32, #tpu.memory_space<vmem>>
        %dma_start3A_321 = tpu.memref_squeeze %dma_start3A_320 : memref<1x1x1x128xi32, #tpu.memory_space<vmem>> -> memref<128xi32, #tpu.memory_space<vmem>>
        %dma_start3A_322 = arith.constant 0 : i32
        %dma_start3A_323 = arith.constant 0 : i32
        %dma_start3A_324 = tpu.memref_slice %arg2[%dma_start3A_322, %dma_start3A_323] : memref<10112x48xf32, #tpu.memory_space<hbm>> -> memref<10112x48xf32, #tpu.memory_space<hbm>>
        tpu.enqueue_indirect_dma source(%dma_start3A_324 : memref<10112x48xf32, #tpu.memory_space<hbm>>) target(%dma_start3A_318 : memref<128x48xf32, #tpu.memory_space<vmem>>) offsets(%dma_start3A_321 : memref<128xi32, #tpu.memory_space<vmem>>) semaphore(%arg10 : memref<!tpu.dma_semaphore, #tpu.memory_space<semaphore_mem>>)
      } else {
      }
      %dma_wait3A_286 = arith.constant 0 : i32
      %dma_wait3A_287 = arith.constant 7 : i32
      %dma_wait3A_288 = arith.constant 1 : i32
      %dma_wait3A_289 = arith.constant 0 : i32
      %dma_wait3A_290 = arith.constant 0 : i32
      %dma_wait3A_291 = tpu.memref_slice %arg8[%dma_wait3A_288, %dma_wait3A_289, %dma_wait3A_290] : memref<2x128x48xf32, #tpu.memory_space<vmem>> -> memref<1x128x48xf32, #tpu.memory_space<vmem>>
      %dma_wait3A_292 = tpu.memref_squeeze %dma_wait3A_291 : memref<1x128x48xf32, #tpu.memory_space<vmem>> -> memref<128x48xf32, #tpu.memory_space<vmem>>
      %dma_wait3A_293 = arith.constant 0 : i32
      %dma_wait3A_294 = tpu.memref_slice %arg7[%rem3A_88, %dma_wait3A_286, %dma_wait3A_287, %dma_wait3A_293] : memref<2x2x8x128xi32, #tpu.memory_space<vmem>> -> memref<1x1x1x128xi32, #tpu.memory_space<vmem>>
      %dma_wait3A_295 = tpu.memref_squeeze %dma_wait3A_294 : memref<1x1x1x128xi32, #tpu.memory_space<vmem>> -> memref<128xi32, #tpu.memory_space<vmem>>
      %dma_wait3A_296 = arith.constant 0 : i32
      %dma_wait3A_297 = arith.constant 0 : i32
      %dma_wait3A_298 = tpu.memref_slice %arg2[%dma_wait3A_296, %dma_wait3A_297] : memref<10112x48xf32, #tpu.memory_space<hbm>> -> memref<10112x48xf32, #tpu.memory_space<hbm>>
      tpu.wait_indirect_dma semaphore(%arg11 : memref<!tpu.dma_semaphore, #tpu.memory_space<semaphore_mem>>) src(%dma_wait3A_298 : memref<10112x48xf32, #tpu.memory_space<hbm>>) dst(%dma_wait3A_292 : memref<128x48xf32, #tpu.memory_space<vmem>>)
      %run_scoped3A_299 = arith.constant 1 : i32
      %run_scoped3A_300 = arith.constant 1 : i32
      %run_scoped3A_301 = arith.constant 7 : i32
      "tpu.region"() ({
        %run_scoped3A_312 = tpu.sem_alloc : memref<!tpu.dma_semaphore, #tpu.memory_space<semaphore_mem>>
        %dma_start3A_313 = arith.constant 0 : i32
        %dma_start3A_314 = arith.constant 0 : i32
        %dma_start3A_315 = tpu.memref_slice %arg8[%run_scoped3A_299, %dma_start3A_313, %dma_start3A_314] : memref<2x128x48xf32, #tpu.memory_space<vmem>> -> memref<1x128x48xf32, #tpu.memory_space<vmem>>
        %dma_start3A_316 = tpu.memref_squeeze %dma_start3A_315 : memref<1x128x48xf32, #tpu.memory_space<vmem>> -> memref<128x48xf32, #tpu.memory_space<vmem>>
        %dma_start3A_317 = arith.constant 0 : i32
        %dma_start3A_318 = tpu.memref_slice %arg7[%rem3A_88, %run_scoped3A_300, %run_scoped3A_301, %dma_start3A_317] : memref<2x2x8x128xi32, #tpu.memory_space<vmem>> -> memref<1x1x1x128xi32, #tpu.memory_space<vmem>>
        %dma_start3A_319 = tpu.memref_squeeze %dma_start3A_318 : memref<1x1x1x128xi32, #tpu.memory_space<vmem>> -> memref<128xi32, #tpu.memory_space<vmem>>
        %dma_start3A_320 = arith.constant 0 : i32
        %dma_start3A_321 = arith.constant 0 : i32
        %dma_start3A_322 = tpu.memref_slice %arg9[%dma_start3A_320, %dma_start3A_321] : memref<10112x48xf32, #tpu.memory_space<vmem_shared>> -> memref<10112x48xf32, #tpu.memory_space<vmem_shared>>
        tpu.enqueue_indirect_dma source(%dma_start3A_316 : memref<128x48xf32, #tpu.memory_space<vmem>>) target(%dma_start3A_322 : memref<10112x48xf32, #tpu.memory_space<vmem_shared>>) offsets(%dma_start3A_319 : memref<128xi32, #tpu.memory_space<vmem>>) semaphore(%run_scoped3A_312 : memref<!tpu.dma_semaphore, #tpu.memory_space<semaphore_mem>>) {add = true}
        %dma_wait3A_323 = arith.constant 0 : i32
        %dma_wait3A_324 = arith.constant 0 : i32
        %dma_wait3A_325 = tpu.memref_slice %arg8[%run_scoped3A_299, %dma_wait3A_323, %dma_wait3A_324] : memref<2x128x48xf32, #tpu.memory_space<vmem>> -> memref<1x128x48xf32, #tpu.memory_space<vmem>>
        %dma_wait3A_326 = tpu.memref_squeeze %dma_wait3A_325 : memref<1x128x48xf32, #tpu.memory_space<vmem>> -> memref<128x48xf32, #tpu.memory_space<vmem>>
        %dma_wait3A_327 = arith.constant 0 : i32
        %dma_wait3A_328 = tpu.memref_slice %arg7[%rem3A_88, %run_scoped3A_300, %run_scoped3A_301, %dma_wait3A_327] : memref<2x2x8x128xi32, #tpu.memory_space<vmem>> -> memref<1x1x1x128xi32, #tpu.memory_space<vmem>>
        %dma_wait3A_329 = tpu.memref_squeeze %dma_wait3A_328 : memref<1x1x1x128xi32, #tpu.memory_space<vmem>> -> memref<128xi32, #tpu.memory_space<vmem>>
        %dma_wait3A_330 = arith.constant 0 : i32
        %dma_wait3A_331 = arith.constant 0 : i32
        %dma_wait3A_332 = tpu.memref_slice %arg9[%dma_wait3A_330, %dma_wait3A_331] : memref<10112x48xf32, #tpu.memory_space<vmem_shared>> -> memref<10112x48xf32, #tpu.memory_space<vmem_shared>>
        tpu.wait_indirect_dma semaphore(%run_scoped3A_312 : memref<!tpu.dma_semaphore, #tpu.memory_space<semaphore_mem>>) src(%dma_wait3A_326 : memref<128x48xf32, #tpu.memory_space<vmem>>) dst(%dma_wait3A_332 : memref<10112x48xf32, #tpu.memory_space<vmem_shared>>)
        tpu.yield
      }) : () -> ()
      %lt3A_302 = arith.constant 9 : i32
      %lt3A_303 = arith.cmpi slt, %scan3A_87, %lt3A_302 : i32
      %convert_element_type3A_304 = arith.extui %lt3A_303 : i1 to i32
      %cond3A_305 = arith.constant 0 : i32
      %cond3A_306 = arith.cmpi ne, %convert_element_type3A_304, %cond3A_305 : i32
      scf.if %cond3A_306 {
        %dma_start3A_312 = arith.constant 0 : i32
        %dma_start3A_313 = arith.constant 1 : i32
        %dma_start3A_314 = arith.constant 1 : i32
        %dma_start3A_315 = arith.constant 0 : i32
        %dma_start3A_316 = arith.constant 0 : i32
        %dma_start3A_317 = tpu.memref_slice %arg8[%dma_start3A_314, %dma_start3A_315, %dma_start3A_316] : memref<2x128x48xf32, #tpu.memory_space<vmem>> -> memref<1x128x48xf32, #tpu.memory_space<vmem>>
        %dma_start3A_318 = tpu.memref_squeeze %dma_start3A_317 : memref<1x128x48xf32, #tpu.memory_space<vmem>> -> memref<128x48xf32, #tpu.memory_space<vmem>>
        %dma_start3A_319 = arith.constant 0 : i32
        %dma_start3A_320 = tpu.memref_slice %arg7[%sub3A_89, %dma_start3A_312, %dma_start3A_313, %dma_start3A_319] : memref<2x2x8x128xi32, #tpu.memory_space<vmem>> -> memref<1x1x1x128xi32, #tpu.memory_space<vmem>>
        %dma_start3A_321 = tpu.memref_squeeze %dma_start3A_320 : memref<1x1x1x128xi32, #tpu.memory_space<vmem>> -> memref<128xi32, #tpu.memory_space<vmem>>
        %dma_start3A_322 = arith.constant 0 : i32
        %dma_start3A_323 = arith.constant 0 : i32
        %dma_start3A_324 = tpu.memref_slice %arg2[%dma_start3A_322, %dma_start3A_323] : memref<10112x48xf32, #tpu.memory_space<hbm>> -> memref<10112x48xf32, #tpu.memory_space<hbm>>
        tpu.enqueue_indirect_dma source(%dma_start3A_324 : memref<10112x48xf32, #tpu.memory_space<hbm>>) target(%dma_start3A_318 : memref<128x48xf32, #tpu.memory_space<vmem>>) offsets(%dma_start3A_321 : memref<128xi32, #tpu.memory_space<vmem>>) semaphore(%arg11 : memref<!tpu.dma_semaphore, #tpu.memory_space<semaphore_mem>>)
      } else {
      }
      %lt3A_307 = arith.constant 8 : i32
      %lt3A_308 = arith.cmpi slt, %scan3A_87, %lt3A_307 : i32
      %convert_element_type3A_309 = arith.extui %lt3A_308 : i1 to i32
      %cond3A_310 = arith.constant 0 : i32
      %cond3A_311 = arith.cmpi ne, %convert_element_type3A_309, %cond3A_310 : i32
      scf.if %cond3A_311 {
        %add3A_312 = arith.addi %mul3A_2, %scan3A_87 : i32
        %add3A_313 = arith.constant 2 : i32
        %add3A_314 = arith.addi %add3A_312, %add3A_313 : i32
        %dma_start3A_315 = arith.constant 0 : i32
        %dma_start3A_316 = arith.constant 0 : i32
        %dma_start3A_317 = arith.constant 0 : i32
        %dma_start3A_318 = tpu.memref_slice %arg7[%rem3A_88, %dma_start3A_315, %dma_start3A_316, %dma_start3A_317] : memref<2x2x8x128xi32, #tpu.memory_space<vmem>> -> memref<1x1x8x128xi32, #tpu.memory_space<vmem>>
        %dma_start3A_319 = tpu.memref_squeeze %dma_start3A_318 : memref<1x1x8x128xi32, #tpu.memory_space<vmem>> -> memref<8x128xi32, #tpu.memory_space<vmem>>
        %dma_start3A_320 = arith.constant 0 : i32
        %dma_start3A_321 = arith.constant 0 : i32
        %dma_start3A_322 = tpu.memref_slice %arg3[%add3A_314, %dma_start3A_320, %dma_start3A_321] : memref<320x8x128xi32, #tpu.memory_space<hbm>> -> memref<1x8x128xi32, #tpu.memory_space<hbm>>
        %dma_start3A_323 = tpu.memref_squeeze %dma_start3A_322 : memref<1x8x128xi32, #tpu.memory_space<hbm>> -> memref<8x128xi32, #tpu.memory_space<hbm>>
        %dma_start3A_324 = arith.constant 0 : i32
        %dma_start3A_325 = arith.constant 0 : i32
        %dma_start3A_326 = tpu.memref_slice %arg7[%rem3A_88, %dma_start3A_315, %dma_start3A_324, %dma_start3A_325] : memref<2x2x8x128xi32, #tpu.memory_space<vmem>> -> memref<1x1x8x128xi32, #tpu.memory_space<vmem>>
        %dma_start3A_327 = tpu.memref_squeeze %dma_start3A_326 : memref<1x1x8x128xi32, #tpu.memory_space<vmem>> -> memref<8x128xi32, #tpu.memory_space<vmem>>
        %dma_start3A_328 = arith.constant 0 : i32
        %dma_start3A_329 = arith.constant 0 : i32
        %dma_start3A_330 = tpu.memref_slice %arg3[%add3A_314, %dma_start3A_328, %dma_start3A_329] : memref<320x8x128xi32, #tpu.memory_space<hbm>> -> memref<1x8x128xi32, #tpu.memory_space<hbm>>
        %dma_start3A_331 = tpu.memref_squeeze %dma_start3A_330 : memref<1x8x128xi32, #tpu.memory_space<hbm>> -> memref<8x128xi32, #tpu.memory_space<hbm>>
        tpu.enqueue_dma source(%dma_start3A_331 : memref<8x128xi32, #tpu.memory_space<hbm>>) target(%dma_start3A_327 : memref<8x128xi32, #tpu.memory_space<vmem>>) target_semaphore(%arg12 : memref<!tpu.dma_semaphore, #tpu.memory_space<semaphore_mem>>)
        %add3A_332 = arith.addi %mul3A_2, %scan3A_87 : i32
        %add3A_333 = arith.constant 2 : i32
        %add3A_334 = arith.addi %add3A_332, %add3A_333 : i32
        %dma_start3A_335 = arith.constant 1 : i32
        %dma_start3A_336 = arith.constant 0 : i32
        %dma_start3A_337 = arith.constant 0 : i32
        %dma_start3A_338 = tpu.memref_slice %arg7[%rem3A_88, %dma_start3A_335, %dma_start3A_336, %dma_start3A_337] : memref<2x2x8x128xi32, #tpu.memory_space<vmem>> -> memref<1x1x8x128xi32, #tpu.memory_space<vmem>>
        %dma_start3A_339 = tpu.memref_squeeze %dma_start3A_338 : memref<1x1x8x128xi32, #tpu.memory_space<vmem>> -> memref<8x128xi32, #tpu.memory_space<vmem>>
        %dma_start3A_340 = arith.constant 0 : i32
        %dma_start3A_341 = arith.constant 0 : i32
        %dma_start3A_342 = tpu.memref_slice %arg4[%add3A_334, %dma_start3A_340, %dma_start3A_341] : memref<320x8x128xi32, #tpu.memory_space<hbm>> -> memref<1x8x128xi32, #tpu.memory_space<hbm>>
        %dma_start3A_343 = tpu.memref_squeeze %dma_start3A_342 : memref<1x8x128xi32, #tpu.memory_space<hbm>> -> memref<8x128xi32, #tpu.memory_space<hbm>>
        %dma_start3A_344 = arith.constant 0 : i32
        %dma_start3A_345 = arith.constant 0 : i32
        %dma_start3A_346 = tpu.memref_slice %arg7[%rem3A_88, %dma_start3A_335, %dma_start3A_344, %dma_start3A_345] : memref<2x2x8x128xi32, #tpu.memory_space<vmem>> -> memref<1x1x8x128xi32, #tpu.memory_space<vmem>>
        %dma_start3A_347 = tpu.memref_squeeze %dma_start3A_346 : memref<1x1x8x128xi32, #tpu.memory_space<vmem>> -> memref<8x128xi32, #tpu.memory_space<vmem>>
        %dma_start3A_348 = arith.constant 0 : i32
        %dma_start3A_349 = arith.constant 0 : i32
        %dma_start3A_350 = tpu.memref_slice %arg4[%add3A_334, %dma_start3A_348, %dma_start3A_349] : memref<320x8x128xi32, #tpu.memory_space<hbm>> -> memref<1x8x128xi32, #tpu.memory_space<hbm>>
        %dma_start3A_351 = tpu.memref_squeeze %dma_start3A_350 : memref<1x8x128xi32, #tpu.memory_space<hbm>> -> memref<8x128xi32, #tpu.memory_space<hbm>>
        tpu.enqueue_dma source(%dma_start3A_351 : memref<8x128xi32, #tpu.memory_space<hbm>>) target(%dma_start3A_347 : memref<8x128xi32, #tpu.memory_space<vmem>>) target_semaphore(%arg12 : memref<!tpu.dma_semaphore, #tpu.memory_space<semaphore_mem>>)
      } else {
      }
    }
    %scan3A_81 = arith.constant 10 : i32
    %barrier3A_82 = arith.constant 0 : index
    tpu.barrier barrier_id(%barrier3A_82)
    %mul3A_83 = arith.constant 632 : i32
    %mul3A_84 = arith.muli %arg1, %mul3A_83 : i32
    %mul3A_85 = arith.constant 632 : i32
    %mul3A_86 = arith.muli %arg1, %mul3A_85 : i32
    "tpu.region"() ({
      %run_scoped3A_87 = tpu.sem_alloc : memref<!tpu.dma_semaphore, #tpu.memory_space<semaphore_mem>>
      %dma_start3A_88 = arith.constant 0 : i32
      %dma_start3A_89 = tpu.memref_slice %arg6[%arg0, %mul3A_86, %dma_start3A_88] : memref<2x10112x48xf32, #tpu.memory_space<hbm>> -> memref<1x632x48xf32, #tpu.memory_space<hbm>>
      %dma_start3A_90 = tpu.memref_squeeze %dma_start3A_89 : memref<1x632x48xf32, #tpu.memory_space<hbm>> -> memref<632x48xf32, #tpu.memory_space<hbm>>
      %dma_start3A_91 = arith.constant 0 : i32
      %dma_start3A_92 = tpu.memref_slice %arg9[%mul3A_84, %dma_start3A_91] : memref<10112x48xf32, #tpu.memory_space<vmem_shared>> -> memref<632x48xf32, #tpu.memory_space<vmem_shared>>
      tpu.enqueue_dma source(%dma_start3A_92 : memref<632x48xf32, #tpu.memory_space<vmem_shared>>) target(%dma_start3A_90 : memref<632x48xf32, #tpu.memory_space<hbm>>) target_semaphore(%run_scoped3A_87 : memref<!tpu.dma_semaphore, #tpu.memory_space<semaphore_mem>>)
      %dma_wait3A = arith.constant 0 : i32
      %dma_wait3A_93 = tpu.memref_slice %arg6[%arg0, %mul3A_86, %dma_wait3A] : memref<2x10112x48xf32, #tpu.memory_space<hbm>> -> memref<1x632x48xf32, #tpu.memory_space<hbm>>
      %dma_wait3A_94 = tpu.memref_squeeze %dma_wait3A_93 : memref<1x632x48xf32, #tpu.memory_space<hbm>> -> memref<632x48xf32, #tpu.memory_space<hbm>>
      %dma_wait3A_95 = arith.constant 0 : i32
      %dma_wait3A_96 = tpu.memref_slice %arg9[%mul3A_84, %dma_wait3A_95] : memref<10112x48xf32, #tpu.memory_space<vmem_shared>> -> memref<632x48xf32, #tpu.memory_space<vmem_shared>>
      tpu.wait_dma2 semaphore(%run_scoped3A_87 : memref<!tpu.dma_semaphore, #tpu.memory_space<semaphore_mem>>) src(%dma_wait3A_96 : memref<632x48xf32, #tpu.memory_space<vmem_shared>>) dst(%dma_wait3A_94 : memref<632x48xf32, #tpu.memory_space<hbm>>)
      tpu.yield
    }) : () -> ()
    return
  }
}

module attributes {stable_mosaic.version = 14 : i64} {
  func.func @body(%arg0: i32, %arg1: memref<1264x128xf32, #tpu.memory_space<vmem>>, %arg2: memref<128x128xf32, #tpu.memory_space<vmem>>, %arg3: memref<128x128xf32, #tpu.memory_space<vmem>>, %arg4: memref<1264x128xf32, #tpu.memory_space<vmem>>, %arg5: memref<1264x128xf32, #tpu.memory_space<vmem>>) attributes {dimension_semantics = [#tpu.dimension_semantics<arbitrary>], iteration_bounds = array<i64: 8>, scalar_prefetch = 0 : i64, scratch_operands = 0 : i64, tpu.core_type = #tpu.core_type<tc>, window_params = [{transform_indices = @transform_0, window_bounds = array<i64: 1264, 128>}, {pipeline_mode = #tpu.pipeline_mode<synchronous>, transform_indices = @transform_1, window_bounds = array<i64: 128, 128>}, {pipeline_mode = #tpu.pipeline_mode<synchronous>, transform_indices = @transform_2, window_bounds = array<i64: 128, 128>}, {transform_indices = @transform_3, window_bounds = array<i64: 1264, 128>}, {transform_indices = @transform_4, window_bounds = array<i64: 1264, 128>}]} {
    %get3A = arith.constant 0 : index
    %get3A_0 = arith.constant 0 : index
    %get3A_1 = vector.load %arg1[%get3A, %get3A_0] : memref<1264x128xf32, #tpu.memory_space<vmem>>, vector<1264x128xf32>
    %get3A_2 = arith.constant 0 : index
    %get3A_3 = arith.constant 0 : index
    %get3A_4 = vector.load %arg2[%get3A_2, %get3A_3] : memref<128x128xf32, #tpu.memory_space<vmem>>, vector<128x128xf32>
    %dot_general3A = arith.constant dense<0.000000e+00> : vector<1264x128xf32>
    %dot_general3A_5 = tpu.matmul %get3A_1, %get3A_4, %dot_general3A {dimension_numbers = #tpu.dot_dimension_numbers<[1], [0], [0], [1], [0, 0, 1, 1], [], []>, transpose_lhs_hint = false} : vector<1264x128xf32>, vector<128x128xf32>, vector<1264x128xf32> -> vector<1264x128xf32>
    %swap3A = arith.constant 0 : index
    %swap3A_6 = arith.constant 0 : index
    %swap3A_7 = vector.load %arg4[%swap3A, %swap3A_6] : memref<1264x128xf32, #tpu.memory_space<vmem>>, vector<1264x128xf32>
    tpu.vector_store %arg4[%swap3A, %swap3A_6], %dot_general3A_5 {strides = array<i32>} : memref<1264x128xf32, #tpu.memory_space<vmem>>, vector<1264x128xf32>,
    %get3A_8 = arith.constant 0 : index
    %get3A_9 = arith.constant 0 : index
    %get3A_10 = vector.load %arg3[%get3A_8, %get3A_9] : memref<128x128xf32, #tpu.memory_space<vmem>>, vector<128x128xf32>
    %dot_general3A_11 = arith.constant dense<0.000000e+00> : vector<1264x128xf32>
    %dot_general3A_12 = tpu.matmul %get3A_1, %get3A_10, %dot_general3A_11 {dimension_numbers = #tpu.dot_dimension_numbers<[1], [0], [0], [1], [0, 0, 1, 1], [], []>, transpose_lhs_hint = false} : vector<1264x128xf32>, vector<128x128xf32>, vector<1264x128xf32> -> vector<1264x128xf32>
    %swap3A_13 = arith.constant 0 : index
    %swap3A_14 = arith.constant 0 : index
    %swap3A_15 = vector.load %arg5[%swap3A_13, %swap3A_14] : memref<1264x128xf32, #tpu.memory_space<vmem>>, vector<1264x128xf32>
    tpu.vector_store %arg5[%swap3A_13, %swap3A_14], %dot_general3A_12 {strides = array<i32>} : memref<1264x128xf32, #tpu.memory_space<vmem>>, vector<1264x128xf32>,
    return
  }
  func.func @transform_0(%arg0: i32) -> (i32, i32) {
    %c0_i32 = arith.constant 0 : i32
    %c0_i32_0 = arith.constant 0 : i32
    return %arg0, %c0_i32 : i32, i32
  }
  func.func @transform_1(%arg0: i32) -> (i32, i32) {
    %c0_i32 = arith.constant 0 : i32
    %c0_i32_0 = arith.constant 0 : i32
    %c0_i32_1 = arith.constant 0 : i32
    return %c0_i32, %c0_i32_0 : i32, i32
  }
  func.func @transform_2(%arg0: i32) -> (i32, i32) {
    %c0_i32 = arith.constant 0 : i32
    %c0_i32_0 = arith.constant 0 : i32
    %c0_i32_1 = arith.constant 0 : i32
    return %c0_i32, %c0_i32_0 : i32, i32
  }
  func.func @transform_3(%arg0: i32) -> (i32, i32) {
    %c0_i32 = arith.constant 0 : i32
    %c0_i32_0 = arith.constant 0 : i32
    return %arg0, %c0_i32 : i32, i32
  }
  func.func @transform_4(%arg0: i32) -> (i32, i32) {
    %c0_i32 = arith.constant 0 : i32
    %c0_i32_0 = arith.constant 0 : i32
    return %arg0, %c0_i32 : i32, i32
  }
}

module attributes {stable_mosaic.version = 14 : i64} {
  func.func @body(%arg0: i32, %arg1: memref<1264x128xf32, #tpu.memory_space<vmem>>, %arg2: memref<1264x128xf32, #tpu.memory_space<vmem>>, %arg3: memref<1264x1xf32, #tpu.memory_space<vmem>>, %arg4: memref<1264x1xf32, #tpu.memory_space<vmem>>, %arg5: memref<1264x128xf32, #tpu.memory_space<vmem>>, %arg6: memref<1x128xf32, #tpu.memory_space<vmem>>, %arg7: memref<128x48xf32, #tpu.memory_space<vmem>>, %arg8: memref<128x48xf32, #tpu.memory_space<vmem>>, %arg9: memref<1x48xf32, #tpu.memory_space<vmem>>, %arg10: memref<1264x48xf32, #tpu.memory_space<vmem>>, %arg11: memref<1264x48xf32, #tpu.memory_space<vmem>>, %arg12: memref<1264x1xf32, #tpu.memory_space<vmem>>) attributes {dimension_semantics = [#tpu.dimension_semantics<arbitrary>], iteration_bounds = array<i64: 8>, scalar_prefetch = 0 : i64, scratch_operands = 0 : i64, tpu.core_type = #tpu.core_type<tc>, window_params = [{transform_indices = @transform_0, window_bounds = array<i64: 1264, 128>}, {transform_indices = @transform_1, window_bounds = array<i64: 1264, 128>}, {transform_indices = @transform_2, window_bounds = array<i64: 1264, 1>}, {transform_indices = @transform_3, window_bounds = array<i64: 1264, 1>}, {transform_indices = @transform_4, window_bounds = array<i64: 1264, 128>}, {pipeline_mode = #tpu.pipeline_mode<synchronous>, transform_indices = @transform_5, window_bounds = array<i64: 1, 128>}, {pipeline_mode = #tpu.pipeline_mode<synchronous>, transform_indices = @transform_6, window_bounds = array<i64: 128, 48>}, {pipeline_mode = #tpu.pipeline_mode<synchronous>, transform_indices = @transform_7, window_bounds = array<i64: 128, 48>}, {pipeline_mode = #tpu.pipeline_mode<synchronous>, transform_indices = @transform_8, window_bounds = array<i64: 1, 48>}, {transform_indices = @transform_9, window_bounds = array<i64: 1264, 48>}, {transform_indices = @transform_10, window_bounds = array<i64: 1264, 48>}, {transform_indices = @transform_11, window_bounds = array<i64: 1264, 1>}]} {
    %get3A = arith.constant 0 : index
    %get3A_0 = arith.constant 0 : index
    %get3A_1 = vector.load %arg3[%get3A, %get3A_0] : memref<1264x1xf32, #tpu.memory_space<vmem>>, vector<1264x1xf32>
    %get3A_2 = arith.constant 0 : index
    %get3A_3 = arith.constant 0 : index
    %get3A_4 = vector.load %arg4[%get3A_2, %get3A_3] : memref<1264x1xf32, #tpu.memory_space<vmem>>, vector<1264x1xf32>
    %add3A = arith.addf %get3A_1, %get3A_4 : vector<1264x1xf32>
    %max3A = arith.constant 1.000000e+00 : f32
    %max3A_5 = vector.broadcast %max3A : f32 to vector<1264x1xf32>
    %max3A_6 = arith.maximumf %add3A, %max3A_5 : vector<1264x1xf32>
    %div3A = arith.constant 1.000000e+00 : f32
    %div3A_7 = vector.broadcast %div3A : f32 to vector<1264x1xf32>
    %div3A_8 = arith.divf %div3A_7, %max3A_6 : vector<1264x1xf32>
    %get3A_9 = arith.constant 0 : index
    %get3A_10 = arith.constant 0 : index
    %get3A_11 = vector.load %arg1[%get3A_9, %get3A_10] : memref<1264x128xf32, #tpu.memory_space<vmem>>, vector<1264x128xf32>
    %get3A_12 = arith.constant 0 : index
    %get3A_13 = arith.constant 0 : index
    %get3A_14 = vector.load %arg2[%get3A_12, %get3A_13] : memref<1264x128xf32, #tpu.memory_space<vmem>>, vector<1264x128xf32>
    %add3A_15 = arith.addf %get3A_11, %get3A_14 : vector<1264x128xf32>
    %mul3A = vector.broadcast %div3A_8 : vector<1264x1xf32> to vector<1264x128xf32>
    %mul3A_16 = arith.mulf %add3A_15, %mul3A : vector<1264x128xf32>
    %get3A_17 = arith.constant 0 : index
    %get3A_18 = arith.constant 0 : index
    %get3A_19 = vector.load %arg6[%get3A_17, %get3A_18] : memref<1x128xf32, #tpu.memory_space<vmem>>, vector<1x128xf32>
    %add3A_20 = vector.broadcast %get3A_19 : vector<1x128xf32> to vector<1264x128xf32>
    %add3A_21 = arith.addf %mul3A_16, %add3A_20 : vector<1264x128xf32>
    %get3A_22 = arith.constant 0 : index
    %get3A_23 = arith.constant 0 : index
    %get3A_24 = vector.load %arg5[%get3A_22, %get3A_23] : memref<1264x128xf32, #tpu.memory_space<vmem>>, vector<1264x128xf32>
    %add3A_25 = arith.addf %add3A_21, %get3A_24 : vector<1264x128xf32>
    %max3A_26 = arith.constant 0.000000e+00 : f32
    %max3A_27 = vector.broadcast %max3A_26 : f32 to vector<1264x128xf32>
    %max3A_28 = arith.maximumf %add3A_25, %max3A_27 : vector<1264x128xf32>
    %get3A_29 = arith.constant 0 : index
    %get3A_30 = arith.constant 0 : index
    %get3A_31 = vector.load %arg7[%get3A_29, %get3A_30] : memref<128x48xf32, #tpu.memory_space<vmem>>, vector<128x48xf32>
    %dot_general3A = arith.constant dense<0.000000e+00> : vector<1264x48xf32>
    %dot_general3A_32 = tpu.matmul %max3A_28, %get3A_31, %dot_general3A {dimension_numbers = #tpu.dot_dimension_numbers<[1], [0], [0], [1], [0, 0, 1, 1], [], []>, transpose_lhs_hint = false} : vector<1264x128xf32>, vector<128x48xf32>, vector<1264x48xf32> -> vector<1264x48xf32>
    %swap3A = arith.constant 0 : index
    %swap3A_33 = arith.constant 0 : index
    %swap3A_34 = vector.load %arg10[%swap3A, %swap3A_33] : memref<1264x48xf32, #tpu.memory_space<vmem>>, vector<1264x48xf32>
    tpu.vector_store %arg10[%swap3A, %swap3A_33], %dot_general3A_32 {strides = array<i32>} : memref<1264x48xf32, #tpu.memory_space<vmem>>, vector<1264x48xf32>,
    %get3A_35 = arith.constant 0 : index
    %get3A_36 = arith.constant 0 : index
    %get3A_37 = vector.load %arg8[%get3A_35, %get3A_36] : memref<128x48xf32, #tpu.memory_space<vmem>>, vector<128x48xf32>
    %dot_general3A_38 = arith.constant dense<0.000000e+00> : vector<1264x48xf32>
    %dot_general3A_39 = tpu.matmul %max3A_28, %get3A_37, %dot_general3A_38 {dimension_numbers = #tpu.dot_dimension_numbers<[1], [0], [0], [1], [0, 0, 1, 1], [], []>, transpose_lhs_hint = false} : vector<1264x128xf32>, vector<128x48xf32>, vector<1264x48xf32> -> vector<1264x48xf32>
    %get3A_40 = arith.constant 0 : index
    %get3A_41 = arith.constant 0 : index
    %get3A_42 = vector.load %arg9[%get3A_40, %get3A_41] : memref<1x48xf32, #tpu.memory_space<vmem>>, vector<1x48xf32>
    %add3A_43 = vector.broadcast %get3A_42 : vector<1x48xf32> to vector<1264x48xf32>
    %add3A_44 = arith.addf %dot_general3A_39, %add3A_43 : vector<1264x48xf32>
    %swap3A_45 = arith.constant 0 : index
    %swap3A_46 = arith.constant 0 : index
    %swap3A_47 = vector.load %arg11[%swap3A_45, %swap3A_46] : memref<1264x48xf32, #tpu.memory_space<vmem>>, vector<1264x48xf32>
    tpu.vector_store %arg11[%swap3A_45, %swap3A_46], %add3A_44 {strides = array<i32>} : memref<1264x48xf32, #tpu.memory_space<vmem>>, vector<1264x48xf32>,
    %swap3A_48 = arith.constant 0 : index
    %swap3A_49 = arith.constant 0 : index
    %swap3A_50 = vector.load %arg12[%swap3A_48, %swap3A_49] : memref<1264x1xf32, #tpu.memory_space<vmem>>, vector<1264x1xf32>
    tpu.vector_store %arg12[%swap3A_48, %swap3A_49], %div3A_8 {strides = array<i32>} : memref<1264x1xf32, #tpu.memory_space<vmem>>, vector<1264x1xf32>,
    return
  }
  func.func @transform_0(%arg0: i32) -> (i32, i32) {
    %c0_i32 = arith.constant 0 : i32
    %c0_i32_0 = arith.constant 0 : i32
    return %arg0, %c0_i32 : i32, i32
  }
  func.func @transform_1(%arg0: i32) -> (i32, i32) {
    %c0_i32 = arith.constant 0 : i32
    %c0_i32_0 = arith.constant 0 : i32
    return %arg0, %c0_i32 : i32, i32
  }
  func.func @transform_2(%arg0: i32) -> (i32, i32) {
    %c0_i32 = arith.constant 0 : i32
    %c0_i32_0 = arith.constant 0 : i32
    return %arg0, %c0_i32 : i32, i32
  }
  func.func @transform_3(%arg0: i32) -> (i32, i32) {
    %c0_i32 = arith.constant 0 : i32
    %c0_i32_0 = arith.constant 0 : i32
    return %arg0, %c0_i32 : i32, i32
  }
  func.func @transform_4(%arg0: i32) -> (i32, i32) {
    %c0_i32 = arith.constant 0 : i32
    %c0_i32_0 = arith.constant 0 : i32
    return %arg0, %c0_i32 : i32, i32
  }
  func.func @transform_5(%arg0: i32) -> (i32, i32) {
    %c0_i32 = arith.constant 0 : i32
    %c0_i32_0 = arith.constant 0 : i32
    %c0_i32_1 = arith.constant 0 : i32
    return %c0_i32, %c0_i32_0 : i32, i32
  }
  func.func @transform_6(%arg0: i32) -> (i32, i32) {
    %c0_i32 = arith.constant 0 : i32
    %c0_i32_0 = arith.constant 0 : i32
    %c0_i32_1 = arith.constant 0 : i32
    return %c0_i32, %c0_i32_0 : i32, i32
  }
  func.func @transform_7(%arg0: i32) -> (i32, i32) {
    %c0_i32 = arith.constant 0 : i32
    %c0_i32_0 = arith.constant 0 : i32
    %c0_i32_1 = arith.constant 0 : i32
    return %c0_i32, %c0_i32_0 : i32, i32
  }
  func.func @transform_8(%arg0: i32) -> (i32, i32) {
    %c0_i32 = arith.constant 0 : i32
    %c0_i32_0 = arith.constant 0 : i32
    %c0_i32_1 = arith.constant 0 : i32
    return %c0_i32, %c0_i32_0 : i32, i32
  }
  func.func @transform_9(%arg0: i32) -> (i32, i32) {
    %c0_i32 = arith.constant 0 : i32
    %c0_i32_0 = arith.constant 0 : i32
    return %arg0, %c0_i32 : i32, i32
  }
  func.func @transform_10(%arg0: i32) -> (i32, i32) {
    %c0_i32 = arith.constant 0 : i32
    %c0_i32_0 = arith.constant 0 : i32
    return %arg0, %c0_i32 : i32, i32
  }
  func.func @transform_11(%arg0: i32) -> (i32, i32) {
    %c0_i32 = arith.constant 0 : i32
    %c0_i32_0 = arith.constant 0 : i32
    return %arg0, %c0_i32 : i32, i32
  }
}

module attributes {stable_mosaic.version = 14 : i64} {
  func.func @body(%arg0: i32, %arg1: memref<1264x48xf32, #tpu.memory_space<vmem>>, %arg2: memref<1264x48xf32, #tpu.memory_space<vmem>>, %arg3: memref<1264x1xf32, #tpu.memory_space<vmem>>, %arg4: memref<1264x48xf32, #tpu.memory_space<vmem>>, %arg5: memref<1264x48xf32, #tpu.memory_space<vmem>>) attributes {dimension_semantics = [#tpu.dimension_semantics<arbitrary>], iteration_bounds = array<i64: 8>, scalar_prefetch = 0 : i64, scratch_operands = 0 : i64, tpu.core_type = #tpu.core_type<tc>, window_params = [{transform_indices = @transform_0, window_bounds = array<i64: 1264, 48>}, {transform_indices = @transform_1, window_bounds = array<i64: 1264, 48>}, {transform_indices = @transform_2, window_bounds = array<i64: 1264, 1>}, {transform_indices = @transform_3, window_bounds = array<i64: 1264, 48>}, {transform_indices = @transform_4, window_bounds = array<i64: 1264, 48>}]} {
    %get3A = arith.constant 0 : index
    %get3A_0 = arith.constant 0 : index
    %get3A_1 = vector.load %arg1[%get3A, %get3A_0] : memref<1264x48xf32, #tpu.memory_space<vmem>>, vector<1264x48xf32>
    %get3A_2 = arith.constant 0 : index
    %get3A_3 = arith.constant 0 : index
    %get3A_4 = vector.load %arg2[%get3A_2, %get3A_3] : memref<1264x48xf32, #tpu.memory_space<vmem>>, vector<1264x48xf32>
    %add3A = arith.addf %get3A_1, %get3A_4 : vector<1264x48xf32>
    %get3A_5 = arith.constant 0 : index
    %get3A_6 = arith.constant 0 : index
    %get3A_7 = vector.load %arg3[%get3A_5, %get3A_6] : memref<1264x1xf32, #tpu.memory_space<vmem>>, vector<1264x1xf32>
    %mul3A = vector.broadcast %get3A_7 : vector<1264x1xf32> to vector<1264x48xf32>
    %mul3A_8 = arith.mulf %add3A, %mul3A : vector<1264x48xf32>
    %get3A_9 = arith.constant 0 : index
    %get3A_10 = arith.constant 0 : index
    %get3A_11 = vector.load %arg4[%get3A_9, %get3A_10] : memref<1264x48xf32, #tpu.memory_space<vmem>>, vector<1264x48xf32>
    %add3A_12 = arith.addf %mul3A_8, %get3A_11 : vector<1264x48xf32>
    %swap3A = arith.constant 0 : index
    %swap3A_13 = arith.constant 0 : index
    %swap3A_14 = vector.load %arg5[%swap3A, %swap3A_13] : memref<1264x48xf32, #tpu.memory_space<vmem>>, vector<1264x48xf32>
    tpu.vector_store %arg5[%swap3A, %swap3A_13], %add3A_12 {strides = array<i32>} : memref<1264x48xf32, #tpu.memory_space<vmem>>, vector<1264x48xf32>,
    return
  }
  func.func @transform_0(%arg0: i32) -> (i32, i32) {
    %c0_i32 = arith.constant 0 : i32
    %c0_i32_0 = arith.constant 0 : i32
    return %arg0, %c0_i32 : i32, i32
  }
  func.func @transform_1(%arg0: i32) -> (i32, i32) {
    %c0_i32 = arith.constant 0 : i32
    %c0_i32_0 = arith.constant 0 : i32
    return %arg0, %c0_i32 : i32, i32
  }
  func.func @transform_2(%arg0: i32) -> (i32, i32) {
    %c0_i32 = arith.constant 0 : i32
    %c0_i32_0 = arith.constant 0 : i32
    return %arg0, %c0_i32 : i32, i32
  }
  func.func @transform_3(%arg0: i32) -> (i32, i32) {
    %c0_i32 = arith.constant 0 : i32
    %c0_i32_0 = arith.constant 0 : i32
    return %arg0, %c0_i32 : i32, i32
  }
  func.func @transform_4(%arg0: i32) -> (i32, i32) {
    %c0_i32 = arith.constant 0 : i32
    %c0_i32_0 = arith.constant 0 : i32
    return %arg0, %c0_i32 : i32, i32
  }
}

</mosaic_0001>

<sc_bundles>
// kernel: kernel.10.cloned.1.call-start
scs
__scs_entry_jumppad:
0x0: {  	(pc) =	sbr.rel $0x88, $3  }
0x1: {  	(tag) =	ssettag $0x0;
	lr =	simm.s32 $0x1  }
0x2: {  	[smem:$0x3F99] =	sst lr;
	_ =	strace $0xD0000000  }
0x3: {  	_ = 	snop  }
0x4: {  	_ = 	snop  }
0x5: {  	_ = 	snop  }
0x6: {  	_ = 	snop  }
0x7: {  	_ = 	snop  }
__scs_overlays_trampoline_lowered:
0x8: {  	[smem:$0x3FA8] =	sst s0  }
0x9: {  	[smem:$0x3FA9] =	sst s1  }
0xa: {  	[smem:$0x3FAA] =	sst s2  }
0xb: {  	[smem:$0x3FAB] =	sst s3  }
0xc: {  	[smem:$0x3FAC] =	sst s4  }
0xd: {  	[smem:$0x3FAD] =	sst s5  }
0xe: {  	[smem:$0x3FAE] =	sst s6  }
0xf: {  	[smem:$0x3FAF] =	sst s7  }
0x10: {  	[smem:$0x3FB0] =	sst s8  }
0x11: {  	[smem:$0x3FB1] =	sst s9;
	s0 =	simm.s32 @!p0 $0x0  }
0x12: {  	s1 =	sld [smem:$0x3F97];
	s0 =	simm.s32 @p0 $0x1  }
0x13: {  	[smem:$0x3FB2] =	sst s0;
	s0 =	simm.s32 @!p1 $0x0  }
0x14: {  	s2 =	sld [smem:$0x3F96];
	s0 =	simm.s32 @p1 $0x1  }
0x15: {  	[smem:$0x3FB3] =	sst s0;
	s0 =	simm.s32 @!p2 $0x0  }
0x16: {  	s3 =	sld [smem:$0x3FDB];
	s0 =	simm.s32 @p2 $0x1  }
0x17: {  	s4 =	simm.s32 $0x1BF5;
	[smem:$0x3FB5] =	sst s0  }
0x18: {  	s0 =	sld [smem:$0x3F98];
	_ =	swait.ge [sflag:s4], $0x0  }
0x19: {  	s7 =	sld [smem:$0x3F99]  }
0x1a: {  	s8 =	sadd.s32 $0xFFFFE003, lr  }
0x1b: {  	s9 =	sadd.s32 $0xFFFFFEF7, lr;
	s5 =	simm.s32 $0xFFFFFFFF;
	p2 =	slt.u32 s8, $0xFFFFF086  }
0x1c: {  	p1 =	slt.u32 s9, $0xF7A;
	s5 =	simm.s32 @!p2 $0x0  }
0x1d: {  	s5 =	simm.s32 @p1 $0x1;
	p0 =	seq.s32 s7, s2  }
0x1e: {  	s7 =	smul.u32 @!p0 $0xF7A, s2;
	p2 =	seq.s32 @!p0 s5, $0x0  }
0x1f: {  	s9 =	smul.u32 $0xF7A, s1;
	s8 =	simm.s32 @!p0 $0x1BF5;
	p2 =	por !p2, p0  }
0x20: {  	[sflag:s8] =	ssyncset.s32 @!p0 $0xFFFFF086;
	s6 =	sadd.s32 @!p0 s3, s7;
	s7 =	simm.s32 @!p0 $0x108  }
0x21: {  	s3 =	sadd.s32 s3, s9;
	s6 =	sadd.s32 @!p0 $0x88, s6;
	s7 =	simm.s32 @p2 $0x1082  }
0x22: {  	[simem:s7], [sflag:s8] =	dma.local @!p0 [hbm:s6], $0xF7A  }
0x23: {  	s9 =	sor.u32 $0xD0000000, s2;
	s6 =	simm.s32 $0x108;
	_ =	swait.ge @!p0 [sflag:s8], $0x0  }
0x24: {  	s3 =	sadd.s32 $0x88, s3;
	s6 =	simm.s32 @!p1 $0x1082;
	[sflag:s4] =	ssyncset.s32 $0xFFFFF086  }
0x25: {  	[simem:s6], [sflag:s4] =	dma.local [hbm:s3], $0xF7A  }
0x26: {  	[smem:$0x3F99] =	sst s1;
	(tag) =	ssettag s2;
	_ =	strace s9  }
0x27: {  	s1 =	sld [smem:$0x3FA9]  }
0x28: {  	s2 =	sld [smem:$0x3FAA]  }
0x29: {  	s4 =	sld [smem:$0x3FAC]  }
0x2a: {  	p0 =	seq.s32 s5, $0x0;
	s5 =	sld [smem:$0x3FAD]  }
0x2b: {  	s6 =	sld [smem:$0x3FAE]  }
0x2c: {  	s7 =	sld [smem:$0x3FAF]  }
0x2d: {  	s3 =	simm.s32 $0x108;
	s8 =	sld [smem:$0x3FB0]  }
0x2e: {  	s3 =	simm.s32 @!p0 $0x1082;
	s9 =	sld [smem:$0x3FB1]  }
0x2f: {  	lr =	sadd.s32 s0, s3;
	s0 =	sld [smem:$0x3FA8]  }
0x30: {  	s3 =	sld [smem:$0x3FAB]  }
0x31: {  	[smem:$0x3FB4] =	sst s10  }
0x32: {  	s10 =	sld [smem:$0x3FB2];
	_ =	sdelay $0x3  }
0x33: {  	p0 =	seq.s32 s10, $0x1;
	s10 =	sld [smem:$0x3FB4];
	_ =	sdelay $0x3  }
0x34: {  	[smem:$0x3FB4] =	sst s10  }
0x35: {  	s10 =	sld [smem:$0x3FB3];
	_ =	sdelay $0x3  }
0x36: {  	p1 =	seq.s32 s10, $0x1;
	s10 =	sld [smem:$0x3FB4];
	_ =	sdelay $0x3  }
0x37: {  	[smem:$0x3FB4] =	sst s10  }
0x38: {  	s10 =	sld [smem:$0x3FB5]  }
0x39: {  	_ = 	snop;
	(pc) =	sbr.ind lr, $3  }
0x3a: {  	_ = 	snop  }
0x3b: {  	_ = 	snop  }
0x3c: {  	p2 =	seq.s32 s10, $0x1;
	s10 =	sld [smem:$0x3FB4]  }
0x3d: {  	_ =	shalt  }
0x3e: {  	_ =	shalt  }
0x3f: {  	_ =	shalt  }
0x40: {  	_ =	shalt  }
0x41: {  	_ =	shalt  }
0x42: {  	_ =	shalt  }
0x43: {  	_ =	shalt  }
0x44: {  	_ =	shalt  }
0x45: {  	_ =	shalt  }
0x46: {  	_ =	shalt  }
0x47: {  	_ =	shalt  }
0x48: {  	_ =	shalt  }
0x49: {  	_ =	shalt  }
0x4a: {  	_ =	shalt  }
0x4b: {  	_ =	shalt  }
0x4c: {  	_ =	shalt  }
0x4d: {  	_ =	shalt  }
0x4e: {  	_ =	shalt  }
0x4f: {  	_ =	shalt  }
0x50: {  	_ =	shalt  }
0x51: {  	_ =	shalt  }
0x52: {  	_ =	shalt  }
0x53: {  	_ =	shalt  }
0x54: {  	_ =	shalt  }
0x55: {  	_ =	shalt  }
0x56: {  	_ =	shalt  }
0x57: {  	_ =	shalt  }
0x58: {  	_ =	shalt  }
0x59: {  	_ =	shalt  }
0x5a: {  	_ =	shalt  }
0x5b: {  	_ =	shalt  }
0x5c: {  	_ =	shalt  }
0x5d: {  	_ =	shalt  }
0x5e: {  	_ =	shalt  }
0x5f: {  	_ =	shalt  }
0x60: {  	_ =	shalt  }
0x61: {  	_ =	shalt  }
0x62: {  	_ =	shalt  }
0x63: {  	_ =	shalt  }
0x64: {  	_ =	shalt  }
0x65: {  	_ =	shalt  }
0x66: {  	_ =	shalt  }
0x67: {  	_ =	shalt  }
0x68: {  	_ =	shalt  }
0x69: {  	_ =	shalt  }
0x6a: {  	_ =	shalt  }
0x6b: {  	_ =	shalt  }
0x6c: {  	_ =	shalt  }
0x6d: {  	_ =	shalt  }
0x6e: {  	_ =	shalt  }
0x6f: {  	_ =	shalt  }
0x70: {  	_ =	shalt  }
0x71: {  	_ =	shalt  }
0x72: {  	_ =	shalt  }
0x73: {  	_ =	shalt  }
0x74: {  	_ =	shalt  }
0x75: {  	_ =	shalt  }
0x76: {  	_ =	shalt  }
0x77: {  	_ =	shalt  }
0x78: {  	_ =	shalt  }
0x79: {  	_ =	shalt  }
0x7a: {  	_ =	shalt  }
0x7b: {  	_ =	shalt  }
0x7c: {  	_ =	shalt  }
0x7d: {  	_ =	shalt  }
0x7e: {  	_ =	shalt  }
0x7f: {  	_ =	shalt  }
0x80: {  	_ =	shalt  }
0x81: {  	_ =	shalt  }
0x82: {  	_ =	shalt  }
0x83: {  	_ =	shalt  }
0x84: {  	_ =	shalt  }
0x85: {  	_ =	shalt  }
0x86: {  	_ =	shalt  }
0x87: {  	_ =	shalt  }
.Lfunc_end0:
.L_simem_size_0:
called_computation.1_lowered:
.L_overlay_start_0:
0x88: {  	s2 =	sld [smem:$0x3FD9]  }
0x89: {  	s3 =	sld [smem:$0x3FFE];
	_ =	sdelay $0x1  }
0x8a: {  	s1 =	srdreg.scid  }
0x8b: {  	s0 =	sand.u32 $0x1, s1  }
0x8c: {  	s16 =	sshll.u32 s0, $0xA;
	s2 =	sadd.s32 s3, s2  }
0x8d: {  	s2 =	sadd.s32 s2, s16  }
0x8e: {  	[smem:$0x3FC0] =	sst s2  }
0x8f: {  	_ = 	snop  }
0x90: {  	(tm) =	ssettm $0x1  }
0x91: {  	s17 =	sld [smem:$0x3FFB];
	_ =	sdelay $0x3  }
0x92: {  	_ =	strace s17  }
0x93: {  	s2 =	sld [smem:$0x3FFC];
	_ =	sdelay $0x3  }
0x94: {  	_ =	strace s2  }
0x95: {  	s2 =	sld [smem:$0x3FFD];
	_ =	sdelay $0x3  }
0x96: {  	_ =	strace s2  }
0x97: {  	_ =	strace $0x8FFFFFFF  }
0x98: {  	s18 =	sld [smem:$0x3FDB];
	_ =	sdelay $0x1  }
0x99: {  	s19 =	simm.s32 $_scs_section_size  }
0x9a: {  	s4 =	simm.s32 $_size__tile_overlayer_lowered;
	s5 =	simm.s32 $_tile_overlayer_lowered  }
0x9b: {  	s22 =	simm.s32 $0x1BFF;
	s21 =	sshll.u32 s5, $0x1;
	s2 =	sadd.s32 s19, s18  }
0x9c: {  	s6 =	simm.s32 $0x0;
	s20 =	sshll.u32 s4, $0x1;
	s4 =	sadd.s32 s21, s2  }
0x9d: {  	[timem:s6], [sflag:s22] =	dma.local [hbm:s4], s20  }
0x9e: {  	_ =	swait.ge [sflag:s22], s20  }
0x9f: {  	s3 =	ssub.s32 $0x0, s20;
	[sflag:s22] =	ssyncset.done $0x0  }
0xa0: {  	[sflag:s22] =	ssyncadd.s32 s3;
	_ =	sdelay $0x1  }
0xa1: {  	s23 =	simm.s32 $0x1B8B  }
0xa2: {  	_ =	swait.ge [sflag:s23], $0x1  }
0xa3: {  	[sflag:s23] =	ssyncset.done $0x0  }
0xa4: {  	s25 =	simm.s32 $0x1B8E;
	s24 =	sld [smem:$0x3FFE];
	[sflag:s23] =	ssyncadd.s32 $0xFFFFFFFF  }
0xa5: {  	s26 =	simm.s32 $execute0_lowered;
	[smem:$0x3FD2] =	sst s25  }
0xa6: {  	s4 =	sshll.u32 s26, $0x1;
	_ =	strace $0x80000049;
	[dreg:$0x1] =	wrdreg $0xFFFFFFFF  }
0xa7: {  	s28 =	simm.s32 $_size_execute0_lowered;
	s2 =	sadd.s32 s2, s4;
	[dreg:$0x0] =	wrdreg $0x0  }
0xa8: {  	s4 =	sshll.u32 s28, $0x1;
	[dreg:$0x2] =	wrdreg s2  }
0xa9: {  	[dreg:$0x3] =	wrdreg s4  }
0xaa: {  	[dreg:$0x4] =	wrdreg $0xC0  }
0xab: {  	_ =	task [dreg:s6], $0x5FFFF  }
0xac: {  	[dreg:$0x1] =	wrdreg $0xFFFFFFFF  }
0xad: {  	[dreg:$0x0] =	wrdreg $0x60  }
0xae: {  	[dreg:$0x2] =	wrdreg s24  }
0xaf: {  	[dreg:$0x3] =	wrdreg $0x40000  }
0xb0: {  	[dreg:$0x4] =	wrdreg $0x9  }
0xb1: {  	_ =	task.clear_ibuf [dreg:s6], $0x5FFFF;
	_ =	strace $0x90000049  }
0xb2: {  	s29 =	simm.s32 $0x9;
	_ =	strace $0x8000004B  }
0xb3: {  	_ =	swait.ge [sflag:s29], $0x1  }
0xb4: {  	[sflag:s29] =	ssyncadd.s32 $0xFFFFFFFF  }
0xb5: {  	_ =	strace $0x9000004B  }
0xb6: {  	_ =	sfence  }
0xb7: {  	s30 =	sld [smem:$0x0];
	_ =	sdelay $0x2  }
0xb8: {  	s31 =	sshll.u32 s1, $0xD;
	s1 =	sshrl.u32 s1, $0x2  }
0xb9: {  	s3 =	sand.u32 $0x4000, s31;
	s1 =	sadd.s32 s1, s30  }
0xba: {  	s0 =	sor.u32 s3, s0;
	s1 =	sshll.u32 s1, $0x11  }
0xbb: {  	s0 =	sor.u32 s1, s0  }
0xbc: {  	s0 =	sadd.s32 $0x8F2B, s0  }
0xbd: {  	[sflag:s0] =	ssyncadd.remote.s32 $0x1  }
0xbe: {  	_ =	sfence.sel $0xFFFF  }
0xbf: {  	[dreg:$0x0] =	wrdreg $0xFFFFFFFF;
	(pc) =	sbr.abs _section_cstart, $3  }
0xc0: {  	[dreg:$0x1] =	wrdreg $0xFFFFFFFF  }
0xc1: {  	_ =	task.clear_ibuf [dreg:s6], $0x2FFFF;
	_ =	strace $0x9FFFFFFF  }
0xc2: {  	(tm) =	ssettm $0x7FFFFFFF  }
0xc3: {  	_ =	shalt  }
tec
execute0_lowered:
.L_overlay_start_1:
0x0: {  	(tag) =	ssettag $0x1  }
0x1: {  	s0 =	rddreg [dreg:$0x0]  }
0x2: {  	s1 =	rddreg [dreg:$0x1];
	s3 =	simm.s32 $0x0  }
0x3: {  	s15 =	stileid.u32;
	s2 =	srdreg.scid;
	s18 =	simm.s32 $0xC00  }
0x4: {  	s19 =	simm.s32 $0x80;
	s20 =	simm.s32 $0x1000;
	s21 =	simm.s32 $0x2800  }
0x5: {  	s22 =	simm.s32 $0x1;
	s23 =	simm.s32 $0x2;
	s24 =	simm.s32 $0x3  }
0x6: {  	s25 =	simm.s32 $0x0;
	[smem:$0x7FF] =	sst s3;
	s4 =	sadd.s32 $0x2A400, s0  }
0x7: {  	s9 =	smul.u32 $0x7680, s15;
	s2 =	sand.u32 $0x1, s2;
	s11 =	sadd.s32 $0xDD600, s0  }
0x8: {  	s6 =	sshll.u32 s15, $0x1;
	s12 =	sadd.s32 $0xD3600, s0;
	s15 =	smul.u32 $0xA00, s15  }
0x9: {  	_ =	strace $0x8000004A;
	s5 =	smul.u32 $0x76800, s2;
	s6 =	sor.u32 s2, s6  }
0xa: {  	s8 =	ssub.s32 $0x2, s2;
	s2 =	smul.u32 $0x500, s2;
	s7 =	sshrl.u32 s9, $0x3  }
0xb: {  	s10 =	smul.u32 $0x500, s6;
	s26 =	sshrl.u32 s8, $0x1;
	s29 =	sadd.s32 s15, s11  }
0xc: {  	s15 =	sadd.s32 s15, s12;
	s5 =	sadd.s32 s9, s5;
	s13 =	sadd.s32 s7, s0  }
0xd: {  	s14 =	ssub.s32 s8, s26;
	s9 =	sadd.s32 s9, s1;
	s30 =	sadd.s32 s2, s29  }
.Ltmp0:
0xe: {  	s31 =	sadd.s32 s2, s15;
	s15 =	simm.s32 $0x4;
	(pc) =	sbr.rel .LBB2_1-.Ltmp0, $4  }
0xf: {  	s5 =	sshrl.u32 s5, $0x3;
	s6 =	sadd.s32 s12, s10;
	s28 =	sor.u32 $0x80, s10  }
0x10: {  	s0 =	sadd.s32 s5, s0;
	s5 =	sadd.s32 s11, s10;
	s7 =	sadd.s32 s11, s28  }
0x11: {  	s8 =	sadd.s32 s12, s28;
	s10 =	sadd.s32 $0x39200, s13;
	s12 =	smax.u32 s14, $0x1  }
0x12: {  	s13 =	sadd.s32 $0x100, s30;
	s14 =	sadd.s32 $0x100, s31;
	s11 =	sadd.s32 $0x48000, s0  }
.LBB2_3:
0x13: {  	_ =	swait.ge [sflag:s23], $0x1800  }
0x14: {  	[sflag:s23] =	ssyncset.done $0x0  }
0x15: {  	s0 =	sadd.s32 $0x780, s0;
	[sflag:s23] =	ssyncadd.s32 $0xFFFFE800  }
0x16: {  	[spmem:s1] =	stream.indirect.scatter.add.f32 [tilespmem:s21], [sflag:$0x4], $0x30, s0, s19, $0xb8;
	[tilespmem:$0xB680] =	vst v63  }
0x17: {  	_ =	swait.ge [sflag:s15], $0x1800  }
0x18: {  	[sflag:s15] =	ssyncset.done $0x0  }
0x19: {  	[sflag:s15] =	ssyncadd.s32 $0xFFFFE800  }
.LBB2_5:
0x1a: {  	s25 =	sadd.s32 $0x1, s25  }
0x1b: {  	p0 =	sne.s32 s25, s12  }
.Ltmp1:
0x1c: {  	[bflag:$0x0] =	sbarrier.arrive $0xFFFF;
	(pc) =	sbr.rel @!p0 .LBB2_6-.Ltmp1, $4  }
0x1d: {  	[hbm:s11], [sflag:s26] =	dma.local [spmem:s28], $0xED0  }
0x1e: {  	_ =	swait.ge [sflag:s15], $0xED0  }
0x1f: {  	[sflag:s15] =	ssyncset.done $0x0  }
0x20: {  	[sflag:s15] =	ssyncadd.s32 $0xFFFFF130  }
.LBB2_1:
0x21: {  	[tilespmem:s3], [sflag:$0x4] =	stream.linear.gather [hbm4b:s5+s3], $0x400, $0x38;
	[tilespmem:$0xB680] =	vst v63  }
0x22: {  	_ =	swait.ge [sflag:s15], $0x400  }
0x23: {  	[sflag:s15] =	ssyncset.done $0x0  }
0x24: {  	s0 =	simm.s32 $0x400;
	[sflag:s15] =	ssyncadd.s32 $0xFFFFFC00  }
0x25: {  	[tilespmem:s0], [sflag:$0x4] =	stream.linear.gather [hbm4b:s6+s3], $0x400, $0x38;
	[tilespmem:$0xB680] =	vst v63  }
0x26: {  	_ =	swait.ge [sflag:s15], $0x400  }
0x27: {  	[sflag:s15] =	ssyncset.done $0x0  }
0x28: {  	s17 =	simm.s32 $0x800;
	[sflag:s15] =	ssyncadd.s32 $0xFFFFFC00  }
0x29: {  	[tilespmem:s17], [sflag:$0x3] =	stream.linear.gather [hbm4b:s7+s3], $0x400, $0x38;
	[tilespmem:$0xB680] =	vst v63  }
0x2a: {  	s26 =	stileid.u32  }
0x2b: {  	[tilespmem:s18], [sflag:$0x3] =	stream.linear.gather [hbm4b:s8+s3], $0x400, $0x38;
	[tilespmem:$0xB680] =	vst v63  }
0x2c: {  	s0 =	sshll.u32 s26, $0x6  }
0x2d: {  	[tilespmem:s20], [sflag:$0x1] =	stream.indirect.gather [hbm4b:s4+s19], $0x30, s3, s19, $0xb8;
	[tilespmem:$0xB680] =	vst v63  }
0x2e: {  	s28 =	sshrl.u32 s9, $0x3;
	s26 =	sor.u32 $0x1C04, s0  }
0x2f: {  	[tilespmem:s21], [sflag:$0x2] =	stream.indirect.gather [hbm4b:s4+s19], $0x30, s19, s19, $0xb8;
	[tilespmem:$0xB680] =	vst v63  }
0x30: {  	[spmem:s28], [sflag:s26] =	dma.local [hbm:s10], $0xED0  }
0x31: {  	_ =	swait.ge [sflag:s15], $0xED0  }
0x32: {  	[sflag:s15] =	ssyncset.done $0x0  }
0x33: {  	s29 =	simm.s32 $0x0;
	[sflag:s15] =	ssyncadd.s32 $0xFFFFF130  }
0x34: {  	s30 =	simm.s32 $0x0;
	s31 =	simm.s32 $0x0;
	[bflag:$0x0] =	sbarrier.arrive $0xFFFF  }
.LBB2_2:
0x35: {  	_ =	swait.ge [sflag:s22], $0x1800;
	s16 =	sand.u32 $0x2000, s30  }
0x36: {  	[sflag:s22] =	ssyncset.done $0x0;
	s0 =	sshrl.u32 s16, $0x2  }
0x37: {  	[sflag:s22] =	ssyncadd.s32 $0xFFFFE800;
	s2 =	sor.u32 $0x400, s0  }
0x38: {  	[spmem:s1] =	stream.indirect.scatter.add.f32 [tilespmem:s20], [sflag:$0x4], $0x30, s2, s19, $0xb8;
	[tilespmem:$0xB680] =	vst v63  }
0x39: {  	_ =	swait.ge [sflag:s15], $0x1800  }
0x3a: {  	[sflag:s15] =	ssyncset.done $0x0  }
0x3b: {  	s17 =	sor.u32 $0x100, s0;
	[sflag:s15] =	ssyncadd.s32 $0xFFFFE800  }
0x3c: {  	[tilespmem:s20], [sflag:$0x1] =	stream.indirect.gather [hbm4b:s4+s19], $0x30, s17, s19, $0xb8;
	[tilespmem:$0xB680] =	vst v63  }
0x3d: {  	_ =	swait.ge [sflag:s23], $0x1800  }
0x3e: {  	[sflag:s23] =	ssyncset.done $0x0  }
0x3f: {  	s17 =	sor.u32 $0x480, s0;
	[sflag:s23] =	ssyncadd.s32 $0xFFFFE800  }
0x40: {  	[spmem:s1] =	stream.indirect.scatter.add.f32 [tilespmem:s21], [sflag:$0x4], $0x30, s17, s19, $0xb8;
	[tilespmem:$0xB680] =	vst v63  }
0x41: {  	_ =	swait.ge [sflag:s15], $0x1800  }
0x42: {  	[sflag:s15] =	ssyncset.done $0x0  }
0x43: {  	s17 =	sor.u32 $0x180, s0;
	[sflag:s15] =	ssyncadd.s32 $0xFFFFE800  }
0x44: {  	[tilespmem:s21], [sflag:$0x2] =	stream.indirect.gather [hbm4b:s4+s19], $0x30, s17, s19, $0xb8;
	[tilespmem:$0xB680] =	vst v63  }
0x45: {  	_ =	swait.ge [sflag:s22], $0x1800  }
0x46: {  	[sflag:s22] =	ssyncset.done $0x0  }
0x47: {  	s17 =	sor.u32 $0x500, s0;
	[sflag:s22] =	ssyncadd.s32 $0xFFFFE800  }
0x48: {  	[spmem:s1] =	stream.indirect.scatter.add.f32 [tilespmem:s20], [sflag:$0x4], $0x30, s17, s19, $0xb8;
	[tilespmem:$0xB680] =	vst v63  }
0x49: {  	_ =	swait.ge [sflag:s15], $0x1800  }
0x4a: {  	[sflag:s15] =	ssyncset.done $0x0  }
0x4b: {  	s17 =	sor.u32 $0x200, s0;
	[sflag:s15] =	ssyncadd.s32 $0xFFFFE800  }
0x4c: {  	[tilespmem:s20], [sflag:$0x1] =	stream.indirect.gather [hbm4b:s4+s19], $0x30, s17, s19, $0xb8;
	[tilespmem:$0xB680] =	vst v63  }
0x4d: {  	_ =	swait.ge [sflag:s23], $0x1800  }
0x4e: {  	[sflag:s23] =	ssyncset.done $0x0  }
0x4f: {  	s17 =	sor.u32 $0x580, s0;
	[sflag:s23] =	ssyncadd.s32 $0xFFFFE800  }
0x50: {  	[spmem:s1] =	stream.indirect.scatter.add.f32 [tilespmem:s21], [sflag:$0x4], $0x30, s17, s19, $0xb8;
	[tilespmem:$0xB680] =	vst v63  }
0x51: {  	_ =	swait.ge [sflag:s15], $0x1800  }
0x52: {  	[sflag:s15] =	ssyncset.done $0x0  }
0x53: {  	s17 =	sor.u32 $0x280, s0;
	[sflag:s15] =	ssyncadd.s32 $0xFFFFE800  }
0x54: {  	[tilespmem:s21], [sflag:$0x2] =	stream.indirect.gather [hbm4b:s4+s19], $0x30, s17, s19, $0xb8;
	[tilespmem:$0xB680] =	vst v63  }
0x55: {  	_ =	swait.ge [sflag:s22], $0x1800  }
0x56: {  	[sflag:s22] =	ssyncset.done $0x0  }
0x57: {  	s17 =	sor.u32 $0x600, s0;
	[sflag:s22] =	ssyncadd.s32 $0xFFFFE800  }
0x58: {  	[spmem:s1] =	stream.indirect.scatter.add.f32 [tilespmem:s20], [sflag:$0x4], $0x30, s17, s19, $0xb8;
	[tilespmem:$0xB680] =	vst v63  }
0x59: {  	_ =	swait.ge [sflag:s15], $0x1800  }
0x5a: {  	[sflag:s15] =	ssyncset.done $0x0  }
0x5b: {  	s17 =	sor.u32 $0x300, s0;
	[sflag:s15] =	ssyncadd.s32 $0xFFFFE800  }
0x5c: {  	[tilespmem:s20], [sflag:$0x1] =	stream.indirect.gather [hbm4b:s4+s19], $0x30, s17, s19, $0xb8;
	[tilespmem:$0xB680] =	vst v63  }
0x5d: {  	_ =	swait.ge [sflag:s23], $0x1800  }
0x5e: {  	[sflag:s23] =	ssyncset.done $0x0  }
0x5f: {  	s17 =	sor.u32 $0x680, s0;
	[sflag:s23] =	ssyncadd.s32 $0xFFFFE800  }
0x60: {  	[spmem:s1] =	stream.indirect.scatter.add.f32 [tilespmem:s21], [sflag:$0x4], $0x30, s17, s19, $0xb8;
	[tilespmem:$0xB680] =	vst v63  }
0x61: {  	_ =	swait.ge [sflag:s15], $0x1800  }
0x62: {  	[sflag:s15] =	ssyncset.done $0x0  }
0x63: {  	s17 =	sor.u32 $0x380, s0;
	[sflag:s15] =	ssyncadd.s32 $0xFFFFE800  }
0x64: {  	[tilespmem:s21], [sflag:$0x2] =	stream.indirect.gather [hbm4b:s4+s19], $0x30, s17, s19, $0xb8;
	[tilespmem:$0xB680] =	vst v63  }
0x65: {  	_ =	swait.ge [sflag:s22], $0x1800  }
0x66: {  	p0 =	sne.s32 s29, $0x480;
	[sflag:s22] =	ssyncset.done $0x0  }
.Ltmp2:
0x67: {  	s17 =	sor.u32 $0x700, s0;
	[sflag:s22] =	ssyncadd.s32 $0xFFFFE800;
	(pc) =	sbr.rel @!p0 .LBB2_3-.Ltmp2, $4  }
0x68: {  	[spmem:s1] =	stream.indirect.scatter.add.f32 [tilespmem:s20], [sflag:$0x4], $0x30, s17, s19, $0xb8;
	[tilespmem:$0xB680] =	vst v63  }
0x69: {  	_ =	swait.ge [sflag:s15], $0x1800  }
0x6a: {  	[sflag:s15] =	ssyncset.done $0x0  }
0x6b: {  	[sflag:s15] =	ssyncadd.s32 $0xFFFFE800  }
0x6c: {  	_ =	swait.ge [sflag:s24], $0x400  }
0x6d: {  	[sflag:s24] =	ssyncset.done $0x0  }
0x6e: {  	[sflag:s24] =	ssyncadd.s32 $0xFFFFFC00  }
0x6f: {  	_ =	swait.ge [sflag:s24], $0x400  }
0x70: {  	s16 =	sxor.u32 $0x2000, s16;
	[sflag:s24] =	ssyncset.done $0x0  }
0x71: {  	s16 =	sshrl.u32 s16, $0x2;
	[sflag:s24] =	ssyncadd.s32 $0xFFFFFC00  }
0x72: {  	[tilespmem:s20], [sflag:$0x1] =	stream.indirect.gather [hbm4b:s4+s19], $0x30, s16, s19, $0xb8;
	[tilespmem:$0xB680] =	vst v63  }
0x73: {  	_ =	swait.ge [sflag:s23], $0x1800  }
0x74: {  	[sflag:s23] =	ssyncset.done $0x0  }
0x75: {  	s17 =	sadd.s32 $0x780, s0;
	[sflag:s23] =	ssyncadd.s32 $0xFFFFE800  }
0x76: {  	[spmem:s1] =	stream.indirect.scatter.add.f32 [tilespmem:s21], [sflag:$0x4], $0x30, s17, s19, $0xb8;
	[tilespmem:$0xB680] =	vst v63  }
0x77: {  	_ =	swait.ge [sflag:s15], $0x1800  }
0x78: {  	[sflag:s15] =	ssyncset.done $0x0  }
0x79: {  	p0 =	sgt.u32 s31, $0x7;
	s16 =	sadd.s32 $0x80, s16;
	[sflag:s15] =	ssyncadd.s32 $0xFFFFE800  }
0x7a: {  	[tilespmem:s21], [sflag:$0x2] =	stream.indirect.gather [hbm4b:s4+s19], $0x30, s16, s19, $0xb8;
	[tilespmem:$0xB680] =	vst v63  }
0x7b: {  	s17 =	simm.s32 @!p0 $0x0;
	s16 =	sadd.s32 @!p0 s29, s13  }
0x7c: {  	[tilespmem:s0], [sflag:$0x3] =	stream.linear.gather @!p0 [hbm4b:s16+s17], $0x400, $0x38;
	[tilespmem:$0xB680] =	vst v63  }
0x7d: {  	s0 =	sadd.s32 @!p0 s29, s14;
	s29 =	sadd.s32 $0x80, s29  }
0x7e: {  	[tilespmem:s2], [sflag:$0x3] =	stream.linear.gather @!p0 [hbm4b:s0+s17], $0x400, $0x38;
	[tilespmem:$0xB680] =	vst v63  }
0x7f: {  	p0 =	sne.s32 s29, $0x500  }
.Ltmp3:
0x80: {  	_ = 	snop;
	(pc) =	sbr.rel @p0 .LBB2_2-.Ltmp3, $4  }
.Ltmp4:
0x81: {  	_ = 	snop;
	(pc) =	sbr.rel @!p0 .LBB2_5-.Ltmp4, $4  }
0x82: {  	_ = 	snop  }
0x83: {  	_ = 	snop  }
0x84: {  	s31 =	sadd.s32 $0x1, s31;
	s30 =	sadd.s32 $0x2000, s30  }
0x85: {  	_ = 	snop  }
.LBB2_6:
0x86: {  	_ =	sfence.sel $0x180000  }
0x87: {  	[bflag:$0x0] =	sbarrier.arrive $0xFFFF  }
0x88: {  	_ =	strace $0x9000004A  }
0x89: {  	s0 =	stileid.u32;
	[bflag:$0x2] =	sbarrier.arrive $0xFFFF  }
0x8a: {  	p0 =	sne.s32 s0, $0x0;
	s0 =	rddreg [dreg:$0x2]  }
0x8b: {  	s0 =	sadd.s32 @!p0 $0x100000, s0  }
0x8c: {  	[sflag:s0] =	ssyncadd.tile.s32 @!p0 $0x1;
	_ =	shalt  }
.Lfunc_end2:
_tile_overlayer_lowered:
.L_overlay_start_2:
0x8d: {  	(tag) =	ssettag $0x2  }
0x8e: {  	s0 =	rddreg [dreg:$0x0];
	s2 =	stileid.u32  }
0x8f: {  	s1 =	rddreg [dreg:$0x1];
	p0 =	sne.s32 s2, $0x0  }
0x90: {  	s3 =	rddreg [dreg:$0x2];
	[bflag:$0x3] =	sbarrier.arrive $0xFFFF;
	s2 =	simm.s32 @!p0 $0x1C04  }
0x91: {  	[timem:s3], [sflag:s2] =	dma.local @!p0 [hbm:s0], s1  }
0x92: {  	s0 =	simm.s32 @!p0 $0x4  }
0x93: {  	_ =	swait.ge @!p0 [sflag:s0], s1  }
0x94: {  	s1 =	ssub.s32 @!p0 $0x0, s1;
	[sflag:s0] =	ssyncset.done @!p0 $0x0  }
0x95: {  	[sflag:s0] =	ssyncadd.s32 @!p0 s1  }
0x96: {  	[bflag:$0x3] =	sbarrier.arrive $0xFFFF  }
0x97: {  	_ =	shalt  }

// kernel: kernel.7.cloned.1.call-start
scs
__scs_entry_jumppad:
0x0: {  	(pc) =	sbr.rel $0x88, $3  }
0x1: {  	(tag) =	ssettag $0x0;
	lr =	simm.s32 $0x1  }
0x2: {  	[smem:$0x3F99] =	sst lr;
	_ =	strace $0xD0000000  }
0x3: {  	_ = 	snop  }
0x4: {  	_ = 	snop  }
0x5: {  	_ = 	snop  }
0x6: {  	_ = 	snop  }
0x7: {  	_ = 	snop  }
__scs_overlays_trampoline_lowered:
0x8: {  	[smem:$0x3FA8] =	sst s0  }
0x9: {  	[smem:$0x3FA9] =	sst s1  }
0xa: {  	[smem:$0x3FAA] =	sst s2  }
0xb: {  	[smem:$0x3FAB] =	sst s3  }
0xc: {  	[smem:$0x3FAC] =	sst s4  }
0xd: {  	[smem:$0x3FAD] =	sst s5  }
0xe: {  	[smem:$0x3FAE] =	sst s6  }
0xf: {  	[smem:$0x3FAF] =	sst s7  }
0x10: {  	[smem:$0x3FB0] =	sst s8  }
0x11: {  	[smem:$0x3FB1] =	sst s9;
	s0 =	simm.s32 @!p0 $0x0  }
0x12: {  	s1 =	sld [smem:$0x3F97];
	s0 =	simm.s32 @p0 $0x1  }
0x13: {  	[smem:$0x3FB2] =	sst s0;
	s0 =	simm.s32 @!p1 $0x0  }
0x14: {  	s2 =	sld [smem:$0x3F96];
	s0 =	simm.s32 @p1 $0x1  }
0x15: {  	[smem:$0x3FB3] =	sst s0;
	s0 =	simm.s32 @!p2 $0x0  }
0x16: {  	s3 =	sld [smem:$0x3FDB];
	s0 =	simm.s32 @p2 $0x1  }
0x17: {  	s4 =	simm.s32 $0x1BF5;
	[smem:$0x3FB5] =	sst s0  }
0x18: {  	s0 =	sld [smem:$0x3F98];
	_ =	swait.ge [sflag:s4], $0x0  }
0x19: {  	s7 =	sld [smem:$0x3F99]  }
0x1a: {  	s8 =	sadd.s32 $0xFFFFE003, lr  }
0x1b: {  	s9 =	sadd.s32 $0xFFFFFEF7, lr;
	s5 =	simm.s32 $0xFFFFFFFF;
	p2 =	slt.u32 s8, $0xFFFFF086  }
0x1c: {  	p1 =	slt.u32 s9, $0xF7A;
	s5 =	simm.s32 @!p2 $0x0  }
0x1d: {  	s5 =	simm.s32 @p1 $0x1;
	p0 =	seq.s32 s7, s2  }
0x1e: {  	s7 =	smul.u32 @!p0 $0xF7A, s2;
	p2 =	seq.s32 @!p0 s5, $0x0  }
0x1f: {  	s9 =	smul.u32 $0xF7A, s1;
	s8 =	simm.s32 @!p0 $0x1BF5;
	p2 =	por !p2, p0  }
0x20: {  	[sflag:s8] =	ssyncset.s32 @!p0 $0xFFFFF086;
	s6 =	sadd.s32 @!p0 s3, s7;
	s7 =	simm.s32 @!p0 $0x108  }
0x21: {  	s3 =	sadd.s32 s3, s9;
	s6 =	sadd.s32 @!p0 $0x88, s6;
	s7 =	simm.s32 @p2 $0x1082  }
0x22: {  	[simem:s7], [sflag:s8] =	dma.local @!p0 [hbm:s6], $0xF7A  }
0x23: {  	s9 =	sor.u32 $0xD0000000, s2;
	s6 =	simm.s32 $0x108;
	_ =	swait.ge @!p0 [sflag:s8], $0x0  }
0x24: {  	s3 =	sadd.s32 $0x88, s3;
	s6 =	simm.s32 @!p1 $0x1082;
	[sflag:s4] =	ssyncset.s32 $0xFFFFF086  }
0x25: {  	[simem:s6], [sflag:s4] =	dma.local [hbm:s3], $0xF7A  }
0x26: {  	[smem:$0x3F99] =	sst s1;
	(tag) =	ssettag s2;
	_ =	strace s9  }
0x27: {  	s1 =	sld [smem:$0x3FA9]  }
0x28: {  	s2 =	sld [smem:$0x3FAA]  }
0x29: {  	s4 =	sld [smem:$0x3FAC]  }
0x2a: {  	p0 =	seq.s32 s5, $0x0;
	s5 =	sld [smem:$0x3FAD]  }
0x2b: {  	s6 =	sld [smem:$0x3FAE]  }
0x2c: {  	s7 =	sld [smem:$0x3FAF]  }
0x2d: {  	s3 =	simm.s32 $0x108;
	s8 =	sld [smem:$0x3FB0]  }
0x2e: {  	s3 =	simm.s32 @!p0 $0x1082;
	s9 =	sld [smem:$0x3FB1]  }
0x2f: {  	lr =	sadd.s32 s0, s3;
	s0 =	sld [smem:$0x3FA8]  }
0x30: {  	s3 =	sld [smem:$0x3FAB]  }
0x31: {  	[smem:$0x3FB4] =	sst s10  }
0x32: {  	s10 =	sld [smem:$0x3FB2];
	_ =	sdelay $0x3  }
0x33: {  	p0 =	seq.s32 s10, $0x1;
	s10 =	sld [smem:$0x3FB4];
	_ =	sdelay $0x3  }
0x34: {  	[smem:$0x3FB4] =	sst s10  }
0x35: {  	s10 =	sld [smem:$0x3FB3];
	_ =	sdelay $0x3  }
0x36: {  	p1 =	seq.s32 s10, $0x1;
	s10 =	sld [smem:$0x3FB4];
	_ =	sdelay $0x3  }
0x37: {  	[smem:$0x3FB4] =	sst s10  }
0x38: {  	s10 =	sld [smem:$0x3FB5]  }
0x39: {  	_ = 	snop;
	(pc) =	sbr.ind lr, $3  }
0x3a: {  	_ = 	snop  }
0x3b: {  	_ = 	snop  }
0x3c: {  	p2 =	seq.s32 s10, $0x1;
	s10 =	sld [smem:$0x3FB4]  }
0x3d: {  	_ =	shalt  }
0x3e: {  	_ =	shalt  }
0x3f: {  	_ =	shalt  }
0x40: {  	_ =	shalt  }
0x41: {  	_ =	shalt  }
0x42: {  	_ =	shalt  }
0x43: {  	_ =	shalt  }
0x44: {  	_ =	shalt  }
0x45: {  	_ =	shalt  }
0x46: {  	_ =	shalt  }
0x47: {  	_ =	shalt  }
0x48: {  	_ =	shalt  }
0x49: {  	_ =	shalt  }
0x4a: {  	_ =	shalt  }
0x4b: {  	_ =	shalt  }
0x4c: {  	_ =	shalt  }
0x4d: {  	_ =	shalt  }
0x4e: {  	_ =	shalt  }
0x4f: {  	_ =	shalt  }
0x50: {  	_ =	shalt  }
0x51: {  	_ =	shalt  }
0x52: {  	_ =	shalt  }
0x53: {  	_ =	shalt  }
0x54: {  	_ =	shalt  }
0x55: {  	_ =	shalt  }
0x56: {  	_ =	shalt  }
0x57: {  	_ =	shalt  }
0x58: {  	_ =	shalt  }
0x59: {  	_ =	shalt  }
0x5a: {  	_ =	shalt  }
0x5b: {  	_ =	shalt  }
0x5c: {  	_ =	shalt  }
0x5d: {  	_ =	shalt  }
0x5e: {  	_ =	shalt  }
0x5f: {  	_ =	shalt  }
0x60: {  	_ =	shalt  }
0x61: {  	_ =	shalt  }
0x62: {  	_ =	shalt  }
0x63: {  	_ =	shalt  }
0x64: {  	_ =	shalt  }
0x65: {  	_ =	shalt  }
0x66: {  	_ =	shalt  }
0x67: {  	_ =	shalt  }
0x68: {  	_ =	shalt  }
0x69: {  	_ =	shalt  }
0x6a: {  	_ =	shalt  }
0x6b: {  	_ =	shalt  }
0x6c: {  	_ =	shalt  }
0x6d: {  	_ =	shalt  }
0x6e: {  	_ =	shalt  }
0x6f: {  	_ =	shalt  }
0x70: {  	_ =	shalt  }
0x71: {  	_ =	shalt  }
0x72: {  	_ =	shalt  }
0x73: {  	_ =	shalt  }
0x74: {  	_ =	shalt  }
0x75: {  	_ =	shalt  }
0x76: {  	_ =	shalt  }
0x77: {  	_ =	shalt  }
0x78: {  	_ =	shalt  }
0x79: {  	_ =	shalt  }
0x7a: {  	_ =	shalt  }
0x7b: {  	_ =	shalt  }
0x7c: {  	_ =	shalt  }
0x7d: {  	_ =	shalt  }
0x7e: {  	_ =	shalt  }
0x7f: {  	_ =	shalt  }
0x80: {  	_ =	shalt  }
0x81: {  	_ =	shalt  }
0x82: {  	_ =	shalt  }
0x83: {  	_ =	shalt  }
0x84: {  	_ =	shalt  }
0x85: {  	_ =	shalt  }
0x86: {  	_ =	shalt  }
0x87: {  	_ =	shalt  }
.Lfunc_end0:
.L_simem_size_0:
called_computation_lowered:
.L_overlay_start_0:
0x88: {  	s2 =	sld [smem:$0x3FD9]  }
0x89: {  	s3 =	sld [smem:$0x3FFE];
	_ =	sdelay $0x1  }
0x8a: {  	s1 =	srdreg.scid  }
0x8b: {  	s0 =	sand.u32 $0x1, s1  }
0x8c: {  	s17 =	sshll.u32 s0, $0xA;
	s2 =	sadd.s32 s3, s2  }
0x8d: {  	s2 =	sadd.s32 s2, s17  }
0x8e: {  	[smem:$0x3FC0] =	sst s2  }
0x8f: {  	_ = 	snop  }
0x90: {  	s2 =	sld [smem:$0x3FD0];
	(tm) =	ssettm $0x1  }
0x91: {  	s18 =	sld [smem:$0x3FFB];
	_ =	sdelay $0x3  }
0x92: {  	_ =	strace s18  }
0x93: {  	s3 =	sld [smem:$0x3FFC];
	_ =	sdelay $0x3  }
0x94: {  	_ =	strace s3  }
0x95: {  	s3 =	sld [smem:$0x3FFD];
	_ =	sdelay $0x3  }
0x96: {  	_ =	strace s3  }
0x97: {  	_ =	strace $0x8FFFFFFF  }
0x98: {  	s19 =	sld [smem:$0x3FDB];
	_ =	sdelay $0x1  }
0x99: {  	s4 =	simm.s32 $_scs_section_size  }
0x9a: {  	s5 =	simm.s32 $_size__tile_overlayer_lowered;
	s6 =	simm.s32 $_tile_overlayer_lowered  }
0x9b: {  	s22 =	simm.s32 $0x1BFF;
	s21 =	sshll.u32 s6, $0x1;
	s3 =	sadd.s32 s4, s19  }
0x9c: {  	s7 =	simm.s32 $0x0;
	s20 =	sshll.u32 s5, $0x1;
	s5 =	sadd.s32 s21, s3  }
0x9d: {  	[timem:s7], [sflag:s22] =	dma.local [hbm:s5], s20  }
0x9e: {  	_ =	swait.ge [sflag:s22], s20  }
0x9f: {  	s4 =	ssub.s32 $0x0, s20;
	[sflag:s22] =	ssyncset.done $0x0  }
0xa0: {  	[sflag:s22] =	ssyncadd.s32 s4;
	_ =	sdelay $0x1  }
0xa1: {  	s23 =	simm.s32 $0x1B8B  }
0xa2: {  	_ =	swait.ge [sflag:s23], $0x1  }
0xa3: {  	[sflag:s23] =	ssyncset.done $0x0  }
0xa4: {  	s25 =	simm.s32 $0x1B8E;
	s24 =	sld [smem:$0x3FFE];
	[sflag:s23] =	ssyncadd.s32 $0xFFFFFFFF  }
0xa5: {  	s26 =	simm.s32 $execute0_lowered;
	[smem:$0x3FD2] =	sst s25  }
0xa6: {  	s5 =	sshll.u32 s26, $0x1;
	_ =	strace $0x80000046;
	[dreg:$0x1] =	wrdreg $0xFFFFFFFF  }
0xa7: {  	s28 =	simm.s32 $_size_execute0_lowered;
	s3 =	sadd.s32 s3, s5;
	[dreg:$0x0] =	wrdreg $0x0  }
0xa8: {  	s5 =	sshll.u32 s28, $0x1;
	[dreg:$0x2] =	wrdreg s3  }
0xa9: {  	[dreg:$0x3] =	wrdreg s5  }
0xaa: {  	[dreg:$0x4] =	wrdreg $0xC0  }
0xab: {  	_ =	task [dreg:s7], $0x5FFFF  }
0xac: {  	[dreg:$0x1] =	wrdreg $0xFFFFFFFF  }
0xad: {  	[dreg:$0x0] =	wrdreg $0x60  }
0xae: {  	[dreg:$0x2] =	wrdreg s24  }
0xaf: {  	[dreg:$0x3] =	wrdreg s2  }
0xb0: {  	[dreg:$0x4] =	wrdreg $0x90000  }
0xb1: {  	[dreg:$0x5] =	wrdreg $0x1CC800  }
0xb2: {  	[dreg:$0x6] =	wrdreg $0x9  }
0xb3: {  	_ =	task.clear_ibuf [dreg:s7], $0x7FFFF;
	_ =	strace $0x90000046  }
0xb4: {  	s29 =	simm.s32 $0x9;
	_ =	strace $0x80000048  }
0xb5: {  	_ =	swait.ge [sflag:s29], $0x1  }
0xb6: {  	[sflag:s29] =	ssyncadd.s32 $0xFFFFFFFF  }
0xb7: {  	_ =	strace $0x90000048  }
0xb8: {  	_ =	sfence  }
0xb9: {  	s30 =	sld [smem:$0x0];
	_ =	sdelay $0x2  }
0xba: {  	s31 =	sshll.u32 s1, $0xD;
	s1 =	sshrl.u32 s1, $0x2  }
0xbb: {  	s3 =	sand.u32 $0x4000, s31;
	s1 =	sadd.s32 s1, s30  }
0xbc: {  	s0 =	sor.u32 s3, s0;
	s1 =	sshll.u32 s1, $0x11  }
0xbd: {  	s0 =	sor.u32 s1, s0  }
0xbe: {  	s0 =	sadd.s32 $0x8F2B, s0  }
0xbf: {  	[sflag:s0] =	ssyncadd.remote.s32 $0x1  }
0xc0: {  	_ =	sfence.sel $0xFFFF  }
0xc1: {  	[dreg:$0x0] =	wrdreg $0xFFFFFFFF;
	(pc) =	sbr.abs _section_cstart, $3  }
0xc2: {  	[dreg:$0x1] =	wrdreg $0xFFFFFFFF  }
0xc3: {  	_ =	task.clear_ibuf [dreg:s7], $0x2FFFF;
	_ =	strace $0x9FFFFFFF  }
0xc4: {  	(tm) =	ssettm $0x7FFFFFFF  }
0xc5: {  	_ =	shalt  }
tec
execute0_lowered:
.L_overlay_start_1:
0x0: {  	(tag) =	ssettag $0x1  }
0x1: {  	s0 =	rddreg [dreg:$0x0]  }
0x2: {  	s3 =	rddreg [dreg:$0x1]  }
0x3: {  	s1 =	rddreg [dreg:$0x2]  }
0x4: {  	s2 =	rddreg [dreg:$0x3];
	s17 =	stileid.u32;
	s4 =	simm.s32 $0x0  }
0x5: {  	s5 =	srdreg.scid;
	s28 =	simm.s32 $0x4;
	s29 =	simm.s32 $0x0  }
0x6: {  	s6 =	smul.u32 $0x13C00, s17;
	[smem:$0x7FF] =	sst s4;
	s7 =	sand.u32 $0x1, s5  }
0x7: {  	s5 =	sadd.s32 $0x34400, s0;
	s14 =	sadd.s32 $0x2C00, s0;
	s10 =	sadd.s32 $0x83400, s0  }
0x8: {  	s18 =	sshll.u32 s17, $0x1;
	s19 =	sadd.s32 $0x83A00, s0;
	s23 =	smul.u32 $0x4F000, s17  }
0x9: {  	s15 =	smul.u32 $0xA00, s17;
	p0 =	sne.s32 s17, $0x0;
	s17 =	simm.s32 $0x5  }
0xa: {  	_ =	strace $0x80000047;
	s9 =	smul.u32 $0x13C000, s7;
	[dreg:$0x7] =	wrdreg s10  }
0xb: {  	[dreg:$0x8] =	wrdreg s19;
	s20 =	sshll.u32 s7, $0x4;
	s11 =	ssub.s32 $0x2, s7  }
0xc: {  	s8 =	sshrl.u32 s6, $0x3;
	s21 =	sshrl.u32 s11, $0x1;
	s12 =	sshrl.u32 s23, $0x2  }
0xd: {  	s26 =	sadd.s32 s15, s14;
	s23 =	simm.s32 $0x5000;
	s8 =	sadd.s32 s8, s0  }
0xe: {  	s6 =	sadd.s32 s6, s9;
	s9 =	sor.u32 s7, s18;
	s16 =	ssub.s32 s11, s21  }
0xf: {  	s7 =	smul.u32 $0x500, s7;
	s12 =	sadd.s32 s12, s1;
	s21 =	simm.s32 $0x80  }
0x10: {  	s6 =	sshrl.u32 s6, $0x3;
	s9 =	smul.u32 $0x500, s9;
	s13 =	sadd.s32 $0x5BC00, s8  }
0x11: {  	s16 =	smax.u32 s16, $0x1;
	s6 =	sadd.s32 s6, s0;
	s0 =	sadd.s32 s20, s0  }
0x12: {  	s30 =	sadd.s32 s7, s26;
	s26 =	simm.s32 $0x2;
	s22 =	sadd.s32 s3, s9  }
0x13: {  	s24 =	sadd.s32 s14, s9;
	s9 =	sor.u32 $0x80, s9;
	[dreg:$0x9] =	wrdreg s22  }
0x14: {  	s31 =	sadd.s32 $0x100, s30;
	[dreg:$0xa] =	wrdreg s24;
	s25 =	sadd.s32 s3, s9  }
0x15: {  	s11 =	sadd.s32 s14, s9;
	s3 =	sadd.s32 s15, s3;
	s14 =	sadd.s32 $0x83C00, s6  }
0x16: {  	s15 =	sadd.s32 $0xD2C00, s0;
	[dreg:$0x6] =	wrdreg s31;
	s3 =	sadd.s32 s7, s3  }
0x17: {  	s22 =	simm.s32 $0x1000;
	[dreg:$0xb] =	wrdreg s25;
	s3 =	sadd.s32 $0x100, s3  }
0x18: {  	s24 =	simm.s32 $0x1CC00;
	s25 =	simm.s32 $0x1;
	[dreg:$0x5] =	wrdreg s3  }
.LBB2_1:
0x19: {  	s0 =	rddreg [dreg:$0x9]  }
0x1a: {  	[tilespmem:s4], [sflag:$0x5] =	stream.linear.gather [hbm4b:s0+s4], $0x400, $0x38;
	[tilespmem:$0x1CEF8] =	vst v63  }
0x1b: {  	_ =	swait.ge [sflag:s17], $0x400  }
0x1c: {  	[sflag:s17] =	ssyncset.done $0x0  }
0x1d: {  	s3 =	simm.s32 $0x400;
	s6 =	rddreg [dreg:$0xa];
	[sflag:s17] =	ssyncadd.s32 $0xFFFFFC00  }
0x1e: {  	[tilespmem:s3], [sflag:$0x5] =	stream.linear.gather [hbm4b:s6+s4], $0x400, $0x38;
	[tilespmem:$0x1CEF8] =	vst v63  }
0x1f: {  	_ =	swait.ge [sflag:s17], $0x400  }
0x20: {  	[sflag:s17] =	ssyncset.done $0x0  }
0x21: {  	s8 =	simm.s32 $0x800;
	s7 =	rddreg [dreg:$0xb];
	[sflag:s17] =	ssyncadd.s32 $0xFFFFFC00  }
0x22: {  	[tilespmem:s8], [sflag:$0x3] =	stream.linear.gather [hbm4b:s7+s4], $0x400, $0x38;
	[tilespmem:$0x1CEF8] =	vst v63  }
0x23: {  	s9 =	simm.s32 $0xC00;
	s10 =	stileid.u32  }
0x24: {  	[tilespmem:s9], [sflag:$0x3] =	stream.linear.gather [hbm4b:s11+s4], $0x400, $0x38;
	[tilespmem:$0x1CEF8] =	vst v63  }
0x25: {  	s0 =	sshll.u32 s10, $0x6  }
0x26: {  	[tilespmem:s22], [sflag:$0x1] =	stream.indirect.gather [hbm4b:s5+s21], $0x80, s4, s21, $0xb8;
	[tilespmem:$0x1CEF8] =	vst v63  }
0x27: {  	s31 =	sshrl.u32 s12, $0x3;
	s30 =	sor.u32 $0x1C05, s0  }
0x28: {  	[tilespmem:s23], [sflag:$0x2] =	stream.indirect.gather [hbm4b:s5+s21], $0x80, s21, s21, $0xb8;
	[tilespmem:$0x1CEF8] =	vst v63  }
0x29: {  	[spmem:s31], [sflag:s30] =	dma.local [hbm:s13], $0x2780  }
0x2a: {  	_ =	swait.ge [sflag:s17], $0x2780  }
0x2b: {  	[sflag:s17] =	ssyncset.done $0x0  }
0x2c: {  	s18 =	rddreg [dreg:$0x8];
	[sflag:s17] =	ssyncadd.s32 $0xFFFFD880  }
0x2d: {  	[tilespmem:s24], [sflag:$0x5] =	stream.linear.gather [hbm4b:s18+s4], $0x80, $0x38;
	[tilespmem:$0x1CEF8] =	vst v63  }
0x2e: {  	_ =	swait.ge [sflag:s17], $0x80  }
0x2f: {  	[sflag:s17] =	ssyncset.done $0x0  }
0x30: {  	s0 =	sshrl.u32 @!p0 s2, $0x3;
	s3 =	rddreg [dreg:$0x7];
	[sflag:s17] =	ssyncadd.s32 $0xFFFFFF80  }
0x31: {  	[spmem:s0], [sflag:s30] =	dma.local @!p0 [hbm:s3], $0x4F0  }
0x32: {  	s3 =	simm.s32 @!p0 $0x5  }
0x33: {  	_ =	swait.ge @!p0 [sflag:s3], $0x4F0  }
0x34: {  	[sflag:s3] =	ssyncset.done @!p0 $0x0  }
0x35: {  	[sflag:s3] =	ssyncadd.s32 @!p0 $0xFFFFFB10  }
0x36: {  	[bflag:$0x0] =	sbarrier.arrive $0xFFFF  }
0x37: {  	s6 =	sand.u32 $0x1, s4;
	_ =	swait.ge [sflag:s25], $0x4000  }
0x38: {  	s3 =	sshll.u32 s6, $0xB;
	[sflag:s25] =	ssyncset.done $0x0  }
0x39: {  	s18 =	sor.u32 $0x400, s3;
	[sflag:s25] =	ssyncadd.s32 $0xFFFFC000  }
0x3a: {  	[spmem:s1] =	stream.indirect.scatter.add.f32 [tilespmem:s22], [sflag:$0x5], $0x80, s18, s21, $0xb8;
	[tilespmem:$0x1CEF8] =	vst v63  }
0x3b: {  	_ =	swait.ge [sflag:s17], $0x4000  }
0x3c: {  	[sflag:s17] =	ssyncset.done $0x0  }
0x3d: {  	[sflag:s17] =	ssyncadd.s32 $0xFFFFC000  }
0x3e: {  	[spmem:s2] =	stream.indirect.scatter.add.f32 [tilespmem:s24], [sflag:$0x4], $0x1, s18, s21, $0xb8;
	[tilespmem:$0x1CEF8] =	vst v63  }
0x3f: {  	s7 =	sor.u32 $0x100, s3  }
0x40: {  	[tilespmem:s22], [sflag:$0x1] =	stream.indirect.gather [hbm4b:s5+s21], $0x80, s7, s21, $0xb8;
	[tilespmem:$0x1CEF8] =	vst v63  }
0x41: {  	_ =	swait.ge [sflag:s26], $0x4000  }
0x42: {  	[sflag:s26] =	ssyncset.done $0x0  }
0x43: {  	s19 =	sor.u32 $0x480, s3;
	[sflag:s26] =	ssyncadd.s32 $0xFFFFC000  }
0x44: {  	[spmem:s1] =	stream.indirect.scatter.add.f32 [tilespmem:s23], [sflag:$0x5], $0x80, s19, s21, $0xb8;
	[tilespmem:$0x1CEF8] =	vst v63  }
0x45: {  	_ =	swait.ge [sflag:s17], $0x4000  }
0x46: {  	[sflag:s17] =	ssyncset.done $0x0  }
0x47: {  	[sflag:s17] =	ssyncadd.s32 $0xFFFFC000  }
0x48: {  	_ =	swait.ge [sflag:s28], $0x80  }
0x49: {  	[sflag:s28] =	ssyncset.done $0x0  }
0x4a: {  	[sflag:s28] =	ssyncadd.s32 $0xFFFFFF80  }
0x4b: {  	[spmem:s2] =	stream.indirect.scatter.add.f32 [tilespmem:s24], [sflag:$0x4], $0x1, s19, s21, $0xb8;
	[tilespmem:$0x1CEF8] =	vst v63  }
0x4c: {  	s20 =	sor.u32 $0x180, s3  }
0x4d: {  	[tilespmem:s23], [sflag:$0x2] =	stream.indirect.gather [hbm4b:s5+s21], $0x80, s20, s21, $0xb8;
	[tilespmem:$0x1CEF8] =	vst v63  }
0x4e: {  	_ =	swait.ge [sflag:s25], $0x4000  }
0x4f: {  	[sflag:s25] =	ssyncset.done $0x0  }
0x50: {  	s8 =	sor.u32 $0x500, s3;
	[sflag:s25] =	ssyncadd.s32 $0xFFFFC000  }
0x51: {  	[spmem:s1] =	stream.indirect.scatter.add.f32 [tilespmem:s22], [sflag:$0x5], $0x80, s8, s21, $0xb8;
	[tilespmem:$0x1CEF8] =	vst v63  }
0x52: {  	_ =	swait.ge [sflag:s17], $0x4000  }
0x53: {  	[sflag:s17] =	ssyncset.done $0x0  }
0x54: {  	[sflag:s17] =	ssyncadd.s32 $0xFFFFC000  }
0x55: {  	_ =	swait.ge [sflag:s28], $0x80  }
0x56: {  	[sflag:s28] =	ssyncset.done $0x0  }
0x57: {  	[sflag:s28] =	ssyncadd.s32 $0xFFFFFF80  }
0x58: {  	[spmem:s2] =	stream.indirect.scatter.add.f32 [tilespmem:s24], [sflag:$0x4], $0x1, s8, s21, $0xb8;
	[tilespmem:$0x1CEF8] =	vst v63  }
0x59: {  	s9 =	sor.u32 $0x200, s3  }
0x5a: {  	[tilespmem:s22], [sflag:$0x1] =	stream.indirect.gather [hbm4b:s5+s21], $0x80, s9, s21, $0xb8;
	[tilespmem:$0x1CEF8] =	vst v63  }
0x5b: {  	_ =	swait.ge [sflag:s26], $0x4000  }
0x5c: {  	[sflag:s26] =	ssyncset.done $0x0  }
0x5d: {  	s10 =	sor.u32 $0x580, s3;
	[sflag:s26] =	ssyncadd.s32 $0xFFFFC000  }
0x5e: {  	[spmem:s1] =	stream.indirect.scatter.add.f32 [tilespmem:s23], [sflag:$0x5], $0x80, s10, s21, $0xb8;
	[tilespmem:$0x1CEF8] =	vst v63  }
0x5f: {  	_ =	swait.ge [sflag:s17], $0x4000  }
0x60: {  	[sflag:s17] =	ssyncset.done $0x0  }
0x61: {  	[sflag:s17] =	ssyncadd.s32 $0xFFFFC000  }
0x62: {  	_ =	swait.ge [sflag:s28], $0x80  }
0x63: {  	[sflag:s28] =	ssyncset.done $0x0  }
0x64: {  	[sflag:s28] =	ssyncadd.s32 $0xFFFFFF80  }
0x65: {  	[spmem:s2] =	stream.indirect.scatter.add.f32 [tilespmem:s24], [sflag:$0x4], $0x1, s10, s21, $0xb8;
	[tilespmem:$0x1CEF8] =	vst v63  }
0x66: {  	s19 =	sor.u32 $0x280, s3  }
0x67: {  	[tilespmem:s23], [sflag:$0x2] =	stream.indirect.gather [hbm4b:s5+s21], $0x80, s19, s21, $0xb8;
	[tilespmem:$0x1CEF8] =	vst v63  }
0x68: {  	_ =	swait.ge [sflag:s25], $0x4000  }
0x69: {  	[sflag:s25] =	ssyncset.done $0x0  }
0x6a: {  	s20 =	sor.u32 $0x600, s3;
	[sflag:s25] =	ssyncadd.s32 $0xFFFFC000  }
0x6b: {  	[spmem:s1] =	stream.indirect.scatter.add.f32 [tilespmem:s22], [sflag:$0x5], $0x80, s20, s21, $0xb8;
	[tilespmem:$0x1CEF8] =	vst v63  }
0x6c: {  	_ =	swait.ge [sflag:s17], $0x4000  }
0x6d: {  	[sflag:s17] =	ssyncset.done $0x0  }
0x6e: {  	[sflag:s17] =	ssyncadd.s32 $0xFFFFC000  }
0x6f: {  	_ =	swait.ge [sflag:s28], $0x80  }
0x70: {  	[sflag:s28] =	ssyncset.done $0x0  }
0x71: {  	[sflag:s28] =	ssyncadd.s32 $0xFFFFFF80  }
0x72: {  	[spmem:s2] =	stream.indirect.scatter.add.f32 [tilespmem:s24], [sflag:$0x4], $0x1, s20, s21, $0xb8;
	[tilespmem:$0x1CEF8] =	vst v63  }
0x73: {  	s8 =	sor.u32 $0x300, s3  }
0x74: {  	[tilespmem:s22], [sflag:$0x1] =	stream.indirect.gather [hbm4b:s5+s21], $0x80, s8, s21, $0xb8;
	[tilespmem:$0x1CEF8] =	vst v63  }
0x75: {  	_ =	swait.ge [sflag:s26], $0x4000  }
0x76: {  	[sflag:s26] =	ssyncset.done $0x0  }
0x77: {  	s9 =	sor.u32 $0x680, s3;
	[sflag:s26] =	ssyncadd.s32 $0xFFFFC000  }
0x78: {  	[spmem:s1] =	stream.indirect.scatter.add.f32 [tilespmem:s23], [sflag:$0x5], $0x80, s9, s21, $0xb8;
	[tilespmem:$0x1CEF8] =	vst v63  }
0x79: {  	_ =	swait.ge [sflag:s17], $0x4000  }
0x7a: {  	[sflag:s17] =	ssyncset.done $0x0  }
0x7b: {  	[sflag:s17] =	ssyncadd.s32 $0xFFFFC000  }
0x7c: {  	_ =	swait.ge [sflag:s28], $0x80  }
0x7d: {  	[sflag:s28] =	ssyncset.done $0x0  }
0x7e: {  	[sflag:s28] =	ssyncadd.s32 $0xFFFFFF80  }
0x7f: {  	[spmem:s2] =	stream.indirect.scatter.add.f32 [tilespmem:s24], [sflag:$0x4], $0x1, s9, s21, $0xb8;
	[tilespmem:$0x1CEF8] =	vst v63  }
0x80: {  	s10 =	sor.u32 $0x380, s3  }
0x81: {  	[tilespmem:s23], [sflag:$0x2] =	stream.indirect.gather [hbm4b:s5+s21], $0x80, s10, s21, $0xb8;
	[tilespmem:$0x1CEF8] =	vst v63  }
0x82: {  	_ =	swait.ge [sflag:s25], $0x4000  }
0x83: {  	[sflag:s25] =	ssyncset.done $0x0  }
0x84: {  	s19 =	sor.u32 $0x700, s3;
	[sflag:s25] =	ssyncadd.s32 $0xFFFFC000  }
0x85: {  	[spmem:s1] =	stream.indirect.scatter.add.f32 [tilespmem:s22], [sflag:$0x5], $0x80, s19, s21, $0xb8;
	[tilespmem:$0x1CEF8] =	vst v63  }
0x86: {  	_ =	swait.ge [sflag:s17], $0x4000  }
0x87: {  	[sflag:s17] =	ssyncset.done $0x0  }
0x88: {  	[sflag:s17] =	ssyncadd.s32 $0xFFFFC000  }
0x89: {  	_ =	swait.ge [sflag:s28], $0x80  }
0x8a: {  	p1 =	por $0x0, $0x0;
	[sflag:s28] =	ssyncset.done $0x0  }
0x8b: {  	s8 =	simm.s32 @!p1 $0x3;
	[sflag:s28] =	ssyncadd.s32 $0xFFFFFF80  }
0x8c: {  	[spmem:s2] =	stream.indirect.scatter.add.f32 [tilespmem:s24], [sflag:$0x4], $0x1, s19, s21, $0xb8;
	[tilespmem:$0x1CEF8] =	vst v63  }
0x8d: {  	_ =	swait.ge @!p1 [sflag:s8], $0x400  }
0x8e: {  	[sflag:s8] =	ssyncset.done @!p1 $0x0  }
0x8f: {  	[sflag:s8] =	ssyncadd.s32 @!p1 $0xFFFFFC00  }
0x90: {  	s6 =	sxor.u32 $0x1, s6;
	_ =	swait.ge @!p1 [sflag:s8], $0x400  }
0x91: {  	s6 =	sshll.u32 @!p1 s6, $0xB;
	[sflag:s8] =	ssyncset.done @!p1 $0x0  }
0x92: {  	s7 =	simm.s32 @!p1 $0x1000;
	s9 =	simm.s32 @!p1 $0x80;
	[sflag:s8] =	ssyncadd.s32 @!p1 $0xFFFFFC00  }
0x93: {  	[tilespmem:s7], [sflag:$0x1] =	stream.indirect.gather @!p1 [hbm4b:s5+s9], $0x80, s6, s9, $0xb8;
	[tilespmem:$0x1CEF8] =	vst v63  }
0x94: {  	_ =	swait.ge [sflag:s26], $0x4000  }
0x95: {  	[sflag:s26] =	ssyncset.done $0x0  }
0x96: {  	s20 =	sadd.s32 $0x780, s3;
	[sflag:s26] =	ssyncadd.s32 $0xFFFFC000  }
0x97: {  	[spmem:s1] =	stream.indirect.scatter.add.f32 [tilespmem:s23], [sflag:$0x5], $0x80, s20, s21, $0xb8;
	[tilespmem:$0x1CEF8] =	vst v63  }
0x98: {  	_ =	swait.ge [sflag:s17], $0x4000  }
0x99: {  	[sflag:s17] =	ssyncset.done $0x0  }
0x9a: {  	[sflag:s17] =	ssyncadd.s32 $0xFFFFC000  }
0x9b: {  	_ =	swait.ge [sflag:s28], $0x80  }
0x9c: {  	[sflag:s28] =	ssyncset.done $0x0  }
0x9d: {  	[sflag:s28] =	ssyncadd.s32 $0xFFFFFF80  }
0x9e: {  	[spmem:s2] =	stream.indirect.scatter.add.f32 [tilespmem:s24], [sflag:$0x4], $0x1, s20, s21, $0xb8;
	[tilespmem:$0x1CEF8] =	vst v63  }
0x9f: {  	s6 =	sor.u32 @!p1 $0x80, s6;
	s7 =	simm.s32 @!p1 $0x5000  }
0xa0: {  	[tilespmem:s7], [sflag:$0x2] =	stream.indirect.gather @!p1 [hbm4b:s5+s9], $0x80, s6, s9, $0xb8;
	[tilespmem:$0x1CEF8] =	vst v63  }
0xa1: {  	p2 =	por $0x0, $0x0;
	_ =	swait.ge [sflag:s28], $0x80  }
0xa2: {  	s19 =	simm.s32 $0x80;
	s6 =	rddreg [dreg:$0x5];
	[sflag:s28] =	ssyncset.done $0x0  }
0xa3: {  	s8 =	simm.s32 @!p2 $0x0;
	[sflag:s28] =	ssyncadd.s32 $0xFFFFFF80;
	s6 =	sadd.s32 @!p2 $0x0, s6  }
0xa4: {  	[tilespmem:s3], [sflag:$0x3] =	stream.linear.gather @!p2 [hbm4b:s6+s8], $0x400, $0x38;
	[tilespmem:$0x1CEF8] =	vst v63  }
0xa5: {  	s20 =	simm.s32 $0x1;
	s9 =	rddreg [dreg:$0x6];
	s3 =	simm.s32 $0x0  }
.LBB2_2:
0xa6: {  	s6 =	sadd.s32 @!p2 s3, s9  }
0xa7: {  	[tilespmem:s18], [sflag:$0x3] =	stream.linear.gather @!p2 [hbm4b:s6+s8], $0x400, $0x38;
	[tilespmem:$0x1CEF8] =	vst v63  }
0xa8: {  	s7 =	sand.u32 $0x1, s20;
	_ =	swait.ge [sflag:s25], $0x4000  }
0xa9: {  	s6 =	sshll.u32 s7, $0xB;
	[sflag:s25] =	ssyncset.done $0x0  }
0xaa: {  	s18 =	sor.u32 $0x400, s6;
	[sflag:s25] =	ssyncadd.s32 $0xFFFFC000  }
0xab: {  	[spmem:s1] =	stream.indirect.scatter.add.f32 [tilespmem:s22], [sflag:$0x5], $0x80, s18, s21, $0xb8;
	[tilespmem:$0x1CEF8] =	vst v63  }
0xac: {  	_ =	swait.ge [sflag:s17], $0x4000  }
0xad: {  	[sflag:s17] =	ssyncset.done $0x0  }
0xae: {  	[sflag:s17] =	ssyncadd.s32 $0xFFFFC000  }
0xaf: {  	[spmem:s2] =	stream.indirect.scatter.add.f32 [tilespmem:s24], [sflag:$0x4], $0x1, s18, s21, $0xb8;
	[tilespmem:$0x1CEF8] =	vst v63  }
0xb0: {  	s9 =	sor.u32 $0x100, s6  }
0xb1: {  	[tilespmem:s22], [sflag:$0x1] =	stream.indirect.gather [hbm4b:s5+s21], $0x80, s9, s21, $0xb8;
	[tilespmem:$0x1CEF8] =	vst v63  }
0xb2: {  	_ =	swait.ge [sflag:s26], $0x4000  }
0xb3: {  	[sflag:s26] =	ssyncset.done $0x0  }
0xb4: {  	s10 =	sor.u32 $0x480, s6;
	[sflag:s26] =	ssyncadd.s32 $0xFFFFC000  }
0xb5: {  	[spmem:s1] =	stream.indirect.scatter.add.f32 [tilespmem:s23], [sflag:$0x5], $0x80, s10, s21, $0xb8;
	[tilespmem:$0x1CEF8] =	vst v63  }
0xb6: {  	_ =	swait.ge [sflag:s17], $0x4000  }
0xb7: {  	[sflag:s17] =	ssyncset.done $0x0  }
0xb8: {  	[sflag:s17] =	ssyncadd.s32 $0xFFFFC000  }
0xb9: {  	_ =	swait.ge [sflag:s28], $0x80  }
0xba: {  	[sflag:s28] =	ssyncset.done $0x0  }
0xbb: {  	[sflag:s28] =	ssyncadd.s32 $0xFFFFFF80  }
0xbc: {  	[spmem:s2] =	stream.indirect.scatter.add.f32 [tilespmem:s24], [sflag:$0x4], $0x1, s10, s21, $0xb8;
	[tilespmem:$0x1CEF8] =	vst v63  }
0xbd: {  	s9 =	sor.u32 $0x180, s6  }
0xbe: {  	[tilespmem:s23], [sflag:$0x2] =	stream.indirect.gather [hbm4b:s5+s21], $0x80, s9, s21, $0xb8;
	[tilespmem:$0x1CEF8] =	vst v63  }
0xbf: {  	_ =	swait.ge [sflag:s25], $0x4000  }
0xc0: {  	[sflag:s25] =	ssyncset.done $0x0  }
0xc1: {  	s10 =	sor.u32 $0x500, s6;
	[sflag:s25] =	ssyncadd.s32 $0xFFFFC000  }
0xc2: {  	[spmem:s1] =	stream.indirect.scatter.add.f32 [tilespmem:s22], [sflag:$0x5], $0x80, s10, s21, $0xb8;
	[tilespmem:$0x1CEF8] =	vst v63  }
0xc3: {  	_ =	swait.ge [sflag:s17], $0x4000  }
0xc4: {  	[sflag:s17] =	ssyncset.done $0x0  }
0xc5: {  	[sflag:s17] =	ssyncadd.s32 $0xFFFFC000  }
0xc6: {  	_ =	swait.ge [sflag:s28], $0x80  }
0xc7: {  	[sflag:s28] =	ssyncset.done $0x0  }
0xc8: {  	[sflag:s28] =	ssyncadd.s32 $0xFFFFFF80  }
0xc9: {  	[spmem:s2] =	stream.indirect.scatter.add.f32 [tilespmem:s24], [sflag:$0x4], $0x1, s10, s21, $0xb8;
	[tilespmem:$0x1CEF8] =	vst v63  }
0xca: {  	s9 =	sor.u32 $0x200, s6  }
0xcb: {  	[tilespmem:s22], [sflag:$0x1] =	stream.indirect.gather [hbm4b:s5+s21], $0x80, s9, s21, $0xb8;
	[tilespmem:$0x1CEF8] =	vst v63  }
0xcc: {  	_ =	swait.ge [sflag:s26], $0x4000  }
0xcd: {  	[sflag:s26] =	ssyncset.done $0x0  }
0xce: {  	s10 =	sor.u32 $0x580, s6;
	[sflag:s26] =	ssyncadd.s32 $0xFFFFC000  }
0xcf: {  	[spmem:s1] =	stream.indirect.scatter.add.f32 [tilespmem:s23], [sflag:$0x5], $0x80, s10, s21, $0xb8;
	[tilespmem:$0x1CEF8] =	vst v63  }
0xd0: {  	_ =	swait.ge [sflag:s17], $0x4000  }
0xd1: {  	[sflag:s17] =	ssyncset.done $0x0  }
0xd2: {  	[sflag:s17] =	ssyncadd.s32 $0xFFFFC000  }
0xd3: {  	_ =	swait.ge [sflag:s28], $0x80  }
0xd4: {  	[sflag:s28] =	ssyncset.done $0x0  }
0xd5: {  	[sflag:s28] =	ssyncadd.s32 $0xFFFFFF80  }
0xd6: {  	[spmem:s2] =	stream.indirect.scatter.add.f32 [tilespmem:s24], [sflag:$0x4], $0x1, s10, s21, $0xb8;
	[tilespmem:$0x1CEF8] =	vst v63  }
0xd7: {  	s9 =	sor.u32 $0x280, s6  }
0xd8: {  	[tilespmem:s23], [sflag:$0x2] =	stream.indirect.gather [hbm4b:s5+s21], $0x80, s9, s21, $0xb8;
	[tilespmem:$0x1CEF8] =	vst v63  }
0xd9: {  	_ =	swait.ge [sflag:s25], $0x4000  }
0xda: {  	[sflag:s25] =	ssyncset.done $0x0  }
0xdb: {  	s10 =	sor.u32 $0x600, s6;
	[sflag:s25] =	ssyncadd.s32 $0xFFFFC000  }
0xdc: {  	[spmem:s1] =	stream.indirect.scatter.add.f32 [tilespmem:s22], [sflag:$0x5], $0x80, s10, s21, $0xb8;
	[tilespmem:$0x1CEF8] =	vst v63  }
0xdd: {  	_ =	swait.ge [sflag:s17], $0x4000  }
0xde: {  	[sflag:s17] =	ssyncset.done $0x0  }
0xdf: {  	[sflag:s17] =	ssyncadd.s32 $0xFFFFC000  }
0xe0: {  	_ =	swait.ge [sflag:s28], $0x80  }
0xe1: {  	[sflag:s28] =	ssyncset.done $0x0  }
0xe2: {  	[sflag:s28] =	ssyncadd.s32 $0xFFFFFF80  }
0xe3: {  	[spmem:s2] =	stream.indirect.scatter.add.f32 [tilespmem:s24], [sflag:$0x4], $0x1, s10, s21, $0xb8;
	[tilespmem:$0x1CEF8] =	vst v63  }
0xe4: {  	s9 =	sor.u32 $0x300, s6  }
0xe5: {  	[tilespmem:s22], [sflag:$0x1] =	stream.indirect.gather [hbm4b:s5+s21], $0x80, s9, s21, $0xb8;
	[tilespmem:$0x1CEF8] =	vst v63  }
0xe6: {  	_ =	swait.ge [sflag:s26], $0x4000  }
0xe7: {  	[sflag:s26] =	ssyncset.done $0x0  }
0xe8: {  	s10 =	sor.u32 $0x680, s6;
	[sflag:s26] =	ssyncadd.s32 $0xFFFFC000  }
0xe9: {  	[spmem:s1] =	stream.indirect.scatter.add.f32 [tilespmem:s23], [sflag:$0x5], $0x80, s10, s21, $0xb8;
	[tilespmem:$0x1CEF8] =	vst v63  }
0xea: {  	_ =	swait.ge [sflag:s17], $0x4000  }
0xeb: {  	[sflag:s17] =	ssyncset.done $0x0  }
0xec: {  	[sflag:s17] =	ssyncadd.s32 $0xFFFFC000  }
0xed: {  	_ =	swait.ge [sflag:s28], $0x80  }
0xee: {  	[sflag:s28] =	ssyncset.done $0x0  }
0xef: {  	[sflag:s28] =	ssyncadd.s32 $0xFFFFFF80  }
0xf0: {  	[spmem:s2] =	stream.indirect.scatter.add.f32 [tilespmem:s24], [sflag:$0x4], $0x1, s10, s21, $0xb8;
	[tilespmem:$0x1CEF8] =	vst v63  }
0xf1: {  	s9 =	sor.u32 $0x380, s6  }
0xf2: {  	[tilespmem:s23], [sflag:$0x2] =	stream.indirect.gather [hbm4b:s5+s21], $0x80, s9, s21, $0xb8;
	[tilespmem:$0x1CEF8] =	vst v63  }
0xf3: {  	_ =	swait.ge [sflag:s25], $0x4000  }
0xf4: {  	[sflag:s25] =	ssyncset.done $0x0  }
0xf5: {  	s10 =	sor.u32 $0x700, s6;
	[sflag:s25] =	ssyncadd.s32 $0xFFFFC000  }
0xf6: {  	[spmem:s1] =	stream.indirect.scatter.add.f32 [tilespmem:s22], [sflag:$0x5], $0x80, s10, s21, $0xb8;
	[tilespmem:$0x1CEF8] =	vst v63  }
0xf7: {  	_ =	swait.ge [sflag:s17], $0x4000  }
0xf8: {  	[sflag:s17] =	ssyncset.done $0x0  }
0xf9: {  	[sflag:s17] =	ssyncadd.s32 $0xFFFFC000  }
0xfa: {  	s3 =	smov.u32 s19;
	_ =	swait.ge [sflag:s28], $0x80  }
0xfb: {  	p2 =	seq.s32 s3, $0x480;
	[sflag:s28] =	ssyncset.done $0x0  }
0xfc: {  	s9 =	simm.s32 @!p2 $0x3;
	[sflag:s28] =	ssyncadd.s32 $0xFFFFFF80  }
0xfd: {  	[spmem:s2] =	stream.indirect.scatter.add.f32 [tilespmem:s24], [sflag:$0x4], $0x1, s10, s21, $0xb8;
	[tilespmem:$0x1CEF8] =	vst v63  }
0xfe: {  	_ =	swait.ge @!p2 [sflag:s9], $0x400  }
0xff: {  	[sflag:s9] =	ssyncset.done @!p2 $0x0  }
0x100: {  	[sflag:s9] =	ssyncadd.s32 @!p2 $0xFFFFFC00  }
0x101: {  	_ =	swait.ge @!p2 [sflag:s9], $0x400  }
0x102: {  	s7 =	sxor.u32 $0x1, s7;
	s8 =	simm.s32 @!p2 $0x1000;
	[sflag:s9] =	ssyncset.done @!p2 $0x0  }
0x103: {  	s7 =	sshll.u32 @!p2 s7, $0xB;
	s10 =	simm.s32 @!p2 $0x80;
	[sflag:s9] =	ssyncadd.s32 @!p2 $0xFFFFFC00  }
0x104: {  	[tilespmem:s8], [sflag:$0x1] =	stream.indirect.gather @!p2 [hbm4b:s5+s10], $0x80, s7, s10, $0xb8;
	[tilespmem:$0x1CEF8] =	vst v63  }
0x105: {  	_ =	swait.ge [sflag:s26], $0x4000  }
0x106: {  	[sflag:s26] =	ssyncset.done $0x0  }
0x107: {  	s9 =	sor.u32 @!p2 $0x80, s7;
	s7 =	sadd.s32 $0x780, s6;
	[sflag:s26] =	ssyncadd.s32 $0xFFFFC000  }
0x108: {  	[spmem:s1] =	stream.indirect.scatter.add.f32 [tilespmem:s23], [sflag:$0x5], $0x80, s7, s21, $0xb8;
	[tilespmem:$0x1CEF8] =	vst v63  }
0x109: {  	_ =	swait.ge [sflag:s17], $0x4000  }
0x10a: {  	[sflag:s17] =	ssyncset.done $0x0  }
0x10b: {  	[sflag:s17] =	ssyncadd.s32 $0xFFFFC000  }
0x10c: {  	_ =	swait.ge [sflag:s28], $0x80  }
0x10d: {  	[sflag:s28] =	ssyncset.done $0x0  }
0x10e: {  	s19 =	sadd.s32 $0x80, s19;
	[sflag:s28] =	ssyncadd.s32 $0xFFFFFF80  }
0x10f: {  	[spmem:s2] =	stream.indirect.scatter.add.f32 [tilespmem:s24], [sflag:$0x4], $0x1, s7, s21, $0xb8;
	[tilespmem:$0x1CEF8] =	vst v63  }
0x110: {  	p1 =	sne.s32 s19, $0x500;
	s8 =	simm.s32 @!p2 $0x5000  }
0x111: {  	[tilespmem:s8], [sflag:$0x2] =	stream.indirect.gather @!p2 [hbm4b:s5+s10], $0x80, s9, s10, $0xb8;
	[tilespmem:$0x1CEF8] =	vst v63  }
.Ltmp0:
0x112: {  	_ = 	snop;
	(pc) =	sbr.rel @p1 .LBB2_2-.Ltmp0, $4  }
0x113: {  	p2 =	sgt.u32 s20, $0x7;
	s20 =	sadd.s32 $0x1, s20;
	_ =	swait.ge [sflag:s28], $0x80  }
0x114: {  	s8 =	simm.s32 @!p2 $0x0;
	[sflag:s28] =	ssyncset.done $0x0;
	s7 =	rddreg [dreg:$0x5]  }
0x115: {  	s9 =	rddreg [dreg:$0x6];
	[sflag:s28] =	ssyncadd.s32 $0xFFFFFF80;
	s7 =	sadd.s32 @!p2 s3, s7  }
0x116: {  	[tilespmem:s6], [sflag:$0x3] =	stream.linear.gather @!p2 [hbm4b:s7+s8], $0x400, $0x38;
	[tilespmem:$0x1CEF8] =	vst v63  }
0x117: {  	s3 =	sadd.s32 @!p2 s3, s9  }
0x118: {  	[tilespmem:s18], [sflag:$0x3] =	stream.linear.gather @!p2 [hbm4b:s3+s8], $0x400, $0x38;
	[tilespmem:$0x1CEF8] =	vst v63  }
0x119: {  	[bflag:$0x0] =	sbarrier.arrive $0xFFFF  }
0x11a: {  	[hbm:s14], [sflag:s30] =	dma.local [spmem:s31], $0x2780  }
0x11b: {  	s6 =	simm.s32 @!p0 $0x20;
	_ =	swait.ge [sflag:s17], $0x2780  }
0x11c: {  	s7 =	simm.s32 @!p0 $0x10;
	s29 =	sadd.s32 $0x1, s29;
	[sflag:s17] =	ssyncset.done $0x0  }
0x11d: {  	s3 =	simm.s32 @!p0 $0x1;
	p1 =	sne.s32 s29, s16;
	[sflag:s17] =	ssyncadd.s32 $0xFFFFD880  }
0x11e: {  	[hbm:s15@s6], [sflag:s30] =	dma.strided @!p0 [spmem:s0@s7], $0x4F0, s3, $0x10   }
.Ltmp1:
0x11f: {  	_ = 	snop;
	(pc) =	sbr.rel @p1 .LBB2_1-.Ltmp1, $4  }
0x120: {  	s0 =	simm.s32 @!p0 $0x5  }
0x121: {  	_ =	swait.ge @!p0 [sflag:s0], $0x4F0  }
0x122: {  	[sflag:s0] =	ssyncset.done @!p0 $0x0  }
0x123: {  	[sflag:s0] =	ssyncadd.s32 @!p0 $0xFFFFFB10  }
0x124: {  	_ =	sfence.sel $0x180000  }
0x125: {  	[bflag:$0x0] =	sbarrier.arrive $0xFFFF  }
0x126: {  	_ =	strace $0x90000047  }
0x127: {  	[bflag:$0x2] =	sbarrier.arrive $0xFFFF  }
0x128: {  	s0 =	rddreg [dreg:$0x4]  }
0x129: {  	s0 =	sadd.s32 @!p0 $0x100000, s0  }
0x12a: {  	[sflag:s0] =	ssyncadd.tile.s32 @!p0 $0x1;
	_ =	shalt  }
.Lfunc_end2:
_tile_overlayer_lowered:
.L_overlay_start_2:
0x12b: {  	(tag) =	ssettag $0x2  }
0x12c: {  	s0 =	rddreg [dreg:$0x0];
	s2 =	stileid.u32  }
0x12d: {  	s1 =	rddreg [dreg:$0x1];
	p0 =	sne.s32 s2, $0x0  }
0x12e: {  	s3 =	rddreg [dreg:$0x2];
	[bflag:$0x3] =	sbarrier.arrive $0xFFFF;
	s2 =	simm.s32 @!p0 $0x1C05  }
0x12f: {  	[timem:s3], [sflag:s2] =	dma.local @!p0 [hbm:s0], s1  }
0x130: {  	s0 =	simm.s32 @!p0 $0x5  }
0x131: {  	_ =	swait.ge @!p0 [sflag:s0], s1  }
0x132: {  	s1 =	ssub.s32 @!p0 $0x0, s1;
	[sflag:s0] =	ssyncset.done @!p0 $0x0  }
0x133: {  	[sflag:s0] =	ssyncadd.s32 @!p0 s1  }
0x134: {  	[bflag:$0x3] =	sbarrier.arrive $0xFFFF  }
0x135: {  	_ =	shalt  }

</sc_bundles>
